<compile_context>
chip_gen: v7x
topology: tpu7x:2x2x1
jax: 0.10.2.dev20260603
libtpu: 0.0.44.dev20260713+nightly
codegen_flags: <defaults>
</compile_context>

<pallas_src>
import functools

import jax
import jax.numpy as jnp
from jax import lax
from jax.experimental import pallas as pl
from jax.experimental.pallas import tpu as pltpu
from jax.experimental.pallas import tpu_sc as plsc

N = 10000
E = 320000
D_IN = 128
D_OUT = 128
D_HID = 256
SLOPE = 0.01

N_PAD = 10240
E_PAD = 327680

NUM_CORES = 2
NUM_SUBCORES = 16
NUM_TILES = NUM_CORES * NUM_SUBCORES
CHUNK = 128
CHUNKS_PER_TILE = E_PAD // CHUNK // NUM_TILES
ROWS_PER_TILE = N_PAD // NUM_SUBCORES
ZBLK = 128
BLK = 8
NBLK = CHUNKS_PER_TILE // BLK


def _sc_segment_sum(table, comb, zeros_blk, zeros_row, with_counts):
  mesh = plsc.VectorSubcoreMesh(core_axis_name="c", subcore_axis_name="s")
  f32 = jnp.float32

  out_type = [jax.ShapeDtypeStruct((NUM_CORES, N_PAD, D_IN), f32)]
  scratch = [
      pltpu.VMEM((2, BLK, 2, CHUNK), jnp.int32),
      pltpu.VMEM((CHUNK, D_IN), f32),
      pltpu.VMEM((CHUNK, D_IN), f32),
      pltpu.VMEM_SHARED((N_PAD, D_IN), f32),
      pltpu.SemaphoreType.DMA,
      pltpu.SemaphoreType.DMA,
  ]
  if with_counts:
    out_type.append(jax.ShapeDtypeStruct((NUM_TILES * N_PAD,), f32))
    scratch.append(pltpu.VMEM((N_PAD,), f32))

  @functools.partial(
      pl.kernel, mesh=mesh, out_type=out_type, scratch_types=scratch,
      compiler_params=pltpu.CompilerParams(needs_layout_passes=False))
  def k(table_hbm, comb_hbm, zeros_hbm, zrow_hbm, *refs):
    if with_counts:
      out_hbm, cnt_hbm, ring, rows_a, rows_b, accum, sem_a, sem_b, \
          cnt_local = refs
    else:
      out_hbm, ring, rows_a, rows_b, accum, sem_a, sem_b = refs
    c = lax.axis_index("c")
    s = lax.axis_index("s")
    wid = c * NUM_SUBCORES + s

    base_r = s * ROWS_PER_TILE
    for j in range(ROWS_PER_TILE // ZBLK):
      pltpu.sync_copy(zeros_hbm, accum.at[pl.ds(base_r + j * ZBLK, ZBLK)])
    if with_counts:
      pltpu.sync_copy(zrow_hbm, cnt_local)

    ones16 = jnp.ones((16,), f32)
    base_c = wid * CHUNKS_PER_TILE

    pltpu.sync_copy(comb_hbm.at[pl.ds(base_c, BLK)], ring.at[0])
    pltpu.async_copy(table_hbm.at[ring.at[0, 0, 0]], rows_a, sem_a)
    pltpu.async_copy(table_hbm.at[ring.at[0, 1, 0]], rows_b, sem_b)
    plsc.subcore_barrier()

    def bbody(b, carry):
      par = b % 2

      @pl.when(b + 1 < NBLK)
      def _():
        pltpu.sync_copy(comb_hbm.at[pl.ds(base_c + (b + 1) * BLK, BLK)],
                        ring.at[1 - par])
      for r in range(BLK):
        rows_v, sem = (rows_a, sem_a) if r % 2 == 0 else (rows_b, sem_b)
        if with_counts:
          for kk in range(CHUNK // 16):
            d16 = ring[par, r, 1, pl.ds(kk * 16, 16)]
            plsc.addupdate_scatter(cnt_local, [d16], ones16)
        pltpu.make_async_copy(table_hbm.at[ring.at[par, r, 0]],
                              rows_v, sem).wait()
        pltpu.sync_copy(rows_v, accum.at[ring.at[par, r, 1]], add=True)
        if r + 2 < BLK:
          pltpu.async_copy(table_hbm.at[ring.at[par, r + 2, 0]], rows_v, sem)
        else:
          @pl.when(b + 1 < NBLK)
          def _():
            pltpu.async_copy(table_hbm.at[ring.at[1 - par, r + 2 - BLK, 0]],
                             rows_v, sem)
      return carry

    lax.fori_loop(0, NBLK, bbody, 0)
    if with_counts:
      pltpu.sync_copy(cnt_local, cnt_hbm.at[pl.ds(wid * N_PAD, N_PAD)])
    plsc.subcore_barrier()

    pltpu.sync_copy(accum.at[pl.ds(base_r, ROWS_PER_TILE)],
                    out_hbm.at[c].at[pl.ds(base_r, ROWS_PER_TILE)])

  return k(table, comb, zeros_blk, zeros_row)


_DN = (((1,), (1,)), ((), ()))
_R = 1024


def _tc1_body(ps, cc, x, w1l, b1l, w1r, w2l, w2r, g_ref, r_ref, inv_ref):
  srows = ps[0] + ps[1]
  cnt2 = jnp.sum(cc[...], axis=0)
  f32 = jnp.float32
  i32 = jnp.int32
  rows8 = lax.broadcasted_iota(i32, (_R, _R // 128), 0) // 128
  cols8 = lax.broadcasted_iota(i32, (_R, _R // 128), 1)
  expand = (rows8 == cols8).astype(f32)
  lane_r = lax.broadcasted_iota(i32, (_R, 128), 0) % 128
  lane_c = lax.broadcasted_iota(i32, (_R, 128), 1)
  sel = (lane_r == lane_c).astype(f32)
  rep = lax.dot_general(expand, cnt2, (((1,), (0,)), ((), ())),
                        preferred_element_type=f32)
  cnt = jnp.sum(rep * sel, axis=1, keepdims=True)
  inv = 1.0 / jnp.maximum(cnt, 1.0)
  t = lax.dot_general(srows, w1l[...], _DN,
                      preferred_element_type=jnp.float32) * inv
  t = t + b1l[...] + lax.dot_general(x[...], w1r[...], _DN,
                                     preferred_element_type=jnp.float32)
  h = jnp.where(t > 0, t, SLOPE * t)
  g_ref[...] = lax.dot_general(h, w2l[...], _DN,
                               preferred_element_type=jnp.float32)
  r_ref[...] = lax.dot_general(h, w2r[...], _DN,
                               preferred_element_type=jnp.float32)
  inv_ref[...] = jnp.broadcast_to(inv, (_R, D_OUT))


def _tc2_body(q, inv, r, b2l, out_ref):
  out_ref[...] = (q[0] + q[1]) * inv[...] + b2l[...] + r[...]


def kernel(x, edge_index, W1l, b1l, W1r, W2l, b2l, W2r):
  f32 = jnp.float32
  x_p = jnp.zeros((N_PAD, D_IN), f32).at[:N].set(x)

  src = jnp.concatenate(
      [edge_index[0], jnp.zeros((E_PAD - E,), jnp.int32)]).reshape(-1, CHUNK)
  pad_dst = N + jnp.arange(E_PAD - E, dtype=jnp.int32) % (N_PAD - N)
  dst = jnp.concatenate([edge_index[1], pad_dst]).reshape(-1, CHUNK)
  comb = jnp.stack([src, dst], axis=1)

  zeros_blk = jnp.zeros((ZBLK, 128), f32)
  zeros_row = jnp.zeros((N_PAD,), f32)
  b1l_r = b1l.reshape(1, D_HID)
  b2l_r = b2l.reshape(1, D_OUT)

  p1, cnt = _sc_segment_sum(x_p, comb, zeros_blk, zeros_row, True)
  cnt_col = cnt.reshape(NUM_TILES, N_PAD // 128, 128)

  grid = (N_PAD // _R,)
  g, r, invb = pl.pallas_call(
      _tc1_body,
      grid=grid,
      in_specs=[
          pl.BlockSpec((NUM_CORES, _R, D_IN), lambda i: (0, i, 0)),
          pl.BlockSpec((NUM_TILES, _R // 128, 128), lambda i: (0, i, 0)),
          pl.BlockSpec((_R, D_IN), lambda i: (i, 0)),
          pl.BlockSpec((D_HID, D_IN), lambda i: (0, 0)),
          pl.BlockSpec((1, D_HID), lambda i: (0, 0)),
          pl.BlockSpec((D_HID, D_IN), lambda i: (0, 0)),
          pl.BlockSpec((D_OUT, D_HID), lambda i: (0, 0)),
          pl.BlockSpec((D_OUT, D_HID), lambda i: (0, 0)),
      ],
      out_specs=[
          pl.BlockSpec((_R, D_OUT), lambda i: (i, 0)),
          pl.BlockSpec((_R, D_OUT), lambda i: (i, 0)),
          pl.BlockSpec((_R, D_OUT), lambda i: (i, 0)),
      ],
      out_shape=[
          jax.ShapeDtypeStruct((N_PAD, D_OUT), f32),
          jax.ShapeDtypeStruct((N_PAD, D_OUT), f32),
          jax.ShapeDtypeStruct((N_PAD, D_OUT), f32),
      ],
  )(p1, cnt_col, x_p, W1l, b1l_r, W1r, W2l, W2r)

  p2 = _sc_segment_sum(g, comb, zeros_blk, zeros_row, False)
  if isinstance(p2, (list, tuple)):
    (p2,) = p2

  out_full = pl.pallas_call(
      _tc2_body,
      grid=grid,
      in_specs=[
          pl.BlockSpec((NUM_CORES, _R, D_OUT), lambda i: (0, i, 0)),
          pl.BlockSpec((_R, D_OUT), lambda i: (i, 0)),
          pl.BlockSpec((_R, D_OUT), lambda i: (i, 0)),
          pl.BlockSpec((1, D_OUT), lambda i: (0, 0)),
      ],
      out_specs=pl.BlockSpec((_R, D_OUT), lambda i: (i, 0)),
      out_shape=jax.ShapeDtypeStruct((N_PAD, D_OUT), f32),
  )(p2, invb, r, b2l_r)

  return out_full[:N]

# --- scband reference (transcript-rebuilt; emitter-appended) ---
"""Pipeline reference for scband-gnnsageconv-38010460569667 (READ-ONLY COPY).

The authoritative reference and input builder live on the scoring server;
editing this copy changes nothing except your own understanding.
"""

import jax, jax.numpy as jnp
import numpy as np

N = 10000
E = 320000
D_IN = 128
D_OUT = 128
D_HID = D_OUT * 2  # conv1 outputs out_channels*2 = 256
SLOPE = 0.01


def setup_inputs(seed: int = 0) -> dict:
    key = jax.random.key(seed)
    ks = jax.random.split(key, 9)
    x = jax.random.normal(ks[0], (N, D_IN), dtype=jnp.float32)
    edge_index = jax.random.randint(ks[1], (2, E), 0, N, dtype=jnp.int32)
    # SAGEConv params: out = lin_l(mean_aggr(x_j)) + lin_r(x_i)
    W1l = jax.random.normal(ks[2], (D_HID, D_IN), dtype=jnp.float32) * 0.05
    b1l = jnp.zeros((D_HID,), dtype=jnp.float32)
    W1r = jax.random.normal(ks[3], (D_HID, D_IN), dtype=jnp.float32) * 0.05
    W2l = jax.random.normal(ks[4], (D_OUT, D_HID), dtype=jnp.float32) * 0.05
    b2l = jnp.zeros((D_OUT,), dtype=jnp.float32)
    W2r = jax.random.normal(ks[5], (D_OUT, D_HID), dtype=jnp.float32) * 0.05
    return {"x": x, "edge_index": edge_index, "W1l": W1l, "b1l": b1l, "W1r": W1r, "W2l": W2l, "b2l": b2l, "W2r": W2r}


def _sage_conv(x, edge_index, Wl, bl, Wr):
    src = edge_index[0]
    dst = edge_index[1]
    msg = jnp.take(x, src, axis=0)  # gather source node features [E, d]
    summed = jax.ops.segment_sum(msg, dst, num_segments=N)
    cnt = jax.ops.segment_sum(jnp.ones((edge_index.shape[1],), dtype=x.dtype), dst, num_segments=N)
    mean = summed / jnp.clip(cnt, 1.0)[:, None]
    return mean @ Wl.T + bl + x @ Wr.T


def reference(x, edge_index, W1l, b1l, W1r, W2l, b2l, W2r):
    h = _sage_conv(x, edge_index, W1l, b1l, W1r)
    h = jnp.where(h > 0, h, SLOPE * h)  # LeakyReLU(slope)
    out = _sage_conv(h, edge_index, W2l, b2l, W2r)
    return out

if __name__ == "__main__":
    import jax
    _d = setup_inputs()
    print(jax.jit(kernel)(*tuple(_d.values())))

</pallas_src>

<mosaic_0001>
#map = affine_map<(d0, d1) -> (0, 0)>
#map1 = affine_map<(d0, d1) -> (0, 0, 0)>
#map2 = affine_map<(d0, d1) -> (0)>
module attributes {stable_mosaic.version = 14 : i64} {
  func.func @k(%arg0: i32, %arg1: i32, %arg2: memref<10240x128xf32, #tpu.memory_space<hbm>>, %arg3: memref<2560x2x128xi32, #tpu.memory_space<hbm>>, %arg4: memref<128x128xf32, #tpu.memory_space<hbm>>, %arg5: memref<10240xf32, #tpu.memory_space<hbm>>, %arg6: memref<2x10240x128xf32, #tpu.memory_space<hbm>>, %arg7: memref<327680xf32, #tpu.memory_space<hbm>>, %arg8: memref<2x8x2x128xi32, #tpu.memory_space<vmem>>, %arg9: memref<128x128xf32, #tpu.memory_space<vmem>>, %arg10: memref<128x128xf32, #tpu.memory_space<vmem>>, %arg11: memref<10240x128xf32, #tpu.memory_space<vmem_shared>>, %arg12: memref<!tpu.dma_semaphore, #tpu.memory_space<semaphore_mem>>, %arg13: memref<!tpu.dma_semaphore, #tpu.memory_space<semaphore_mem>>, %arg14: memref<10240xf32, #tpu.memory_space<vmem>>) attributes {dimension_semantics = [#tpu.dimension_semantics<core_parallel>, #tpu.dimension_semantics<subcore_parallel>], iteration_bounds = array<i64: 2, 16>, scalar_prefetch = 0 : i64, scratch_operands = 7 : i64, tpu.core_type = #tpu.core_type<sc_vector_subcore>, window_params = [{transform_indices = #map}, {transform_indices = #map1}, {transform_indices = #map}, {transform_indices = #map2}, {transform_indices = #map1}, {transform_indices = #map2}]} {
    %mul3A = arith.constant 16 : i32
    %mul3A_0 = arith.muli %arg0, %mul3A : i32
    %add3A = arith.addi %mul3A_0, %arg1 : i32
    %mul3A_1 = arith.constant 640 : i32
    %mul3A_2 = arith.muli %arg1, %mul3A_1 : i32
    %add3A_3 = arith.constant 0 : i32
    %add3A_4 = arith.addi %mul3A_2, %add3A_3 : i32
    "tpu.region"() ({
      %run_scoped3A_41 = tpu.sem_alloc : memref<!tpu.dma_semaphore, #tpu.memory_space<semaphore_mem>>
      %dma_start3A_42 = arith.constant 0 : i32
      %dma_start3A_43 = tpu.memref_slice %arg11[%add3A_4, %dma_start3A_42] : memref<10240x128xf32, #tpu.memory_space<vmem_shared>> -> memref<128x128xf32, #tpu.memory_space<vmem_shared>>
      tpu.enqueue_dma source(%arg4 : memref<128x128xf32, #tpu.memory_space<hbm>>) target(%dma_start3A_43 : memref<128x128xf32, #tpu.memory_space<vmem_shared>>) target_semaphore(%run_scoped3A_41 : memref<!tpu.dma_semaphore, #tpu.memory_space<semaphore_mem>>)
      %dma_wait3A = arith.constant 0 : i32
      %dma_wait3A_44 = tpu.memref_slice %arg11[%add3A_4, %dma_wait3A] : memref<10240x128xf32, #tpu.memory_space<vmem_shared>> -> memref<128x128xf32, #tpu.memory_space<vmem_shared>>
      tpu.wait_dma2 semaphore(%run_scoped3A_41 : memref<!tpu.dma_semaphore, #tpu.memory_space<semaphore_mem>>) src(%arg4 : memref<128x128xf32, #tpu.memory_space<hbm>>) dst(%dma_wait3A_44 : memref<128x128xf32, #tpu.memory_space<vmem_shared>>)
      tpu.yield
    }) : () -> ()
    %add3A_5 = arith.constant 128 : i32
    %add3A_6 = arith.addi %mul3A_2, %add3A_5 : i32
    "tpu.region"() ({
      %run_scoped3A_41 = tpu.sem_alloc : memref<!tpu.dma_semaphore, #tpu.memory_space<semaphore_mem>>
      %dma_start3A_42 = arith.constant 0 : i32
      %dma_start3A_43 = tpu.memref_slice %arg11[%add3A_6, %dma_start3A_42] : memref<10240x128xf32, #tpu.memory_space<vmem_shared>> -> memref<128x128xf32, #tpu.memory_space<vmem_shared>>
      tpu.enqueue_dma source(%arg4 : memref<128x128xf32, #tpu.memory_space<hbm>>) target(%dma_start3A_43 : memref<128x128xf32, #tpu.memory_space<vmem_shared>>) target_semaphore(%run_scoped3A_41 : memref<!tpu.dma_semaphore, #tpu.memory_space<semaphore_mem>>)
      %dma_wait3A = arith.constant 0 : i32
      %dma_wait3A_44 = tpu.memref_slice %arg11[%add3A_6, %dma_wait3A] : memref<10240x128xf32, #tpu.memory_space<vmem_shared>> -> memref<128x128xf32, #tpu.memory_space<vmem_shared>>
      tpu.wait_dma2 semaphore(%run_scoped3A_41 : memref<!tpu.dma_semaphore, #tpu.memory_space<semaphore_mem>>) src(%arg4 : memref<128x128xf32, #tpu.memory_space<hbm>>) dst(%dma_wait3A_44 : memref<128x128xf32, #tpu.memory_space<vmem_shared>>)
      tpu.yield
    }) : () -> ()
    %add3A_7 = arith.constant 256 : i32
    %add3A_8 = arith.addi %mul3A_2, %add3A_7 : i32
    "tpu.region"() ({
      %run_scoped3A_41 = tpu.sem_alloc : memref<!tpu.dma_semaphore, #tpu.memory_space<semaphore_mem>>
      %dma_start3A_42 = arith.constant 0 : i32
      %dma_start3A_43 = tpu.memref_slice %arg11[%add3A_8, %dma_start3A_42] : memref<10240x128xf32, #tpu.memory_space<vmem_shared>> -> memref<128x128xf32, #tpu.memory_space<vmem_shared>>
      tpu.enqueue_dma source(%arg4 : memref<128x128xf32, #tpu.memory_space<hbm>>) target(%dma_start3A_43 : memref<128x128xf32, #tpu.memory_space<vmem_shared>>) target_semaphore(%run_scoped3A_41 : memref<!tpu.dma_semaphore, #tpu.memory_space<semaphore_mem>>)
      %dma_wait3A = arith.constant 0 : i32
      %dma_wait3A_44 = tpu.memref_slice %arg11[%add3A_8, %dma_wait3A] : memref<10240x128xf32, #tpu.memory_space<vmem_shared>> -> memref<128x128xf32, #tpu.memory_space<vmem_shared>>
      tpu.wait_dma2 semaphore(%run_scoped3A_41 : memref<!tpu.dma_semaphore, #tpu.memory_space<semaphore_mem>>) src(%arg4 : memref<128x128xf32, #tpu.memory_space<hbm>>) dst(%dma_wait3A_44 : memref<128x128xf32, #tpu.memory_space<vmem_shared>>)
      tpu.yield
    }) : () -> ()
    %add3A_9 = arith.constant 384 : i32
    %add3A_10 = arith.addi %mul3A_2, %add3A_9 : i32
    "tpu.region"() ({
      %run_scoped3A_41 = tpu.sem_alloc : memref<!tpu.dma_semaphore, #tpu.memory_space<semaphore_mem>>
      %dma_start3A_42 = arith.constant 0 : i32
      %dma_start3A_43 = tpu.memref_slice %arg11[%add3A_10, %dma_start3A_42] : memref<10240x128xf32, #tpu.memory_space<vmem_shared>> -> memref<128x128xf32, #tpu.memory_space<vmem_shared>>
      tpu.enqueue_dma source(%arg4 : memref<128x128xf32, #tpu.memory_space<hbm>>) target(%dma_start3A_43 : memref<128x128xf32, #tpu.memory_space<vmem_shared>>) target_semaphore(%run_scoped3A_41 : memref<!tpu.dma_semaphore, #tpu.memory_space<semaphore_mem>>)
      %dma_wait3A = arith.constant 0 : i32
      %dma_wait3A_44 = tpu.memref_slice %arg11[%add3A_10, %dma_wait3A] : memref<10240x128xf32, #tpu.memory_space<vmem_shared>> -> memref<128x128xf32, #tpu.memory_space<vmem_shared>>
      tpu.wait_dma2 semaphore(%run_scoped3A_41 : memref<!tpu.dma_semaphore, #tpu.memory_space<semaphore_mem>>) src(%arg4 : memref<128x128xf32, #tpu.memory_space<hbm>>) dst(%dma_wait3A_44 : memref<128x128xf32, #tpu.memory_space<vmem_shared>>)
      tpu.yield
    }) : () -> ()
    %add3A_11 = arith.constant 512 : i32
    %add3A_12 = arith.addi %mul3A_2, %add3A_11 : i32
    "tpu.region"() ({
      %run_scoped3A_41 = tpu.sem_alloc : memref<!tpu.dma_semaphore, #tpu.memory_space<semaphore_mem>>
      %dma_start3A_42 = arith.constant 0 : i32
      %dma_start3A_43 = tpu.memref_slice %arg11[%add3A_12, %dma_start3A_42] : memref<10240x128xf32, #tpu.memory_space<vmem_shared>> -> memref<128x128xf32, #tpu.memory_space<vmem_shared>>
      tpu.enqueue_dma source(%arg4 : memref<128x128xf32, #tpu.memory_space<hbm>>) target(%dma_start3A_43 : memref<128x128xf32, #tpu.memory_space<vmem_shared>>) target_semaphore(%run_scoped3A_41 : memref<!tpu.dma_semaphore, #tpu.memory_space<semaphore_mem>>)
      %dma_wait3A = arith.constant 0 : i32
      %dma_wait3A_44 = tpu.memref_slice %arg11[%add3A_12, %dma_wait3A] : memref<10240x128xf32, #tpu.memory_space<vmem_shared>> -> memref<128x128xf32, #tpu.memory_space<vmem_shared>>
      tpu.wait_dma2 semaphore(%run_scoped3A_41 : memref<!tpu.dma_semaphore, #tpu.memory_space<semaphore_mem>>) src(%arg4 : memref<128x128xf32, #tpu.memory_space<hbm>>) dst(%dma_wait3A_44 : memref<128x128xf32, #tpu.memory_space<vmem_shared>>)
      tpu.yield
    }) : () -> ()
    "tpu.region"() ({
      %run_scoped3A_41 = tpu.sem_alloc : memref<!tpu.dma_semaphore, #tpu.memory_space<semaphore_mem>>
      tpu.enqueue_dma source(%arg5 : memref<10240xf32, #tpu.memory_space<hbm>>) target(%arg14 : memref<10240xf32, #tpu.memory_space<vmem>>) target_semaphore(%run_scoped3A_41 : memref<!tpu.dma_semaphore, #tpu.memory_space<semaphore_mem>>)
      tpu.wait_dma2 semaphore(%run_scoped3A_41 : memref<!tpu.dma_semaphore, #tpu.memory_space<semaphore_mem>>) src(%arg5 : memref<10240xf32, #tpu.memory_space<hbm>>) dst(%arg14 : memref<10240xf32, #tpu.memory_space<vmem>>)
      tpu.yield
    }) : () -> ()
    %broadcast_in_dim3A = arith.constant 1.000000e+00 : f32
    %broadcast_in_dim3A_13 = vector.broadcast %broadcast_in_dim3A : f32 to vector<16xf32>
    %mul3A_14 = arith.constant 80 : i32
    %mul3A_15 = arith.muli %add3A, %mul3A_14 : i32
    %run_scoped3A = arith.constant 0 : i32
    "tpu.region"() ({
      %run_scoped3A_41 = tpu.sem_alloc : memref<!tpu.dma_semaphore, #tpu.memory_space<semaphore_mem>>
      %dma_start3A_42 = arith.constant 0 : i32
      %dma_start3A_43 = arith.constant 0 : i32
      %dma_start3A_44 = arith.constant 0 : i32
      %dma_start3A_45 = tpu.memref_slice %arg8[%run_scoped3A, %dma_start3A_42, %dma_start3A_43, %dma_start3A_44] : memref<2x8x2x128xi32, #tpu.memory_space<vmem>> -> memref<1x8x2x128xi32, #tpu.memory_space<vmem>>
      %dma_start3A_46 = tpu.memref_squeeze %dma_start3A_45 : memref<1x8x2x128xi32, #tpu.memory_space<vmem>> -> memref<8x2x128xi32, #tpu.memory_space<vmem>>
      %dma_start3A_47 = arith.constant 0 : i32
      %dma_start3A_48 = arith.constant 0 : i32
      %dma_start3A_49 = tpu.memref_slice %arg3[%mul3A_15, %dma_start3A_47, %dma_start3A_48] : memref<2560x2x128xi32, #tpu.memory_space<hbm>> -> memref<8x2x128xi32, #tpu.memory_space<hbm>>
      %dma_start3A_50 = arith.constant 0 : i32
      %dma_start3A_51 = arith.constant 0 : i32
      %dma_start3A_52 = arith.constant 0 : i32
      %dma_start3A_53 = tpu.memref_slice %arg8[%run_scoped3A, %dma_start3A_50, %dma_start3A_51, %dma_start3A_52] : memref<2x8x2x128xi32, #tpu.memory_space<vmem>> -> memref<1x8x2x128xi32, #tpu.memory_space<vmem>>
      %dma_start3A_54 = tpu.memref_squeeze %dma_start3A_53 : memref<1x8x2x128xi32, #tpu.memory_space<vmem>> -> memref<8x2x128xi32, #tpu.memory_space<vmem>>
      %dma_start3A_55 = arith.constant 0 : i32
      %dma_start3A_56 = arith.constant 0 : i32
      %dma_start3A_57 = tpu.memref_slice %arg3[%mul3A_15, %dma_start3A_55, %dma_start3A_56] : memref<2560x2x128xi32, #tpu.memory_space<hbm>> -> memref<8x2x128xi32, #tpu.memory_space<hbm>>
      tpu.enqueue_dma source(%dma_start3A_57 : memref<8x2x128xi32, #tpu.memory_space<hbm>>) target(%dma_start3A_54 : memref<8x2x128xi32, #tpu.memory_space<vmem>>) target_semaphore(%run_scoped3A_41 : memref<!tpu.dma_semaphore, #tpu.memory_space<semaphore_mem>>)
      %dma_wait3A = arith.constant 0 : i32
      %dma_wait3A_58 = arith.constant 0 : i32
      %dma_wait3A_59 = arith.constant 0 : i32
      %dma_wait3A_60 = tpu.memref_slice %arg8[%run_scoped3A, %dma_wait3A, %dma_wait3A_58, %dma_wait3A_59] : memref<2x8x2x128xi32, #tpu.memory_space<vmem>> -> memref<1x8x2x128xi32, #tpu.memory_space<vmem>>
      %dma_wait3A_61 = tpu.memref_squeeze %dma_wait3A_60 : memref<1x8x2x128xi32, #tpu.memory_space<vmem>> -> memref<8x2x128xi32, #tpu.memory_space<vmem>>
      %dma_wait3A_62 = arith.constant 0 : i32
      %dma_wait3A_63 = arith.constant 0 : i32
      %dma_wait3A_64 = tpu.memref_slice %arg3[%mul3A_15, %dma_wait3A_62, %dma_wait3A_63] : memref<2560x2x128xi32, #tpu.memory_space<hbm>> -> memref<8x2x128xi32, #tpu.memory_space<hbm>>
      %dma_wait3A_65 = arith.constant 0 : i32
      %dma_wait3A_66 = arith.constant 0 : i32
      %dma_wait3A_67 = arith.constant 0 : i32
      %dma_wait3A_68 = tpu.memref_slice %arg8[%run_scoped3A, %dma_wait3A_65, %dma_wait3A_66, %dma_wait3A_67] : memref<2x8x2x128xi32, #tpu.memory_space<vmem>> -> memref<1x8x2x128xi32, #tpu.memory_space<vmem>>
      %dma_wait3A_69 = tpu.memref_squeeze %dma_wait3A_68 : memref<1x8x2x128xi32, #tpu.memory_space<vmem>> -> memref<8x2x128xi32, #tpu.memory_space<vmem>>
      %dma_wait3A_70 = arith.constant 0 : i32
      %dma_wait3A_71 = arith.constant 0 : i32
      %dma_wait3A_72 = tpu.memref_slice %arg3[%mul3A_15, %dma_wait3A_70, %dma_wait3A_71] : memref<2560x2x128xi32, #tpu.memory_space<hbm>> -> memref<8x2x128xi32, #tpu.memory_space<hbm>>
      tpu.wait_dma2 semaphore(%run_scoped3A_41 : memref<!tpu.dma_semaphore, #tpu.memory_space<semaphore_mem>>) src(%dma_wait3A_72 : memref<8x2x128xi32, #tpu.memory_space<hbm>>) dst(%dma_wait3A_69 : memref<8x2x128xi32, #tpu.memory_space<vmem>>)
      tpu.yield
    }) : () -> ()
    %dma_start3A = arith.constant 0 : i32
    %dma_start3A_16 = arith.constant 0 : i32
    %dma_start3A_17 = arith.constant 0 : i32
    %dma_start3A_18 = arith.constant 0 : i32
    %dma_start3A_19 = tpu.memref_slice %arg8[%dma_start3A, %dma_start3A_16, %dma_start3A_17, %dma_start3A_18] : memref<2x8x2x128xi32, #tpu.memory_space<vmem>> -> memref<1x1x1x128xi32, #tpu.memory_space<vmem>>
    %dma_start3A_20 = tpu.memref_squeeze %dma_start3A_19 : memref<1x1x1x128xi32, #tpu.memory_space<vmem>> -> memref<128xi32, #tpu.memory_space<vmem>>
    %dma_start3A_21 = arith.constant 0 : i32
    %dma_start3A_22 = arith.constant 0 : i32
    %dma_start3A_23 = tpu.memref_slice %arg2[%dma_start3A_21, %dma_start3A_22] : memref<10240x128xf32, #tpu.memory_space<hbm>> -> memref<10240x128xf32, #tpu.memory_space<hbm>>
    tpu.enqueue_indirect_dma source(%dma_start3A_23 : memref<10240x128xf32, #tpu.memory_space<hbm>>) target(%arg9 : memref<128x128xf32, #tpu.memory_space<vmem>>) offsets(%dma_start3A_20 : memref<128xi32, #tpu.memory_space<vmem>>) semaphore(%arg12 : memref<!tpu.dma_semaphore, #tpu.memory_space<semaphore_mem>>)
    %dma_start3A_24 = arith.constant 0 : i32
    %dma_start3A_25 = arith.constant 1 : i32
    %dma_start3A_26 = arith.constant 0 : i32
    %dma_start3A_27 = arith.constant 0 : i32
    %dma_start3A_28 = tpu.memref_slice %arg8[%dma_start3A_24, %dma_start3A_25, %dma_start3A_26, %dma_start3A_27] : memref<2x8x2x128xi32, #tpu.memory_space<vmem>> -> memref<1x1x1x128xi32, #tpu.memory_space<vmem>>
    %dma_start3A_29 = tpu.memref_squeeze %dma_start3A_28 : memref<1x1x1x128xi32, #tpu.memory_space<vmem>> -> memref<128xi32, #tpu.memory_space<vmem>>
    %dma_start3A_30 = arith.constant 0 : i32
    %dma_start3A_31 = arith.constant 0 : i32
    %dma_start3A_32 = tpu.memref_slice %arg2[%dma_start3A_30, %dma_start3A_31] : memref<10240x128xf32, #tpu.memory_space<hbm>> -> memref<10240x128xf32, #tpu.memory_space<hbm>>
    tpu.enqueue_indirect_dma source(%dma_start3A_32 : memref<10240x128xf32, #tpu.memory_space<hbm>>) target(%arg10 : memref<128x128xf32, #tpu.memory_space<vmem>>) offsets(%dma_start3A_29 : memref<128xi32, #tpu.memory_space<vmem>>) semaphore(%arg13 : memref<!tpu.dma_semaphore, #tpu.memory_space<semaphore_mem>>)
    %barrier3A = arith.constant 0 : index
    tpu.barrier barrier_id(%barrier3A)
    %scan3A = arith.constant 0 : i32
    %scan3A_33 = arith.constant 0 : i32
    %scan3A_34 = arith.constant 10 : i32
    %scan3A_35 = arith.addi %scan3A_33, %scan3A_34 : i32
    %scan3A_36 = arith.constant 1 : i32
    scf.for %scan3A_41 = %scan3A_33 to %scan3A_35 step %scan3A_36  : i32 {
      %jit3A = arith.constant 2 : i32
      %eq3A = arith.constant 0 : i32
      %eq3A_42 = arith.cmpi eq, %jit3A, %eq3A : i32
      %jit3A_43 = arith.constant 1 : i32
      %select_n3A = arith.select %eq3A_42, %jit3A_43, %jit3A : i32
      %rem3A = arith.remsi %scan3A_41, %select_n3A : i32
      %ne3A = arith.constant 0 : i32
      %ne3A_44 = arith.cmpi ne, %rem3A, %ne3A : i32
      %lt3A = arith.constant 0 : i32
      %lt3A_45 = arith.cmpi slt, %rem3A, %lt3A : i32
      %lt3A_46 = arith.constant 0 : i32
      %lt3A_47 = arith.cmpi slt, %select_n3A, %lt3A_46 : i32
      %ne3A_48 = arith.xori %lt3A_45, %lt3A_47 : i1
      %and3A = arith.andi %ne3A_48, %ne3A_44 : i1
      %add3A_49 = arith.addi %rem3A, %select_n3A : i32
      %select_n3A_50 = arith.select %and3A, %add3A_49, %rem3A : i32
      %add3A_51 = arith.constant 1 : i32
      %add3A_52 = arith.addi %scan3A_41, %add3A_51 : i32
      %lt3A_53 = arith.constant 10 : i32
      %lt3A_54 = arith.cmpi slt, %add3A_52, %lt3A_53 : i32
      %convert_element_type3A = arith.extui %lt3A_54 : i1 to i32
      %cond3A = arith.constant 0 : i32
      %cond3A_55 = arith.cmpi ne, %convert_element_type3A, %cond3A : i32
      scf.if %cond3A_55 {
        %add3A_644 = arith.constant 1 : i32
        %add3A_645 = arith.addi %scan3A_41, %add3A_644 : i32
        %mul3A_646 = arith.constant 8 : i32
        %mul3A_647 = arith.muli %add3A_645, %mul3A_646 : i32
        %add3A_648 = arith.addi %mul3A_15, %mul3A_647 : i32
        %sub3A = arith.constant 1 : i32
        %sub3A_649 = arith.subi %sub3A, %select_n3A_50 : i32
        "tpu.region"() ({
          %run_scoped3A_650 = tpu.sem_alloc : memref<!tpu.dma_semaphore, #tpu.memory_space<semaphore_mem>>
          %dma_start3A_651 = arith.constant 0 : i32
          %dma_start3A_652 = arith.constant 0 : i32
          %dma_start3A_653 = arith.constant 0 : i32
          %dma_start3A_654 = tpu.memref_slice %arg8[%sub3A_649, %dma_start3A_651, %dma_start3A_652, %dma_start3A_653] : memref<2x8x2x128xi32, #tpu.memory_space<vmem>> -> memref<1x8x2x128xi32, #tpu.memory_space<vmem>>
          %dma_start3A_655 = tpu.memref_squeeze %dma_start3A_654 : memref<1x8x2x128xi32, #tpu.memory_space<vmem>> -> memref<8x2x128xi32, #tpu.memory_space<vmem>>
          %dma_start3A_656 = arith.constant 0 : i32
          %dma_start3A_657 = arith.constant 0 : i32
          %dma_start3A_658 = tpu.memref_slice %arg3[%add3A_648, %dma_start3A_656, %dma_start3A_657] : memref<2560x2x128xi32, #tpu.memory_space<hbm>> -> memref<8x2x128xi32, #tpu.memory_space<hbm>>
          %dma_start3A_659 = arith.constant 0 : i32
          %dma_start3A_660 = arith.constant 0 : i32
          %dma_start3A_661 = arith.constant 0 : i32
          %dma_start3A_662 = tpu.memref_slice %arg8[%sub3A_649, %dma_start3A_659, %dma_start3A_660, %dma_start3A_661] : memref<2x8x2x128xi32, #tpu.memory_space<vmem>> -> memref<1x8x2x128xi32, #tpu.memory_space<vmem>>
          %dma_start3A_663 = tpu.memref_squeeze %dma_start3A_662 : memref<1x8x2x128xi32, #tpu.memory_space<vmem>> -> memref<8x2x128xi32, #tpu.memory_space<vmem>>
          %dma_start3A_664 = arith.constant 0 : i32
          %dma_start3A_665 = arith.constant 0 : i32
          %dma_start3A_666 = tpu.memref_slice %arg3[%add3A_648, %dma_start3A_664, %dma_start3A_665] : memref<2560x2x128xi32, #tpu.memory_space<hbm>> -> memref<8x2x128xi32, #tpu.memory_space<hbm>>
          tpu.enqueue_dma source(%dma_start3A_666 : memref<8x2x128xi32, #tpu.memory_space<hbm>>) target(%dma_start3A_663 : memref<8x2x128xi32, #tpu.memory_space<vmem>>) target_semaphore(%run_scoped3A_650 : memref<!tpu.dma_semaphore, #tpu.memory_space<semaphore_mem>>)
          %dma_wait3A_667 = arith.constant 0 : i32
          %dma_wait3A_668 = arith.constant 0 : i32
          %dma_wait3A_669 = arith.constant 0 : i32
          %dma_wait3A_670 = tpu.memref_slice %arg8[%sub3A_649, %dma_wait3A_667, %dma_wait3A_668, %dma_wait3A_669] : memref<2x8x2x128xi32, #tpu.memory_space<vmem>> -> memref<1x8x2x128xi32, #tpu.memory_space<vmem>>
          %dma_wait3A_671 = tpu.memref_squeeze %dma_wait3A_670 : memref<1x8x2x128xi32, #tpu.memory_space<vmem>> -> memref<8x2x128xi32, #tpu.memory_space<vmem>>
          %dma_wait3A_672 = arith.constant 0 : i32
          %dma_wait3A_673 = arith.constant 0 : i32
          %dma_wait3A_674 = tpu.memref_slice %arg3[%add3A_648, %dma_wait3A_672, %dma_wait3A_673] : memref<2560x2x128xi32, #tpu.memory_space<hbm>> -> memref<8x2x128xi32, #tpu.memory_space<hbm>>
          %dma_wait3A_675 = arith.constant 0 : i32
          %dma_wait3A_676 = arith.constant 0 : i32
          %dma_wait3A_677 = arith.constant 0 : i32
          %dma_wait3A_678 = tpu.memref_slice %arg8[%sub3A_649, %dma_wait3A_675, %dma_wait3A_676, %dma_wait3A_677] : memref<2x8x2x128xi32, #tpu.memory_space<vmem>> -> memref<1x8x2x128xi32, #tpu.memory_space<vmem>>
          %dma_wait3A_679 = tpu.memref_squeeze %dma_wait3A_678 : memref<1x8x2x128xi32, #tpu.memory_space<vmem>> -> memref<8x2x128xi32, #tpu.memory_space<vmem>>
          %dma_wait3A_680 = arith.constant 0 : i32
          %dma_wait3A_681 = arith.constant 0 : i32
          %dma_wait3A_682 = tpu.memref_slice %arg3[%add3A_648, %dma_wait3A_680, %dma_wait3A_681] : memref<2560x2x128xi32, #tpu.memory_space<hbm>> -> memref<8x2x128xi32, #tpu.memory_space<hbm>>
          tpu.wait_dma2 semaphore(%run_scoped3A_650 : memref<!tpu.dma_semaphore, #tpu.memory_space<semaphore_mem>>) src(%dma_wait3A_682 : memref<8x2x128xi32, #tpu.memory_space<hbm>>) dst(%dma_wait3A_679 : memref<8x2x128xi32, #tpu.memory_space<vmem>>)
          tpu.yield
        }) : () -> ()
      } else {
      }
      %get3A = arith.constant 0 : i32
      %get3A_56 = arith.constant 1 : i32
      %get3A_57 = arith.index_cast %select_n3A_50 : i32 to index
      %get3A_58 = arith.index_cast %get3A : i32 to index
      %get3A_59 = arith.index_cast %get3A_56 : i32 to index
      %get3A_60 = arith.constant 0 : index
      %get3A_61 = tpu.vector_load %arg8[%get3A_57, %get3A_58, %get3A_59, %get3A_60] {strides = array<i32>} : memref<2x8x2x128xi32, #tpu.memory_space<vmem>>, vector<16xi32>,
      tpu.vector_store_idx %arg14[%get3A_61], %broadcast_in_dim3A_13 {add = true} : memref<10240xf32, #tpu.memory_space<vmem>>[vector<16xi32>], vector<16xf32>,
      %get3A_62 = arith.constant 0 : i32
      %get3A_63 = arith.constant 1 : i32
      %get3A_64 = arith.index_cast %select_n3A_50 : i32 to index
      %get3A_65 = arith.index_cast %get3A_62 : i32 to index
      %get3A_66 = arith.index_cast %get3A_63 : i32 to index
      %get3A_67 = arith.constant 16 : index
      %get3A_68 = tpu.vector_load %arg8[%get3A_64, %get3A_65, %get3A_66, %get3A_67] {strides = array<i32>} : memref<2x8x2x128xi32, #tpu.memory_space<vmem>>, vector<16xi32>,
      tpu.vector_store_idx %arg14[%get3A_68], %broadcast_in_dim3A_13 {add = true} : memref<10240xf32, #tpu.memory_space<vmem>>[vector<16xi32>], vector<16xf32>,
      %get3A_69 = arith.constant 0 : i32
      %get3A_70 = arith.constant 1 : i32
      %get3A_71 = arith.index_cast %select_n3A_50 : i32 to index
      %get3A_72 = arith.index_cast %get3A_69 : i32 to index
      %get3A_73 = arith.index_cast %get3A_70 : i32 to index
      %get3A_74 = arith.constant 32 : index
      %get3A_75 = tpu.vector_load %arg8[%get3A_71, %get3A_72, %get3A_73, %get3A_74] {strides = array<i32>} : memref<2x8x2x128xi32, #tpu.memory_space<vmem>>, vector<16xi32>,
      tpu.vector_store_idx %arg14[%get3A_75], %broadcast_in_dim3A_13 {add = true} : memref<10240xf32, #tpu.memory_space<vmem>>[vector<16xi32>], vector<16xf32>,
      %get3A_76 = arith.constant 0 : i32
      %get3A_77 = arith.constant 1 : i32
      %get3A_78 = arith.index_cast %select_n3A_50 : i32 to index
      %get3A_79 = arith.index_cast %get3A_76 : i32 to index
      %get3A_80 = arith.index_cast %get3A_77 : i32 to index
      %get3A_81 = arith.constant 48 : index
      %get3A_82 = tpu.vector_load %arg8[%get3A_78, %get3A_79, %get3A_80, %get3A_81] {strides = array<i32>} : memref<2x8x2x128xi32, #tpu.memory_space<vmem>>, vector<16xi32>,
      tpu.vector_store_idx %arg14[%get3A_82], %broadcast_in_dim3A_13 {add = true} : memref<10240xf32, #tpu.memory_space<vmem>>[vector<16xi32>], vector<16xf32>,
      %get3A_83 = arith.constant 0 : i32
      %get3A_84 = arith.constant 1 : i32
      %get3A_85 = arith.index_cast %select_n3A_50 : i32 to index
      %get3A_86 = arith.index_cast %get3A_83 : i32 to index
      %get3A_87 = arith.index_cast %get3A_84 : i32 to index
      %get3A_88 = arith.constant 64 : index
      %get3A_89 = tpu.vector_load %arg8[%get3A_85, %get3A_86, %get3A_87, %get3A_88] {strides = array<i32>} : memref<2x8x2x128xi32, #tpu.memory_space<vmem>>, vector<16xi32>,
      tpu.vector_store_idx %arg14[%get3A_89], %broadcast_in_dim3A_13 {add = true} : memref<10240xf32, #tpu.memory_space<vmem>>[vector<16xi32>], vector<16xf32>,
      %get3A_90 = arith.constant 0 : i32
      %get3A_91 = arith.constant 1 : i32
      %get3A_92 = arith.index_cast %select_n3A_50 : i32 to index
      %get3A_93 = arith.index_cast %get3A_90 : i32 to index
      %get3A_94 = arith.index_cast %get3A_91 : i32 to index
      %get3A_95 = arith.constant 80 : index
      %get3A_96 = tpu.vector_load %arg8[%get3A_92, %get3A_93, %get3A_94, %get3A_95] {strides = array<i32>} : memref<2x8x2x128xi32, #tpu.memory_space<vmem>>, vector<16xi32>,
      tpu.vector_store_idx %arg14[%get3A_96], %broadcast_in_dim3A_13 {add = true} : memref<10240xf32, #tpu.memory_space<vmem>>[vector<16xi32>], vector<16xf32>,
      %get3A_97 = arith.constant 0 : i32
      %get3A_98 = arith.constant 1 : i32
      %get3A_99 = arith.index_cast %select_n3A_50 : i32 to index
      %get3A_100 = arith.index_cast %get3A_97 : i32 to index
      %get3A_101 = arith.index_cast %get3A_98 : i32 to index
      %get3A_102 = arith.constant 96 : index
      %get3A_103 = tpu.vector_load %arg8[%get3A_99, %get3A_100, %get3A_101, %get3A_102] {strides = array<i32>} : memref<2x8x2x128xi32, #tpu.memory_space<vmem>>, vector<16xi32>,
      tpu.vector_store_idx %arg14[%get3A_103], %broadcast_in_dim3A_13 {add = true} : memref<10240xf32, #tpu.memory_space<vmem>>[vector<16xi32>], vector<16xf32>,
      %get3A_104 = arith.constant 0 : i32
      %get3A_105 = arith.constant 1 : i32
      %get3A_106 = arith.index_cast %select_n3A_50 : i32 to index
      %get3A_107 = arith.index_cast %get3A_104 : i32 to index
      %get3A_108 = arith.index_cast %get3A_105 : i32 to index
      %get3A_109 = arith.constant 112 : index
      %get3A_110 = tpu.vector_load %arg8[%get3A_106, %get3A_107, %get3A_108, %get3A_109] {strides = array<i32>} : memref<2x8x2x128xi32, #tpu.memory_space<vmem>>, vector<16xi32>,
      tpu.vector_store_idx %arg14[%get3A_110], %broadcast_in_dim3A_13 {add = true} : memref<10240xf32, #tpu.memory_space<vmem>>[vector<16xi32>], vector<16xf32>,
      %dma_wait3A = arith.constant 0 : i32
      %dma_wait3A_111 = arith.constant 0 : i32
      %dma_wait3A_112 = arith.constant 0 : i32
      %dma_wait3A_113 = tpu.memref_slice %arg8[%select_n3A_50, %dma_wait3A, %dma_wait3A_111, %dma_wait3A_112] : memref<2x8x2x128xi32, #tpu.memory_space<vmem>> -> memref<1x1x1x128xi32, #tpu.memory_space<vmem>>
      %dma_wait3A_114 = tpu.memref_squeeze %dma_wait3A_113 : memref<1x1x1x128xi32, #tpu.memory_space<vmem>> -> memref<128xi32, #tpu.memory_space<vmem>>
      %dma_wait3A_115 = arith.constant 0 : i32
      %dma_wait3A_116 = arith.constant 0 : i32
      %dma_wait3A_117 = tpu.memref_slice %arg2[%dma_wait3A_115, %dma_wait3A_116] : memref<10240x128xf32, #tpu.memory_space<hbm>> -> memref<10240x128xf32, #tpu.memory_space<hbm>>
      tpu.wait_indirect_dma semaphore(%arg12 : memref<!tpu.dma_semaphore, #tpu.memory_space<semaphore_mem>>) src(%dma_wait3A_117 : memref<10240x128xf32, #tpu.memory_space<hbm>>) dst(%arg9 : memref<128x128xf32, #tpu.memory_space<vmem>>)
      %run_scoped3A_118 = arith.constant 0 : i32
      %run_scoped3A_119 = arith.constant 1 : i32
      "tpu.region"() ({
        %run_scoped3A_644 = tpu.sem_alloc : memref<!tpu.dma_semaphore, #tpu.memory_space<semaphore_mem>>
        %dma_start3A_645 = arith.constant 0 : i32
        %dma_start3A_646 = tpu.memref_slice %arg8[%select_n3A_50, %run_scoped3A_118, %run_scoped3A_119, %dma_start3A_645] : memref<2x8x2x128xi32, #tpu.memory_space<vmem>> -> memref<1x1x1x128xi32, #tpu.memory_space<vmem>>
        %dma_start3A_647 = tpu.memref_squeeze %dma_start3A_646 : memref<1x1x1x128xi32, #tpu.memory_space<vmem>> -> memref<128xi32, #tpu.memory_space<vmem>>
        %dma_start3A_648 = arith.constant 0 : i32
        %dma_start3A_649 = arith.constant 0 : i32
        %dma_start3A_650 = tpu.memref_slice %arg11[%dma_start3A_648, %dma_start3A_649] : memref<10240x128xf32, #tpu.memory_space<vmem_shared>> -> memref<10240x128xf32, #tpu.memory_space<vmem_shared>>
        tpu.enqueue_indirect_dma source(%arg9 : memref<128x128xf32, #tpu.memory_space<vmem>>) target(%dma_start3A_650 : memref<10240x128xf32, #tpu.memory_space<vmem_shared>>) offsets(%dma_start3A_647 : memref<128xi32, #tpu.memory_space<vmem>>) semaphore(%run_scoped3A_644 : memref<!tpu.dma_semaphore, #tpu.memory_space<semaphore_mem>>) {add = true}
        %dma_wait3A_651 = arith.constant 0 : i32
        %dma_wait3A_652 = tpu.memref_slice %arg8[%select_n3A_50, %run_scoped3A_118, %run_scoped3A_119, %dma_wait3A_651] : memref<2x8x2x128xi32, #tpu.memory_space<vmem>> -> memref<1x1x1x128xi32, #tpu.memory_space<vmem>>
        %dma_wait3A_653 = tpu.memref_squeeze %dma_wait3A_652 : memref<1x1x1x128xi32, #tpu.memory_space<vmem>> -> memref<128xi32, #tpu.memory_space<vmem>>
        %dma_wait3A_654 = arith.constant 0 : i32
        %dma_wait3A_655 = arith.constant 0 : i32
        %dma_wait3A_656 = tpu.memref_slice %arg11[%dma_wait3A_654, %dma_wait3A_655] : memref<10240x128xf32, #tpu.memory_space<vmem_shared>> -> memref<10240x128xf32, #tpu.memory_space<vmem_shared>>
        tpu.wait_indirect_dma semaphore(%run_scoped3A_644 : memref<!tpu.dma_semaphore, #tpu.memory_space<semaphore_mem>>) src(%arg9 : memref<128x128xf32, #tpu.memory_space<vmem>>) dst(%dma_wait3A_656 : memref<10240x128xf32, #tpu.memory_space<vmem_shared>>)
        tpu.yield
      }) : () -> ()
      %dma_start3A_120 = arith.constant 2 : i32
      %dma_start3A_121 = arith.constant 0 : i32
      %dma_start3A_122 = arith.constant 0 : i32
      %dma_start3A_123 = tpu.memref_slice %arg8[%select_n3A_50, %dma_start3A_120, %dma_start3A_121, %dma_start3A_122] : memref<2x8x2x128xi32, #tpu.memory_space<vmem>> -> memref<1x1x1x128xi32, #tpu.memory_space<vmem>>
      %dma_start3A_124 = tpu.memref_squeeze %dma_start3A_123 : memref<1x1x1x128xi32, #tpu.memory_space<vmem>> -> memref<128xi32, #tpu.memory_space<vmem>>
      %dma_start3A_125 = arith.constant 0 : i32
      %dma_start3A_126 = arith.constant 0 : i32
      %dma_start3A_127 = tpu.memref_slice %arg2[%dma_start3A_125, %dma_start3A_126] : memref<10240x128xf32, #tpu.memory_space<hbm>> -> memref<10240x128xf32, #tpu.memory_space<hbm>>
      tpu.enqueue_indirect_dma source(%dma_start3A_127 : memref<10240x128xf32, #tpu.memory_space<hbm>>) target(%arg9 : memref<128x128xf32, #tpu.memory_space<vmem>>) offsets(%dma_start3A_124 : memref<128xi32, #tpu.memory_space<vmem>>) semaphore(%arg12 : memref<!tpu.dma_semaphore, #tpu.memory_space<semaphore_mem>>)
      %get3A_128 = arith.constant 1 : i32
      %get3A_129 = arith.constant 1 : i32
      %get3A_130 = arith.index_cast %select_n3A_50 : i32 to index
      %get3A_131 = arith.index_cast %get3A_128 : i32 to index
      %get3A_132 = arith.index_cast %get3A_129 : i32 to index
      %get3A_133 = arith.constant 0 : index
      %get3A_134 = tpu.vector_load %arg8[%get3A_130, %get3A_131, %get3A_132, %get3A_133] {strides = array<i32>} : memref<2x8x2x128xi32, #tpu.memory_space<vmem>>, vector<16xi32>,
      tpu.vector_store_idx %arg14[%get3A_134], %broadcast_in_dim3A_13 {add = true} : memref<10240xf32, #tpu.memory_space<vmem>>[vector<16xi32>], vector<16xf32>,
      %get3A_135 = arith.constant 1 : i32
      %get3A_136 = arith.constant 1 : i32
      %get3A_137 = arith.index_cast %select_n3A_50 : i32 to index
      %get3A_138 = arith.index_cast %get3A_135 : i32 to index
      %get3A_139 = arith.index_cast %get3A_136 : i32 to index
      %get3A_140 = arith.constant 16 : index
      %get3A_141 = tpu.vector_load %arg8[%get3A_137, %get3A_138, %get3A_139, %get3A_140] {strides = array<i32>} : memref<2x8x2x128xi32, #tpu.memory_space<vmem>>, vector<16xi32>,
      tpu.vector_store_idx %arg14[%get3A_141], %broadcast_in_dim3A_13 {add = true} : memref<10240xf32, #tpu.memory_space<vmem>>[vector<16xi32>], vector<16xf32>,
      %get3A_142 = arith.constant 1 : i32
      %get3A_143 = arith.constant 1 : i32
      %get3A_144 = arith.index_cast %select_n3A_50 : i32 to index
      %get3A_145 = arith.index_cast %get3A_142 : i32 to index
      %get3A_146 = arith.index_cast %get3A_143 : i32 to index
      %get3A_147 = arith.constant 32 : index
      %get3A_148 = tpu.vector_load %arg8[%get3A_144, %get3A_145, %get3A_146, %get3A_147] {strides = array<i32>} : memref<2x8x2x128xi32, #tpu.memory_space<vmem>>, vector<16xi32>,
      tpu.vector_store_idx %arg14[%get3A_148], %broadcast_in_dim3A_13 {add = true} : memref<10240xf32, #tpu.memory_space<vmem>>[vector<16xi32>], vector<16xf32>,
      %get3A_149 = arith.constant 1 : i32
      %get3A_150 = arith.constant 1 : i32
      %get3A_151 = arith.index_cast %select_n3A_50 : i32 to index
      %get3A_152 = arith.index_cast %get3A_149 : i32 to index
      %get3A_153 = arith.index_cast %get3A_150 : i32 to index
      %get3A_154 = arith.constant 48 : index
      %get3A_155 = tpu.vector_load %arg8[%get3A_151, %get3A_152, %get3A_153, %get3A_154] {strides = array<i32>} : memref<2x8x2x128xi32, #tpu.memory_space<vmem>>, vector<16xi32>,
      tpu.vector_store_idx %arg14[%get3A_155], %broadcast_in_dim3A_13 {add = true} : memref<10240xf32, #tpu.memory_space<vmem>>[vector<16xi32>], vector<16xf32>,
      %get3A_156 = arith.constant 1 : i32
      %get3A_157 = arith.constant 1 : i32
      %get3A_158 = arith.index_cast %select_n3A_50 : i32 to index
      %get3A_159 = arith.index_cast %get3A_156 : i32 to index
      %get3A_160 = arith.index_cast %get3A_157 : i32 to index
      %get3A_161 = arith.constant 64 : index
      %get3A_162 = tpu.vector_load %arg8[%get3A_158, %get3A_159, %get3A_160, %get3A_161] {strides = array<i32>} : memref<2x8x2x128xi32, #tpu.memory_space<vmem>>, vector<16xi32>,
      tpu.vector_store_idx %arg14[%get3A_162], %broadcast_in_dim3A_13 {add = true} : memref<10240xf32, #tpu.memory_space<vmem>>[vector<16xi32>], vector<16xf32>,
      %get3A_163 = arith.constant 1 : i32
      %get3A_164 = arith.constant 1 : i32
      %get3A_165 = arith.index_cast %select_n3A_50 : i32 to index
      %get3A_166 = arith.index_cast %get3A_163 : i32 to index
      %get3A_167 = arith.index_cast %get3A_164 : i32 to index
      %get3A_168 = arith.constant 80 : index
      %get3A_169 = tpu.vector_load %arg8[%get3A_165, %get3A_166, %get3A_167, %get3A_168] {strides = array<i32>} : memref<2x8x2x128xi32, #tpu.memory_space<vmem>>, vector<16xi32>,
      tpu.vector_store_idx %arg14[%get3A_169], %broadcast_in_dim3A_13 {add = true} : memref<10240xf32, #tpu.memory_space<vmem>>[vector<16xi32>], vector<16xf32>,
      %get3A_170 = arith.constant 1 : i32
      %get3A_171 = arith.constant 1 : i32
      %get3A_172 = arith.index_cast %select_n3A_50 : i32 to index
      %get3A_173 = arith.index_cast %get3A_170 : i32 to index
      %get3A_174 = arith.index_cast %get3A_171 : i32 to index
      %get3A_175 = arith.constant 96 : index
      %get3A_176 = tpu.vector_load %arg8[%get3A_172, %get3A_173, %get3A_174, %get3A_175] {strides = array<i32>} : memref<2x8x2x128xi32, #tpu.memory_space<vmem>>, vector<16xi32>,
      tpu.vector_store_idx %arg14[%get3A_176], %broadcast_in_dim3A_13 {add = true} : memref<10240xf32, #tpu.memory_space<vmem>>[vector<16xi32>], vector<16xf32>,
      %get3A_177 = arith.constant 1 : i32
      %get3A_178 = arith.constant 1 : i32
      %get3A_179 = arith.index_cast %select_n3A_50 : i32 to index
      %get3A_180 = arith.index_cast %get3A_177 : i32 to index
      %get3A_181 = arith.index_cast %get3A_178 : i32 to index
      %get3A_182 = arith.constant 112 : index
      %get3A_183 = tpu.vector_load %arg8[%get3A_179, %get3A_180, %get3A_181, %get3A_182] {strides = array<i32>} : memref<2x8x2x128xi32, #tpu.memory_space<vmem>>, vector<16xi32>,
      tpu.vector_store_idx %arg14[%get3A_183], %broadcast_in_dim3A_13 {add = true} : memref<10240xf32, #tpu.memory_space<vmem>>[vector<16xi32>], vector<16xf32>,
      %dma_wait3A_184 = arith.constant 1 : i32
      %dma_wait3A_185 = arith.constant 0 : i32
      %dma_wait3A_186 = arith.constant 0 : i32
      %dma_wait3A_187 = tpu.memref_slice %arg8[%select_n3A_50, %dma_wait3A_184, %dma_wait3A_185, %dma_wait3A_186] : memref<2x8x2x128xi32, #tpu.memory_space<vmem>> -> memref<1x1x1x128xi32, #tpu.memory_space<vmem>>
      %dma_wait3A_188 = tpu.memref_squeeze %dma_wait3A_187 : memref<1x1x1x128xi32, #tpu.memory_space<vmem>> -> memref<128xi32, #tpu.memory_space<vmem>>
      %dma_wait3A_189 = arith.constant 0 : i32
      %dma_wait3A_190 = arith.constant 0 : i32
      %dma_wait3A_191 = tpu.memref_slice %arg2[%dma_wait3A_189, %dma_wait3A_190] : memref<10240x128xf32, #tpu.memory_space<hbm>> -> memref<10240x128xf32, #tpu.memory_space<hbm>>
      tpu.wait_indirect_dma semaphore(%arg13 : memref<!tpu.dma_semaphore, #tpu.memory_space<semaphore_mem>>) src(%dma_wait3A_191 : memref<10240x128xf32, #tpu.memory_space<hbm>>) dst(%arg10 : memref<128x128xf32, #tpu.memory_space<vmem>>)
      %run_scoped3A_192 = arith.constant 1 : i32
      %run_scoped3A_193 = arith.constant 1 : i32
      "tpu.region"() ({
        %run_scoped3A_644 = tpu.sem_alloc : memref<!tpu.dma_semaphore, #tpu.memory_space<semaphore_mem>>
        %dma_start3A_645 = arith.constant 0 : i32
        %dma_start3A_646 = tpu.memref_slice %arg8[%select_n3A_50, %run_scoped3A_192, %run_scoped3A_193, %dma_start3A_645] : memref<2x8x2x128xi32, #tpu.memory_space<vmem>> -> memref<1x1x1x128xi32, #tpu.memory_space<vmem>>
        %dma_start3A_647 = tpu.memref_squeeze %dma_start3A_646 : memref<1x1x1x128xi32, #tpu.memory_space<vmem>> -> memref<128xi32, #tpu.memory_space<vmem>>
        %dma_start3A_648 = arith.constant 0 : i32
        %dma_start3A_649 = arith.constant 0 : i32
        %dma_start3A_650 = tpu.memref_slice %arg11[%dma_start3A_648, %dma_start3A_649] : memref<10240x128xf32, #tpu.memory_space<vmem_shared>> -> memref<10240x128xf32, #tpu.memory_space<vmem_shared>>
        tpu.enqueue_indirect_dma source(%arg10 : memref<128x128xf32, #tpu.memory_space<vmem>>) target(%dma_start3A_650 : memref<10240x128xf32, #tpu.memory_space<vmem_shared>>) offsets(%dma_start3A_647 : memref<128xi32, #tpu.memory_space<vmem>>) semaphore(%run_scoped3A_644 : memref<!tpu.dma_semaphore, #tpu.memory_space<semaphore_mem>>) {add = true}
        %dma_wait3A_651 = arith.constant 0 : i32
        %dma_wait3A_652 = tpu.memref_slice %arg8[%select_n3A_50, %run_scoped3A_192, %run_scoped3A_193, %dma_wait3A_651] : memref<2x8x2x128xi32, #tpu.memory_space<vmem>> -> memref<1x1x1x128xi32, #tpu.memory_space<vmem>>
        %dma_wait3A_653 = tpu.memref_squeeze %dma_wait3A_652 : memref<1x1x1x128xi32, #tpu.memory_space<vmem>> -> memref<128xi32, #tpu.memory_space<vmem>>
        %dma_wait3A_654 = arith.constant 0 : i32
        %dma_wait3A_655 = arith.constant 0 : i32
        %dma_wait3A_656 = tpu.memref_slice %arg11[%dma_wait3A_654, %dma_wait3A_655] : memref<10240x128xf32, #tpu.memory_space<vmem_shared>> -> memref<10240x128xf32, #tpu.memory_space<vmem_shared>>
        tpu.wait_indirect_dma semaphore(%run_scoped3A_644 : memref<!tpu.dma_semaphore, #tpu.memory_space<semaphore_mem>>) src(%arg10 : memref<128x128xf32, #tpu.memory_space<vmem>>) dst(%dma_wait3A_656 : memref<10240x128xf32, #tpu.memory_space<vmem_shared>>)
        tpu.yield
      }) : () -> ()
      %dma_start3A_194 = arith.constant 3 : i32
      %dma_start3A_195 = arith.constant 0 : i32
      %dma_start3A_196 = arith.constant 0 : i32
      %dma_start3A_197 = tpu.memref_slice %arg8[%select_n3A_50, %dma_start3A_194, %dma_start3A_195, %dma_start3A_196] : memref<2x8x2x128xi32, #tpu.memory_space<vmem>> -> memref<1x1x1x128xi32, #tpu.memory_space<vmem>>
      %dma_start3A_198 = tpu.memref_squeeze %dma_start3A_197 : memref<1x1x1x128xi32, #tpu.memory_space<vmem>> -> memref<128xi32, #tpu.memory_space<vmem>>
      %dma_start3A_199 = arith.constant 0 : i32
      %dma_start3A_200 = arith.constant 0 : i32
      %dma_start3A_201 = tpu.memref_slice %arg2[%dma_start3A_199, %dma_start3A_200] : memref<10240x128xf32, #tpu.memory_space<hbm>> -> memref<10240x128xf32, #tpu.memory_space<hbm>>
      tpu.enqueue_indirect_dma source(%dma_start3A_201 : memref<10240x128xf32, #tpu.memory_space<hbm>>) target(%arg10 : memref<128x128xf32, #tpu.memory_space<vmem>>) offsets(%dma_start3A_198 : memref<128xi32, #tpu.memory_space<vmem>>) semaphore(%arg13 : memref<!tpu.dma_semaphore, #tpu.memory_space<semaphore_mem>>)
      %get3A_202 = arith.constant 2 : i32
      %get3A_203 = arith.constant 1 : i32
      %get3A_204 = arith.index_cast %select_n3A_50 : i32 to index
      %get3A_205 = arith.index_cast %get3A_202 : i32 to index
      %get3A_206 = arith.index_cast %get3A_203 : i32 to index
      %get3A_207 = arith.constant 0 : index
      %get3A_208 = tpu.vector_load %arg8[%get3A_204, %get3A_205, %get3A_206, %get3A_207] {strides = array<i32>} : memref<2x8x2x128xi32, #tpu.memory_space<vmem>>, vector<16xi32>,
      tpu.vector_store_idx %arg14[%get3A_208], %broadcast_in_dim3A_13 {add = true} : memref<10240xf32, #tpu.memory_space<vmem>>[vector<16xi32>], vector<16xf32>,
      %get3A_209 = arith.constant 2 : i32
      %get3A_210 = arith.constant 1 : i32
      %get3A_211 = arith.index_cast %select_n3A_50 : i32 to index
      %get3A_212 = arith.index_cast %get3A_209 : i32 to index
      %get3A_213 = arith.index_cast %get3A_210 : i32 to index
      %get3A_214 = arith.constant 16 : index
      %get3A_215 = tpu.vector_load %arg8[%get3A_211, %get3A_212, %get3A_213, %get3A_214] {strides = array<i32>} : memref<2x8x2x128xi32, #tpu.memory_space<vmem>>, vector<16xi32>,
      tpu.vector_store_idx %arg14[%get3A_215], %broadcast_in_dim3A_13 {add = true} : memref<10240xf32, #tpu.memory_space<vmem>>[vector<16xi32>], vector<16xf32>,
      %get3A_216 = arith.constant 2 : i32
      %get3A_217 = arith.constant 1 : i32
      %get3A_218 = arith.index_cast %select_n3A_50 : i32 to index
      %get3A_219 = arith.index_cast %get3A_216 : i32 to index
      %get3A_220 = arith.index_cast %get3A_217 : i32 to index
      %get3A_221 = arith.constant 32 : index
      %get3A_222 = tpu.vector_load %arg8[%get3A_218, %get3A_219, %get3A_220, %get3A_221] {strides = array<i32>} : memref<2x8x2x128xi32, #tpu.memory_space<vmem>>, vector<16xi32>,
      tpu.vector_store_idx %arg14[%get3A_222], %broadcast_in_dim3A_13 {add = true} : memref<10240xf32, #tpu.memory_space<vmem>>[vector<16xi32>], vector<16xf32>,
      %get3A_223 = arith.constant 2 : i32
      %get3A_224 = arith.constant 1 : i32
      %get3A_225 = arith.index_cast %select_n3A_50 : i32 to index
      %get3A_226 = arith.index_cast %get3A_223 : i32 to index
      %get3A_227 = arith.index_cast %get3A_224 : i32 to index
      %get3A_228 = arith.constant 48 : index
      %get3A_229 = tpu.vector_load %arg8[%get3A_225, %get3A_226, %get3A_227, %get3A_228] {strides = array<i32>} : memref<2x8x2x128xi32, #tpu.memory_space<vmem>>, vector<16xi32>,
      tpu.vector_store_idx %arg14[%get3A_229], %broadcast_in_dim3A_13 {add = true} : memref<10240xf32, #tpu.memory_space<vmem>>[vector<16xi32>], vector<16xf32>,
      %get3A_230 = arith.constant 2 : i32
      %get3A_231 = arith.constant 1 : i32
      %get3A_232 = arith.index_cast %select_n3A_50 : i32 to index
      %get3A_233 = arith.index_cast %get3A_230 : i32 to index
      %get3A_234 = arith.index_cast %get3A_231 : i32 to index
      %get3A_235 = arith.constant 64 : index
      %get3A_236 = tpu.vector_load %arg8[%get3A_232, %get3A_233, %get3A_234, %get3A_235] {strides = array<i32>} : memref<2x8x2x128xi32, #tpu.memory_space<vmem>>, vector<16xi32>,
      tpu.vector_store_idx %arg14[%get3A_236], %broadcast_in_dim3A_13 {add = true} : memref<10240xf32, #tpu.memory_space<vmem>>[vector<16xi32>], vector<16xf32>,
      %get3A_237 = arith.constant 2 : i32
      %get3A_238 = arith.constant 1 : i32
      %get3A_239 = arith.index_cast %select_n3A_50 : i32 to index
      %get3A_240 = arith.index_cast %get3A_237 : i32 to index
      %get3A_241 = arith.index_cast %get3A_238 : i32 to index
      %get3A_242 = arith.constant 80 : index
      %get3A_243 = tpu.vector_load %arg8[%get3A_239, %get3A_240, %get3A_241, %get3A_242] {strides = array<i32>} : memref<2x8x2x128xi32, #tpu.memory_space<vmem>>, vector<16xi32>,
      tpu.vector_store_idx %arg14[%get3A_243], %broadcast_in_dim3A_13 {add = true} : memref<10240xf32, #tpu.memory_space<vmem>>[vector<16xi32>], vector<16xf32>,
      %get3A_244 = arith.constant 2 : i32
      %get3A_245 = arith.constant 1 : i32
      %get3A_246 = arith.index_cast %select_n3A_50 : i32 to index
      %get3A_247 = arith.index_cast %get3A_244 : i32 to index
      %get3A_248 = arith.index_cast %get3A_245 : i32 to index
      %get3A_249 = arith.constant 96 : index
      %get3A_250 = tpu.vector_load %arg8[%get3A_246, %get3A_247, %get3A_248, %get3A_249] {strides = array<i32>} : memref<2x8x2x128xi32, #tpu.memory_space<vmem>>, vector<16xi32>,
      tpu.vector_store_idx %arg14[%get3A_250], %broadcast_in_dim3A_13 {add = true} : memref<10240xf32, #tpu.memory_space<vmem>>[vector<16xi32>], vector<16xf32>,
      %get3A_251 = arith.constant 2 : i32
      %get3A_252 = arith.constant 1 : i32
      %get3A_253 = arith.index_cast %select_n3A_50 : i32 to index
      %get3A_254 = arith.index_cast %get3A_251 : i32 to index
      %get3A_255 = arith.index_cast %get3A_252 : i32 to index
      %get3A_256 = arith.constant 112 : index
      %get3A_257 = tpu.vector_load %arg8[%get3A_253, %get3A_254, %get3A_255, %get3A_256] {strides = array<i32>} : memref<2x8x2x128xi32, #tpu.memory_space<vmem>>, vector<16xi32>,
      tpu.vector_store_idx %arg14[%get3A_257], %broadcast_in_dim3A_13 {add = true} : memref<10240xf32, #tpu.memory_space<vmem>>[vector<16xi32>], vector<16xf32>,
      %dma_wait3A_258 = arith.constant 2 : i32
      %dma_wait3A_259 = arith.constant 0 : i32
      %dma_wait3A_260 = arith.constant 0 : i32
      %dma_wait3A_261 = tpu.memref_slice %arg8[%select_n3A_50, %dma_wait3A_258, %dma_wait3A_259, %dma_wait3A_260] : memref<2x8x2x128xi32, #tpu.memory_space<vmem>> -> memref<1x1x1x128xi32, #tpu.memory_space<vmem>>
      %dma_wait3A_262 = tpu.memref_squeeze %dma_wait3A_261 : memref<1x1x1x128xi32, #tpu.memory_space<vmem>> -> memref<128xi32, #tpu.memory_space<vmem>>
      %dma_wait3A_263 = arith.constant 0 : i32
      %dma_wait3A_264 = arith.constant 0 : i32
      %dma_wait3A_265 = tpu.memref_slice %arg2[%dma_wait3A_263, %dma_wait3A_264] : memref<10240x128xf32, #tpu.memory_space<hbm>> -> memref<10240x128xf32, #tpu.memory_space<hbm>>
      tpu.wait_indirect_dma semaphore(%arg12 : memref<!tpu.dma_semaphore, #tpu.memory_space<semaphore_mem>>) src(%dma_wait3A_265 : memref<10240x128xf32, #tpu.memory_space<hbm>>) dst(%arg9 : memref<128x128xf32, #tpu.memory_space<vmem>>)
      %run_scoped3A_266 = arith.constant 2 : i32
      %run_scoped3A_267 = arith.constant 1 : i32
      "tpu.region"() ({
        %run_scoped3A_644 = tpu.sem_alloc : memref<!tpu.dma_semaphore, #tpu.memory_space<semaphore_mem>>
        %dma_start3A_645 = arith.constant 0 : i32
        %dma_start3A_646 = tpu.memref_slice %arg8[%select_n3A_50, %run_scoped3A_266, %run_scoped3A_267, %dma_start3A_645] : memref<2x8x2x128xi32, #tpu.memory_space<vmem>> -> memref<1x1x1x128xi32, #tpu.memory_space<vmem>>
        %dma_start3A_647 = tpu.memref_squeeze %dma_start3A_646 : memref<1x1x1x128xi32, #tpu.memory_space<vmem>> -> memref<128xi32, #tpu.memory_space<vmem>>
        %dma_start3A_648 = arith.constant 0 : i32
        %dma_start3A_649 = arith.constant 0 : i32
        %dma_start3A_650 = tpu.memref_slice %arg11[%dma_start3A_648, %dma_start3A_649] : memref<10240x128xf32, #tpu.memory_space<vmem_shared>> -> memref<10240x128xf32, #tpu.memory_space<vmem_shared>>
        tpu.enqueue_indirect_dma source(%arg9 : memref<128x128xf32, #tpu.memory_space<vmem>>) target(%dma_start3A_650 : memref<10240x128xf32, #tpu.memory_space<vmem_shared>>) offsets(%dma_start3A_647 : memref<128xi32, #tpu.memory_space<vmem>>) semaphore(%run_scoped3A_644 : memref<!tpu.dma_semaphore, #tpu.memory_space<semaphore_mem>>) {add = true}
        %dma_wait3A_651 = arith.constant 0 : i32
        %dma_wait3A_652 = tpu.memref_slice %arg8[%select_n3A_50, %run_scoped3A_266, %run_scoped3A_267, %dma_wait3A_651] : memref<2x8x2x128xi32, #tpu.memory_space<vmem>> -> memref<1x1x1x128xi32, #tpu.memory_space<vmem>>
        %dma_wait3A_653 = tpu.memref_squeeze %dma_wait3A_652 : memref<1x1x1x128xi32, #tpu.memory_space<vmem>> -> memref<128xi32, #tpu.memory_space<vmem>>
        %dma_wait3A_654 = arith.constant 0 : i32
        %dma_wait3A_655 = arith.constant 0 : i32
        %dma_wait3A_656 = tpu.memref_slice %arg11[%dma_wait3A_654, %dma_wait3A_655] : memref<10240x128xf32, #tpu.memory_space<vmem_shared>> -> memref<10240x128xf32, #tpu.memory_space<vmem_shared>>
        tpu.wait_indirect_dma semaphore(%run_scoped3A_644 : memref<!tpu.dma_semaphore, #tpu.memory_space<semaphore_mem>>) src(%arg9 : memref<128x128xf32, #tpu.memory_space<vmem>>) dst(%dma_wait3A_656 : memref<10240x128xf32, #tpu.memory_space<vmem_shared>>)
        tpu.yield
      }) : () -> ()
      %dma_start3A_268 = arith.constant 4 : i32
      %dma_start3A_269 = arith.constant 0 : i32
      %dma_start3A_270 = arith.constant 0 : i32
      %dma_start3A_271 = tpu.memref_slice %arg8[%select_n3A_50, %dma_start3A_268, %dma_start3A_269, %dma_start3A_270] : memref<2x8x2x128xi32, #tpu.memory_space<vmem>> -> memref<1x1x1x128xi32, #tpu.memory_space<vmem>>
      %dma_start3A_272 = tpu.memref_squeeze %dma_start3A_271 : memref<1x1x1x128xi32, #tpu.memory_space<vmem>> -> memref<128xi32, #tpu.memory_space<vmem>>
      %dma_start3A_273 = arith.constant 0 : i32
      %dma_start3A_274 = arith.constant 0 : i32
      %dma_start3A_275 = tpu.memref_slice %arg2[%dma_start3A_273, %dma_start3A_274] : memref<10240x128xf32, #tpu.memory_space<hbm>> -> memref<10240x128xf32, #tpu.memory_space<hbm>>
      tpu.enqueue_indirect_dma source(%dma_start3A_275 : memref<10240x128xf32, #tpu.memory_space<hbm>>) target(%arg9 : memref<128x128xf32, #tpu.memory_space<vmem>>) offsets(%dma_start3A_272 : memref<128xi32, #tpu.memory_space<vmem>>) semaphore(%arg12 : memref<!tpu.dma_semaphore, #tpu.memory_space<semaphore_mem>>)
      %get3A_276 = arith.constant 3 : i32
      %get3A_277 = arith.constant 1 : i32
      %get3A_278 = arith.index_cast %select_n3A_50 : i32 to index
      %get3A_279 = arith.index_cast %get3A_276 : i32 to index
      %get3A_280 = arith.index_cast %get3A_277 : i32 to index
      %get3A_281 = arith.constant 0 : index
      %get3A_282 = tpu.vector_load %arg8[%get3A_278, %get3A_279, %get3A_280, %get3A_281] {strides = array<i32>} : memref<2x8x2x128xi32, #tpu.memory_space<vmem>>, vector<16xi32>,
      tpu.vector_store_idx %arg14[%get3A_282], %broadcast_in_dim3A_13 {add = true} : memref<10240xf32, #tpu.memory_space<vmem>>[vector<16xi32>], vector<16xf32>,
      %get3A_283 = arith.constant 3 : i32
      %get3A_284 = arith.constant 1 : i32
      %get3A_285 = arith.index_cast %select_n3A_50 : i32 to index
      %get3A_286 = arith.index_cast %get3A_283 : i32 to index
      %get3A_287 = arith.index_cast %get3A_284 : i32 to index
      %get3A_288 = arith.constant 16 : index
      %get3A_289 = tpu.vector_load %arg8[%get3A_285, %get3A_286, %get3A_287, %get3A_288] {strides = array<i32>} : memref<2x8x2x128xi32, #tpu.memory_space<vmem>>, vector<16xi32>,
      tpu.vector_store_idx %arg14[%get3A_289], %broadcast_in_dim3A_13 {add = true} : memref<10240xf32, #tpu.memory_space<vmem>>[vector<16xi32>], vector<16xf32>,
      %get3A_290 = arith.constant 3 : i32
      %get3A_291 = arith.constant 1 : i32
      %get3A_292 = arith.index_cast %select_n3A_50 : i32 to index
      %get3A_293 = arith.index_cast %get3A_290 : i32 to index
      %get3A_294 = arith.index_cast %get3A_291 : i32 to index
      %get3A_295 = arith.constant 32 : index
      %get3A_296 = tpu.vector_load %arg8[%get3A_292, %get3A_293, %get3A_294, %get3A_295] {strides = array<i32>} : memref<2x8x2x128xi32, #tpu.memory_space<vmem>>, vector<16xi32>,
      tpu.vector_store_idx %arg14[%get3A_296], %broadcast_in_dim3A_13 {add = true} : memref<10240xf32, #tpu.memory_space<vmem>>[vector<16xi32>], vector<16xf32>,
      %get3A_297 = arith.constant 3 : i32
      %get3A_298 = arith.constant 1 : i32
      %get3A_299 = arith.index_cast %select_n3A_50 : i32 to index
      %get3A_300 = arith.index_cast %get3A_297 : i32 to index
      %get3A_301 = arith.index_cast %get3A_298 : i32 to index
      %get3A_302 = arith.constant 48 : index
      %get3A_303 = tpu.vector_load %arg8[%get3A_299, %get3A_300, %get3A_301, %get3A_302] {strides = array<i32>} : memref<2x8x2x128xi32, #tpu.memory_space<vmem>>, vector<16xi32>,
      tpu.vector_store_idx %arg14[%get3A_303], %broadcast_in_dim3A_13 {add = true} : memref<10240xf32, #tpu.memory_space<vmem>>[vector<16xi32>], vector<16xf32>,
      %get3A_304 = arith.constant 3 : i32
      %get3A_305 = arith.constant 1 : i32
      %get3A_306 = arith.index_cast %select_n3A_50 : i32 to index
      %get3A_307 = arith.index_cast %get3A_304 : i32 to index
      %get3A_308 = arith.index_cast %get3A_305 : i32 to index
      %get3A_309 = arith.constant 64 : index
      %get3A_310 = tpu.vector_load %arg8[%get3A_306, %get3A_307, %get3A_308, %get3A_309] {strides = array<i32>} : memref<2x8x2x128xi32, #tpu.memory_space<vmem>>, vector<16xi32>,
      tpu.vector_store_idx %arg14[%get3A_310], %broadcast_in_dim3A_13 {add = true} : memref<10240xf32, #tpu.memory_space<vmem>>[vector<16xi32>], vector<16xf32>,
      %get3A_311 = arith.constant 3 : i32
      %get3A_312 = arith.constant 1 : i32
      %get3A_313 = arith.index_cast %select_n3A_50 : i32 to index
      %get3A_314 = arith.index_cast %get3A_311 : i32 to index
      %get3A_315 = arith.index_cast %get3A_312 : i32 to index
      %get3A_316 = arith.constant 80 : index
      %get3A_317 = tpu.vector_load %arg8[%get3A_313, %get3A_314, %get3A_315, %get3A_316] {strides = array<i32>} : memref<2x8x2x128xi32, #tpu.memory_space<vmem>>, vector<16xi32>,
      tpu.vector_store_idx %arg14[%get3A_317], %broadcast_in_dim3A_13 {add = true} : memref<10240xf32, #tpu.memory_space<vmem>>[vector<16xi32>], vector<16xf32>,
      %get3A_318 = arith.constant 3 : i32
      %get3A_319 = arith.constant 1 : i32
      %get3A_320 = arith.index_cast %select_n3A_50 : i32 to index
      %get3A_321 = arith.index_cast %get3A_318 : i32 to index
      %get3A_322 = arith.index_cast %get3A_319 : i32 to index
      %get3A_323 = arith.constant 96 : index
      %get3A_324 = tpu.vector_load %arg8[%get3A_320, %get3A_321, %get3A_322, %get3A_323] {strides = array<i32>} : memref<2x8x2x128xi32, #tpu.memory_space<vmem>>, vector<16xi32>,
      tpu.vector_store_idx %arg14[%get3A_324], %broadcast_in_dim3A_13 {add = true} : memref<10240xf32, #tpu.memory_space<vmem>>[vector<16xi32>], vector<16xf32>,
      %get3A_325 = arith.constant 3 : i32
      %get3A_326 = arith.constant 1 : i32
      %get3A_327 = arith.index_cast %select_n3A_50 : i32 to index
      %get3A_328 = arith.index_cast %get3A_325 : i32 to index
      %get3A_329 = arith.index_cast %get3A_326 : i32 to index
      %get3A_330 = arith.constant 112 : index
      %get3A_331 = tpu.vector_load %arg8[%get3A_327, %get3A_328, %get3A_329, %get3A_330] {strides = array<i32>} : memref<2x8x2x128xi32, #tpu.memory_space<vmem>>, vector<16xi32>,
      tpu.vector_store_idx %arg14[%get3A_331], %broadcast_in_dim3A_13 {add = true} : memref<10240xf32, #tpu.memory_space<vmem>>[vector<16xi32>], vector<16xf32>,
      %dma_wait3A_332 = arith.constant 3 : i32
      %dma_wait3A_333 = arith.constant 0 : i32
      %dma_wait3A_334 = arith.constant 0 : i32
      %dma_wait3A_335 = tpu.memref_slice %arg8[%select_n3A_50, %dma_wait3A_332, %dma_wait3A_333, %dma_wait3A_334] : memref<2x8x2x128xi32, #tpu.memory_space<vmem>> -> memref<1x1x1x128xi32, #tpu.memory_space<vmem>>
      %dma_wait3A_336 = tpu.memref_squeeze %dma_wait3A_335 : memref<1x1x1x128xi32, #tpu.memory_space<vmem>> -> memref<128xi32, #tpu.memory_space<vmem>>
      %dma_wait3A_337 = arith.constant 0 : i32
      %dma_wait3A_338 = arith.constant 0 : i32
      %dma_wait3A_339 = tpu.memref_slice %arg2[%dma_wait3A_337, %dma_wait3A_338] : memref<10240x128xf32, #tpu.memory_space<hbm>> -> memref<10240x128xf32, #tpu.memory_space<hbm>>
      tpu.wait_indirect_dma semaphore(%arg13 : memref<!tpu.dma_semaphore, #tpu.memory_space<semaphore_mem>>) src(%dma_wait3A_339 : memref<10240x128xf32, #tpu.memory_space<hbm>>) dst(%arg10 : memref<128x128xf32, #tpu.memory_space<vmem>>)
      %run_scoped3A_340 = arith.constant 3 : i32
      %run_scoped3A_341 = arith.constant 1 : i32
      "tpu.region"() ({
        %run_scoped3A_644 = tpu.sem_alloc : memref<!tpu.dma_semaphore, #tpu.memory_space<semaphore_mem>>
        %dma_start3A_645 = arith.constant 0 : i32
        %dma_start3A_646 = tpu.memref_slice %arg8[%select_n3A_50, %run_scoped3A_340, %run_scoped3A_341, %dma_start3A_645] : memref<2x8x2x128xi32, #tpu.memory_space<vmem>> -> memref<1x1x1x128xi32, #tpu.memory_space<vmem>>
        %dma_start3A_647 = tpu.memref_squeeze %dma_start3A_646 : memref<1x1x1x128xi32, #tpu.memory_space<vmem>> -> memref<128xi32, #tpu.memory_space<vmem>>
        %dma_start3A_648 = arith.constant 0 : i32
        %dma_start3A_649 = arith.constant 0 : i32
        %dma_start3A_650 = tpu.memref_slice %arg11[%dma_start3A_648, %dma_start3A_649] : memref<10240x128xf32, #tpu.memory_space<vmem_shared>> -> memref<10240x128xf32, #tpu.memory_space<vmem_shared>>
        tpu.enqueue_indirect_dma source(%arg10 : memref<128x128xf32, #tpu.memory_space<vmem>>) target(%dma_start3A_650 : memref<10240x128xf32, #tpu.memory_space<vmem_shared>>) offsets(%dma_start3A_647 : memref<128xi32, #tpu.memory_space<vmem>>) semaphore(%run_scoped3A_644 : memref<!tpu.dma_semaphore, #tpu.memory_space<semaphore_mem>>) {add = true}
        %dma_wait3A_651 = arith.constant 0 : i32
        %dma_wait3A_652 = tpu.memref_slice %arg8[%select_n3A_50, %run_scoped3A_340, %run_scoped3A_341, %dma_wait3A_651] : memref<2x8x2x128xi32, #tpu.memory_space<vmem>> -> memref<1x1x1x128xi32, #tpu.memory_space<vmem>>
        %dma_wait3A_653 = tpu.memref_squeeze %dma_wait3A_652 : memref<1x1x1x128xi32, #tpu.memory_space<vmem>> -> memref<128xi32, #tpu.memory_space<vmem>>
        %dma_wait3A_654 = arith.constant 0 : i32
        %dma_wait3A_655 = arith.constant 0 : i32
        %dma_wait3A_656 = tpu.memref_slice %arg11[%dma_wait3A_654, %dma_wait3A_655] : memref<10240x128xf32, #tpu.memory_space<vmem_shared>> -> memref<10240x128xf32, #tpu.memory_space<vmem_shared>>
        tpu.wait_indirect_dma semaphore(%run_scoped3A_644 : memref<!tpu.dma_semaphore, #tpu.memory_space<semaphore_mem>>) src(%arg10 : memref<128x128xf32, #tpu.memory_space<vmem>>) dst(%dma_wait3A_656 : memref<10240x128xf32, #tpu.memory_space<vmem_shared>>)
        tpu.yield
      }) : () -> ()
      %dma_start3A_342 = arith.constant 5 : i32
      %dma_start3A_343 = arith.constant 0 : i32
      %dma_start3A_344 = arith.constant 0 : i32
      %dma_start3A_345 = tpu.memref_slice %arg8[%select_n3A_50, %dma_start3A_342, %dma_start3A_343, %dma_start3A_344] : memref<2x8x2x128xi32, #tpu.memory_space<vmem>> -> memref<1x1x1x128xi32, #tpu.memory_space<vmem>>
      %dma_start3A_346 = tpu.memref_squeeze %dma_start3A_345 : memref<1x1x1x128xi32, #tpu.memory_space<vmem>> -> memref<128xi32, #tpu.memory_space<vmem>>
      %dma_start3A_347 = arith.constant 0 : i32
      %dma_start3A_348 = arith.constant 0 : i32
      %dma_start3A_349 = tpu.memref_slice %arg2[%dma_start3A_347, %dma_start3A_348] : memref<10240x128xf32, #tpu.memory_space<hbm>> -> memref<10240x128xf32, #tpu.memory_space<hbm>>
      tpu.enqueue_indirect_dma source(%dma_start3A_349 : memref<10240x128xf32, #tpu.memory_space<hbm>>) target(%arg10 : memref<128x128xf32, #tpu.memory_space<vmem>>) offsets(%dma_start3A_346 : memref<128xi32, #tpu.memory_space<vmem>>) semaphore(%arg13 : memref<!tpu.dma_semaphore, #tpu.memory_space<semaphore_mem>>)
      %get3A_350 = arith.constant 4 : i32
      %get3A_351 = arith.constant 1 : i32
      %get3A_352 = arith.index_cast %select_n3A_50 : i32 to index
      %get3A_353 = arith.index_cast %get3A_350 : i32 to index
      %get3A_354 = arith.index_cast %get3A_351 : i32 to index
      %get3A_355 = arith.constant 0 : index
      %get3A_356 = tpu.vector_load %arg8[%get3A_352, %get3A_353, %get3A_354, %get3A_355] {strides = array<i32>} : memref<2x8x2x128xi32, #tpu.memory_space<vmem>>, vector<16xi32>,
      tpu.vector_store_idx %arg14[%get3A_356], %broadcast_in_dim3A_13 {add = true} : memref<10240xf32, #tpu.memory_space<vmem>>[vector<16xi32>], vector<16xf32>,
      %get3A_357 = arith.constant 4 : i32
      %get3A_358 = arith.constant 1 : i32
      %get3A_359 = arith.index_cast %select_n3A_50 : i32 to index
      %get3A_360 = arith.index_cast %get3A_357 : i32 to index
      %get3A_361 = arith.index_cast %get3A_358 : i32 to index
      %get3A_362 = arith.constant 16 : index
      %get3A_363 = tpu.vector_load %arg8[%get3A_359, %get3A_360, %get3A_361, %get3A_362] {strides = array<i32>} : memref<2x8x2x128xi32, #tpu.memory_space<vmem>>, vector<16xi32>,
      tpu.vector_store_idx %arg14[%get3A_363], %broadcast_in_dim3A_13 {add = true} : memref<10240xf32, #tpu.memory_space<vmem>>[vector<16xi32>], vector<16xf32>,
      %get3A_364 = arith.constant 4 : i32
      %get3A_365 = arith.constant 1 : i32
      %get3A_366 = arith.index_cast %select_n3A_50 : i32 to index
      %get3A_367 = arith.index_cast %get3A_364 : i32 to index
      %get3A_368 = arith.index_cast %get3A_365 : i32 to index
      %get3A_369 = arith.constant 32 : index
      %get3A_370 = tpu.vector_load %arg8[%get3A_366, %get3A_367, %get3A_368, %get3A_369] {strides = array<i32>} : memref<2x8x2x128xi32, #tpu.memory_space<vmem>>, vector<16xi32>,
      tpu.vector_store_idx %arg14[%get3A_370], %broadcast_in_dim3A_13 {add = true} : memref<10240xf32, #tpu.memory_space<vmem>>[vector<16xi32>], vector<16xf32>,
      %get3A_371 = arith.constant 4 : i32
      %get3A_372 = arith.constant 1 : i32
      %get3A_373 = arith.index_cast %select_n3A_50 : i32 to index
      %get3A_374 = arith.index_cast %get3A_371 : i32 to index
      %get3A_375 = arith.index_cast %get3A_372 : i32 to index
      %get3A_376 = arith.constant 48 : index
      %get3A_377 = tpu.vector_load %arg8[%get3A_373, %get3A_374, %get3A_375, %get3A_376] {strides = array<i32>} : memref<2x8x2x128xi32, #tpu.memory_space<vmem>>, vector<16xi32>,
      tpu.vector_store_idx %arg14[%get3A_377], %broadcast_in_dim3A_13 {add = true} : memref<10240xf32, #tpu.memory_space<vmem>>[vector<16xi32>], vector<16xf32>,
      %get3A_378 = arith.constant 4 : i32
      %get3A_379 = arith.constant 1 : i32
      %get3A_380 = arith.index_cast %select_n3A_50 : i32 to index
      %get3A_381 = arith.index_cast %get3A_378 : i32 to index
      %get3A_382 = arith.index_cast %get3A_379 : i32 to index
      %get3A_383 = arith.constant 64 : index
      %get3A_384 = tpu.vector_load %arg8[%get3A_380, %get3A_381, %get3A_382, %get3A_383] {strides = array<i32>} : memref<2x8x2x128xi32, #tpu.memory_space<vmem>>, vector<16xi32>,
      tpu.vector_store_idx %arg14[%get3A_384], %broadcast_in_dim3A_13 {add = true} : memref<10240xf32, #tpu.memory_space<vmem>>[vector<16xi32>], vector<16xf32>,
      %get3A_385 = arith.constant 4 : i32
      %get3A_386 = arith.constant 1 : i32
      %get3A_387 = arith.index_cast %select_n3A_50 : i32 to index
      %get3A_388 = arith.index_cast %get3A_385 : i32 to index
      %get3A_389 = arith.index_cast %get3A_386 : i32 to index
      %get3A_390 = arith.constant 80 : index
      %get3A_391 = tpu.vector_load %arg8[%get3A_387, %get3A_388, %get3A_389, %get3A_390] {strides = array<i32>} : memref<2x8x2x128xi32, #tpu.memory_space<vmem>>, vector<16xi32>,
      tpu.vector_store_idx %arg14[%get3A_391], %broadcast_in_dim3A_13 {add = true} : memref<10240xf32, #tpu.memory_space<vmem>>[vector<16xi32>], vector<16xf32>,
      %get3A_392 = arith.constant 4 : i32
      %get3A_393 = arith.constant 1 : i32
      %get3A_394 = arith.index_cast %select_n3A_50 : i32 to index
      %get3A_395 = arith.index_cast %get3A_392 : i32 to index
      %get3A_396 = arith.index_cast %get3A_393 : i32 to index
      %get3A_397 = arith.constant 96 : index
      %get3A_398 = tpu.vector_load %arg8[%get3A_394, %get3A_395, %get3A_396, %get3A_397] {strides = array<i32>} : memref<2x8x2x128xi32, #tpu.memory_space<vmem>>, vector<16xi32>,
      tpu.vector_store_idx %arg14[%get3A_398], %broadcast_in_dim3A_13 {add = true} : memref<10240xf32, #tpu.memory_space<vmem>>[vector<16xi32>], vector<16xf32>,
      %get3A_399 = arith.constant 4 : i32
      %get3A_400 = arith.constant 1 : i32
      %get3A_401 = arith.index_cast %select_n3A_50 : i32 to index
      %get3A_402 = arith.index_cast %get3A_399 : i32 to index
      %get3A_403 = arith.index_cast %get3A_400 : i32 to index
      %get3A_404 = arith.constant 112 : index
      %get3A_405 = tpu.vector_load %arg8[%get3A_401, %get3A_402, %get3A_403, %get3A_404] {strides = array<i32>} : memref<2x8x2x128xi32, #tpu.memory_space<vmem>>, vector<16xi32>,
      tpu.vector_store_idx %arg14[%get3A_405], %broadcast_in_dim3A_13 {add = true} : memref<10240xf32, #tpu.memory_space<vmem>>[vector<16xi32>], vector<16xf32>,
      %dma_wait3A_406 = arith.constant 4 : i32
      %dma_wait3A_407 = arith.constant 0 : i32
      %dma_wait3A_408 = arith.constant 0 : i32
      %dma_wait3A_409 = tpu.memref_slice %arg8[%select_n3A_50, %dma_wait3A_406, %dma_wait3A_407, %dma_wait3A_408] : memref<2x8x2x128xi32, #tpu.memory_space<vmem>> -> memref<1x1x1x128xi32, #tpu.memory_space<vmem>>
      %dma_wait3A_410 = tpu.memref_squeeze %dma_wait3A_409 : memref<1x1x1x128xi32, #tpu.memory_space<vmem>> -> memref<128xi32, #tpu.memory_space<vmem>>
      %dma_wait3A_411 = arith.constant 0 : i32
      %dma_wait3A_412 = arith.constant 0 : i32
      %dma_wait3A_413 = tpu.memref_slice %arg2[%dma_wait3A_411, %dma_wait3A_412] : memref<10240x128xf32, #tpu.memory_space<hbm>> -> memref<10240x128xf32, #tpu.memory_space<hbm>>
      tpu.wait_indirect_dma semaphore(%arg12 : memref<!tpu.dma_semaphore, #tpu.memory_space<semaphore_mem>>) src(%dma_wait3A_413 : memref<10240x128xf32, #tpu.memory_space<hbm>>) dst(%arg9 : memref<128x128xf32, #tpu.memory_space<vmem>>)
      %run_scoped3A_414 = arith.constant 4 : i32
      %run_scoped3A_415 = arith.constant 1 : i32
      "tpu.region"() ({
        %run_scoped3A_644 = tpu.sem_alloc : memref<!tpu.dma_semaphore, #tpu.memory_space<semaphore_mem>>
        %dma_start3A_645 = arith.constant 0 : i32
        %dma_start3A_646 = tpu.memref_slice %arg8[%select_n3A_50, %run_scoped3A_414, %run_scoped3A_415, %dma_start3A_645] : memref<2x8x2x128xi32, #tpu.memory_space<vmem>> -> memref<1x1x1x128xi32, #tpu.memory_space<vmem>>
        %dma_start3A_647 = tpu.memref_squeeze %dma_start3A_646 : memref<1x1x1x128xi32, #tpu.memory_space<vmem>> -> memref<128xi32, #tpu.memory_space<vmem>>
        %dma_start3A_648 = arith.constant 0 : i32
        %dma_start3A_649 = arith.constant 0 : i32
        %dma_start3A_650 = tpu.memref_slice %arg11[%dma_start3A_648, %dma_start3A_649] : memref<10240x128xf32, #tpu.memory_space<vmem_shared>> -> memref<10240x128xf32, #tpu.memory_space<vmem_shared>>
        tpu.enqueue_indirect_dma source(%arg9 : memref<128x128xf32, #tpu.memory_space<vmem>>) target(%dma_start3A_650 : memref<10240x128xf32, #tpu.memory_space<vmem_shared>>) offsets(%dma_start3A_647 : memref<128xi32, #tpu.memory_space<vmem>>) semaphore(%run_scoped3A_644 : memref<!tpu.dma_semaphore, #tpu.memory_space<semaphore_mem>>) {add = true}
        %dma_wait3A_651 = arith.constant 0 : i32
        %dma_wait3A_652 = tpu.memref_slice %arg8[%select_n3A_50, %run_scoped3A_414, %run_scoped3A_415, %dma_wait3A_651] : memref<2x8x2x128xi32, #tpu.memory_space<vmem>> -> memref<1x1x1x128xi32, #tpu.memory_space<vmem>>
        %dma_wait3A_653 = tpu.memref_squeeze %dma_wait3A_652 : memref<1x1x1x128xi32, #tpu.memory_space<vmem>> -> memref<128xi32, #tpu.memory_space<vmem>>
        %dma_wait3A_654 = arith.constant 0 : i32
        %dma_wait3A_655 = arith.constant 0 : i32
        %dma_wait3A_656 = tpu.memref_slice %arg11[%dma_wait3A_654, %dma_wait3A_655] : memref<10240x128xf32, #tpu.memory_space<vmem_shared>> -> memref<10240x128xf32, #tpu.memory_space<vmem_shared>>
        tpu.wait_indirect_dma semaphore(%run_scoped3A_644 : memref<!tpu.dma_semaphore, #tpu.memory_space<semaphore_mem>>) src(%arg9 : memref<128x128xf32, #tpu.memory_space<vmem>>) dst(%dma_wait3A_656 : memref<10240x128xf32, #tpu.memory_space<vmem_shared>>)
        tpu.yield
      }) : () -> ()
      %dma_start3A_416 = arith.constant 6 : i32
      %dma_start3A_417 = arith.constant 0 : i32
      %dma_start3A_418 = arith.constant 0 : i32
      %dma_start3A_419 = tpu.memref_slice %arg8[%select_n3A_50, %dma_start3A_416, %dma_start3A_417, %dma_start3A_418] : memref<2x8x2x128xi32, #tpu.memory_space<vmem>> -> memref<1x1x1x128xi32, #tpu.memory_space<vmem>>
      %dma_start3A_420 = tpu.memref_squeeze %dma_start3A_419 : memref<1x1x1x128xi32, #tpu.memory_space<vmem>> -> memref<128xi32, #tpu.memory_space<vmem>>
      %dma_start3A_421 = arith.constant 0 : i32
      %dma_start3A_422 = arith.constant 0 : i32
      %dma_start3A_423 = tpu.memref_slice %arg2[%dma_start3A_421, %dma_start3A_422] : memref<10240x128xf32, #tpu.memory_space<hbm>> -> memref<10240x128xf32, #tpu.memory_space<hbm>>
      tpu.enqueue_indirect_dma source(%dma_start3A_423 : memref<10240x128xf32, #tpu.memory_space<hbm>>) target(%arg9 : memref<128x128xf32, #tpu.memory_space<vmem>>) offsets(%dma_start3A_420 : memref<128xi32, #tpu.memory_space<vmem>>) semaphore(%arg12 : memref<!tpu.dma_semaphore, #tpu.memory_space<semaphore_mem>>)
      %get3A_424 = arith.constant 5 : i32
      %get3A_425 = arith.constant 1 : i32
      %get3A_426 = arith.index_cast %select_n3A_50 : i32 to index
      %get3A_427 = arith.index_cast %get3A_424 : i32 to index
      %get3A_428 = arith.index_cast %get3A_425 : i32 to index
      %get3A_429 = arith.constant 0 : index
      %get3A_430 = tpu.vector_load %arg8[%get3A_426, %get3A_427, %get3A_428, %get3A_429] {strides = array<i32>} : memref<2x8x2x128xi32, #tpu.memory_space<vmem>>, vector<16xi32>,
      tpu.vector_store_idx %arg14[%get3A_430], %broadcast_in_dim3A_13 {add = true} : memref<10240xf32, #tpu.memory_space<vmem>>[vector<16xi32>], vector<16xf32>,
      %get3A_431 = arith.constant 5 : i32
      %get3A_432 = arith.constant 1 : i32
      %get3A_433 = arith.index_cast %select_n3A_50 : i32 to index
      %get3A_434 = arith.index_cast %get3A_431 : i32 to index
      %get3A_435 = arith.index_cast %get3A_432 : i32 to index
      %get3A_436 = arith.constant 16 : index
      %get3A_437 = tpu.vector_load %arg8[%get3A_433, %get3A_434, %get3A_435, %get3A_436] {strides = array<i32>} : memref<2x8x2x128xi32, #tpu.memory_space<vmem>>, vector<16xi32>,
      tpu.vector_store_idx %arg14[%get3A_437], %broadcast_in_dim3A_13 {add = true} : memref<10240xf32, #tpu.memory_space<vmem>>[vector<16xi32>], vector<16xf32>,
      %get3A_438 = arith.constant 5 : i32
      %get3A_439 = arith.constant 1 : i32
      %get3A_440 = arith.index_cast %select_n3A_50 : i32 to index
      %get3A_441 = arith.index_cast %get3A_438 : i32 to index
      %get3A_442 = arith.index_cast %get3A_439 : i32 to index
      %get3A_443 = arith.constant 32 : index
      %get3A_444 = tpu.vector_load %arg8[%get3A_440, %get3A_441, %get3A_442, %get3A_443] {strides = array<i32>} : memref<2x8x2x128xi32, #tpu.memory_space<vmem>>, vector<16xi32>,
      tpu.vector_store_idx %arg14[%get3A_444], %broadcast_in_dim3A_13 {add = true} : memref<10240xf32, #tpu.memory_space<vmem>>[vector<16xi32>], vector<16xf32>,
      %get3A_445 = arith.constant 5 : i32
      %get3A_446 = arith.constant 1 : i32
      %get3A_447 = arith.index_cast %select_n3A_50 : i32 to index
      %get3A_448 = arith.index_cast %get3A_445 : i32 to index
      %get3A_449 = arith.index_cast %get3A_446 : i32 to index
      %get3A_450 = arith.constant 48 : index
      %get3A_451 = tpu.vector_load %arg8[%get3A_447, %get3A_448, %get3A_449, %get3A_450] {strides = array<i32>} : memref<2x8x2x128xi32, #tpu.memory_space<vmem>>, vector<16xi32>,
      tpu.vector_store_idx %arg14[%get3A_451], %broadcast_in_dim3A_13 {add = true} : memref<10240xf32, #tpu.memory_space<vmem>>[vector<16xi32>], vector<16xf32>,
      %get3A_452 = arith.constant 5 : i32
      %get3A_453 = arith.constant 1 : i32
      %get3A_454 = arith.index_cast %select_n3A_50 : i32 to index
      %get3A_455 = arith.index_cast %get3A_452 : i32 to index
      %get3A_456 = arith.index_cast %get3A_453 : i32 to index
      %get3A_457 = arith.constant 64 : index
      %get3A_458 = tpu.vector_load %arg8[%get3A_454, %get3A_455, %get3A_456, %get3A_457] {strides = array<i32>} : memref<2x8x2x128xi32, #tpu.memory_space<vmem>>, vector<16xi32>,
      tpu.vector_store_idx %arg14[%get3A_458], %broadcast_in_dim3A_13 {add = true} : memref<10240xf32, #tpu.memory_space<vmem>>[vector<16xi32>], vector<16xf32>,
      %get3A_459 = arith.constant 5 : i32
      %get3A_460 = arith.constant 1 : i32
      %get3A_461 = arith.index_cast %select_n3A_50 : i32 to index
      %get3A_462 = arith.index_cast %get3A_459 : i32 to index
      %get3A_463 = arith.index_cast %get3A_460 : i32 to index
      %get3A_464 = arith.constant 80 : index
      %get3A_465 = tpu.vector_load %arg8[%get3A_461, %get3A_462, %get3A_463, %get3A_464] {strides = array<i32>} : memref<2x8x2x128xi32, #tpu.memory_space<vmem>>, vector<16xi32>,
      tpu.vector_store_idx %arg14[%get3A_465], %broadcast_in_dim3A_13 {add = true} : memref<10240xf32, #tpu.memory_space<vmem>>[vector<16xi32>], vector<16xf32>,
      %get3A_466 = arith.constant 5 : i32
      %get3A_467 = arith.constant 1 : i32
      %get3A_468 = arith.index_cast %select_n3A_50 : i32 to index
      %get3A_469 = arith.index_cast %get3A_466 : i32 to index
      %get3A_470 = arith.index_cast %get3A_467 : i32 to index
      %get3A_471 = arith.constant 96 : index
      %get3A_472 = tpu.vector_load %arg8[%get3A_468, %get3A_469, %get3A_470, %get3A_471] {strides = array<i32>} : memref<2x8x2x128xi32, #tpu.memory_space<vmem>>, vector<16xi32>,
      tpu.vector_store_idx %arg14[%get3A_472], %broadcast_in_dim3A_13 {add = true} : memref<10240xf32, #tpu.memory_space<vmem>>[vector<16xi32>], vector<16xf32>,
      %get3A_473 = arith.constant 5 : i32
      %get3A_474 = arith.constant 1 : i32
      %get3A_475 = arith.index_cast %select_n3A_50 : i32 to index
      %get3A_476 = arith.index_cast %get3A_473 : i32 to index
      %get3A_477 = arith.index_cast %get3A_474 : i32 to index
      %get3A_478 = arith.constant 112 : index
      %get3A_479 = tpu.vector_load %arg8[%get3A_475, %get3A_476, %get3A_477, %get3A_478] {strides = array<i32>} : memref<2x8x2x128xi32, #tpu.memory_space<vmem>>, vector<16xi32>,
      tpu.vector_store_idx %arg14[%get3A_479], %broadcast_in_dim3A_13 {add = true} : memref<10240xf32, #tpu.memory_space<vmem>>[vector<16xi32>], vector<16xf32>,
      %dma_wait3A_480 = arith.constant 5 : i32
      %dma_wait3A_481 = arith.constant 0 : i32
      %dma_wait3A_482 = arith.constant 0 : i32
      %dma_wait3A_483 = tpu.memref_slice %arg8[%select_n3A_50, %dma_wait3A_480, %dma_wait3A_481, %dma_wait3A_482] : memref<2x8x2x128xi32, #tpu.memory_space<vmem>> -> memref<1x1x1x128xi32, #tpu.memory_space<vmem>>
      %dma_wait3A_484 = tpu.memref_squeeze %dma_wait3A_483 : memref<1x1x1x128xi32, #tpu.memory_space<vmem>> -> memref<128xi32, #tpu.memory_space<vmem>>
      %dma_wait3A_485 = arith.constant 0 : i32
      %dma_wait3A_486 = arith.constant 0 : i32
      %dma_wait3A_487 = tpu.memref_slice %arg2[%dma_wait3A_485, %dma_wait3A_486] : memref<10240x128xf32, #tpu.memory_space<hbm>> -> memref<10240x128xf32, #tpu.memory_space<hbm>>
      tpu.wait_indirect_dma semaphore(%arg13 : memref<!tpu.dma_semaphore, #tpu.memory_space<semaphore_mem>>) src(%dma_wait3A_487 : memref<10240x128xf32, #tpu.memory_space<hbm>>) dst(%arg10 : memref<128x128xf32, #tpu.memory_space<vmem>>)
      %run_scoped3A_488 = arith.constant 5 : i32
      %run_scoped3A_489 = arith.constant 1 : i32
      "tpu.region"() ({
        %run_scoped3A_644 = tpu.sem_alloc : memref<!tpu.dma_semaphore, #tpu.memory_space<semaphore_mem>>
        %dma_start3A_645 = arith.constant 0 : i32
        %dma_start3A_646 = tpu.memref_slice %arg8[%select_n3A_50, %run_scoped3A_488, %run_scoped3A_489, %dma_start3A_645] : memref<2x8x2x128xi32, #tpu.memory_space<vmem>> -> memref<1x1x1x128xi32, #tpu.memory_space<vmem>>
        %dma_start3A_647 = tpu.memref_squeeze %dma_start3A_646 : memref<1x1x1x128xi32, #tpu.memory_space<vmem>> -> memref<128xi32, #tpu.memory_space<vmem>>
        %dma_start3A_648 = arith.constant 0 : i32
        %dma_start3A_649 = arith.constant 0 : i32
        %dma_start3A_650 = tpu.memref_slice %arg11[%dma_start3A_648, %dma_start3A_649] : memref<10240x128xf32, #tpu.memory_space<vmem_shared>> -> memref<10240x128xf32, #tpu.memory_space<vmem_shared>>
        tpu.enqueue_indirect_dma source(%arg10 : memref<128x128xf32, #tpu.memory_space<vmem>>) target(%dma_start3A_650 : memref<10240x128xf32, #tpu.memory_space<vmem_shared>>) offsets(%dma_start3A_647 : memref<128xi32, #tpu.memory_space<vmem>>) semaphore(%run_scoped3A_644 : memref<!tpu.dma_semaphore, #tpu.memory_space<semaphore_mem>>) {add = true}
        %dma_wait3A_651 = arith.constant 0 : i32
        %dma_wait3A_652 = tpu.memref_slice %arg8[%select_n3A_50, %run_scoped3A_488, %run_scoped3A_489, %dma_wait3A_651] : memref<2x8x2x128xi32, #tpu.memory_space<vmem>> -> memref<1x1x1x128xi32, #tpu.memory_space<vmem>>
        %dma_wait3A_653 = tpu.memref_squeeze %dma_wait3A_652 : memref<1x1x1x128xi32, #tpu.memory_space<vmem>> -> memref<128xi32, #tpu.memory_space<vmem>>
        %dma_wait3A_654 = arith.constant 0 : i32
        %dma_wait3A_655 = arith.constant 0 : i32
        %dma_wait3A_656 = tpu.memref_slice %arg11[%dma_wait3A_654, %dma_wait3A_655] : memref<10240x128xf32, #tpu.memory_space<vmem_shared>> -> memref<10240x128xf32, #tpu.memory_space<vmem_shared>>
        tpu.wait_indirect_dma semaphore(%run_scoped3A_644 : memref<!tpu.dma_semaphore, #tpu.memory_space<semaphore_mem>>) src(%arg10 : memref<128x128xf32, #tpu.memory_space<vmem>>) dst(%dma_wait3A_656 : memref<10240x128xf32, #tpu.memory_space<vmem_shared>>)
        tpu.yield
      }) : () -> ()
      %dma_start3A_490 = arith.constant 7 : i32
      %dma_start3A_491 = arith.constant 0 : i32
      %dma_start3A_492 = arith.constant 0 : i32
      %dma_start3A_493 = tpu.memref_slice %arg8[%select_n3A_50, %dma_start3A_490, %dma_start3A_491, %dma_start3A_492] : memref<2x8x2x128xi32, #tpu.memory_space<vmem>> -> memref<1x1x1x128xi32, #tpu.memory_space<vmem>>
      %dma_start3A_494 = tpu.memref_squeeze %dma_start3A_493 : memref<1x1x1x128xi32, #tpu.memory_space<vmem>> -> memref<128xi32, #tpu.memory_space<vmem>>
      %dma_start3A_495 = arith.constant 0 : i32
      %dma_start3A_496 = arith.constant 0 : i32
      %dma_start3A_497 = tpu.memref_slice %arg2[%dma_start3A_495, %dma_start3A_496] : memref<10240x128xf32, #tpu.memory_space<hbm>> -> memref<10240x128xf32, #tpu.memory_space<hbm>>
      tpu.enqueue_indirect_dma source(%dma_start3A_497 : memref<10240x128xf32, #tpu.memory_space<hbm>>) target(%arg10 : memref<128x128xf32, #tpu.memory_space<vmem>>) offsets(%dma_start3A_494 : memref<128xi32, #tpu.memory_space<vmem>>) semaphore(%arg13 : memref<!tpu.dma_semaphore, #tpu.memory_space<semaphore_mem>>)
      %get3A_498 = arith.constant 6 : i32
      %get3A_499 = arith.constant 1 : i32
      %get3A_500 = arith.index_cast %select_n3A_50 : i32 to index
      %get3A_501 = arith.index_cast %get3A_498 : i32 to index
      %get3A_502 = arith.index_cast %get3A_499 : i32 to index
      %get3A_503 = arith.constant 0 : index
      %get3A_504 = tpu.vector_load %arg8[%get3A_500, %get3A_501, %get3A_502, %get3A_503] {strides = array<i32>} : memref<2x8x2x128xi32, #tpu.memory_space<vmem>>, vector<16xi32>,
      tpu.vector_store_idx %arg14[%get3A_504], %broadcast_in_dim3A_13 {add = true} : memref<10240xf32, #tpu.memory_space<vmem>>[vector<16xi32>], vector<16xf32>,
      %get3A_505 = arith.constant 6 : i32
      %get3A_506 = arith.constant 1 : i32
      %get3A_507 = arith.index_cast %select_n3A_50 : i32 to index
      %get3A_508 = arith.index_cast %get3A_505 : i32 to index
      %get3A_509 = arith.index_cast %get3A_506 : i32 to index
      %get3A_510 = arith.constant 16 : index
      %get3A_511 = tpu.vector_load %arg8[%get3A_507, %get3A_508, %get3A_509, %get3A_510] {strides = array<i32>} : memref<2x8x2x128xi32, #tpu.memory_space<vmem>>, vector<16xi32>,
      tpu.vector_store_idx %arg14[%get3A_511], %broadcast_in_dim3A_13 {add = true} : memref<10240xf32, #tpu.memory_space<vmem>>[vector<16xi32>], vector<16xf32>,
      %get3A_512 = arith.constant 6 : i32
      %get3A_513 = arith.constant 1 : i32
      %get3A_514 = arith.index_cast %select_n3A_50 : i32 to index
      %get3A_515 = arith.index_cast %get3A_512 : i32 to index
      %get3A_516 = arith.index_cast %get3A_513 : i32 to index
      %get3A_517 = arith.constant 32 : index
      %get3A_518 = tpu.vector_load %arg8[%get3A_514, %get3A_515, %get3A_516, %get3A_517] {strides = array<i32>} : memref<2x8x2x128xi32, #tpu.memory_space<vmem>>, vector<16xi32>,
      tpu.vector_store_idx %arg14[%get3A_518], %broadcast_in_dim3A_13 {add = true} : memref<10240xf32, #tpu.memory_space<vmem>>[vector<16xi32>], vector<16xf32>,
      %get3A_519 = arith.constant 6 : i32
      %get3A_520 = arith.constant 1 : i32
      %get3A_521 = arith.index_cast %select_n3A_50 : i32 to index
      %get3A_522 = arith.index_cast %get3A_519 : i32 to index
      %get3A_523 = arith.index_cast %get3A_520 : i32 to index
      %get3A_524 = arith.constant 48 : index
      %get3A_525 = tpu.vector_load %arg8[%get3A_521, %get3A_522, %get3A_523, %get3A_524] {strides = array<i32>} : memref<2x8x2x128xi32, #tpu.memory_space<vmem>>, vector<16xi32>,
      tpu.vector_store_idx %arg14[%get3A_525], %broadcast_in_dim3A_13 {add = true} : memref<10240xf32, #tpu.memory_space<vmem>>[vector<16xi32>], vector<16xf32>,
      %get3A_526 = arith.constant 6 : i32
      %get3A_527 = arith.constant 1 : i32
      %get3A_528 = arith.index_cast %select_n3A_50 : i32 to index
      %get3A_529 = arith.index_cast %get3A_526 : i32 to index
      %get3A_530 = arith.index_cast %get3A_527 : i32 to index
      %get3A_531 = arith.constant 64 : index
      %get3A_532 = tpu.vector_load %arg8[%get3A_528, %get3A_529, %get3A_530, %get3A_531] {strides = array<i32>} : memref<2x8x2x128xi32, #tpu.memory_space<vmem>>, vector<16xi32>,
      tpu.vector_store_idx %arg14[%get3A_532], %broadcast_in_dim3A_13 {add = true} : memref<10240xf32, #tpu.memory_space<vmem>>[vector<16xi32>], vector<16xf32>,
      %get3A_533 = arith.constant 6 : i32
      %get3A_534 = arith.constant 1 : i32
      %get3A_535 = arith.index_cast %select_n3A_50 : i32 to index
      %get3A_536 = arith.index_cast %get3A_533 : i32 to index
      %get3A_537 = arith.index_cast %get3A_534 : i32 to index
      %get3A_538 = arith.constant 80 : index
      %get3A_539 = tpu.vector_load %arg8[%get3A_535, %get3A_536, %get3A_537, %get3A_538] {strides = array<i32>} : memref<2x8x2x128xi32, #tpu.memory_space<vmem>>, vector<16xi32>,
      tpu.vector_store_idx %arg14[%get3A_539], %broadcast_in_dim3A_13 {add = true} : memref<10240xf32, #tpu.memory_space<vmem>>[vector<16xi32>], vector<16xf32>,
      %get3A_540 = arith.constant 6 : i32
      %get3A_541 = arith.constant 1 : i32
      %get3A_542 = arith.index_cast %select_n3A_50 : i32 to index
      %get3A_543 = arith.index_cast %get3A_540 : i32 to index
      %get3A_544 = arith.index_cast %get3A_541 : i32 to index
      %get3A_545 = arith.constant 96 : index
      %get3A_546 = tpu.vector_load %arg8[%get3A_542, %get3A_543, %get3A_544, %get3A_545] {strides = array<i32>} : memref<2x8x2x128xi32, #tpu.memory_space<vmem>>, vector<16xi32>,
      tpu.vector_store_idx %arg14[%get3A_546], %broadcast_in_dim3A_13 {add = true} : memref<10240xf32, #tpu.memory_space<vmem>>[vector<16xi32>], vector<16xf32>,
      %get3A_547 = arith.constant 6 : i32
      %get3A_548 = arith.constant 1 : i32
      %get3A_549 = arith.index_cast %select_n3A_50 : i32 to index
      %get3A_550 = arith.index_cast %get3A_547 : i32 to index
      %get3A_551 = arith.index_cast %get3A_548 : i32 to index
      %get3A_552 = arith.constant 112 : index
      %get3A_553 = tpu.vector_load %arg8[%get3A_549, %get3A_550, %get3A_551, %get3A_552] {strides = array<i32>} : memref<2x8x2x128xi32, #tpu.memory_space<vmem>>, vector<16xi32>,
      tpu.vector_store_idx %arg14[%get3A_553], %broadcast_in_dim3A_13 {add = true} : memref<10240xf32, #tpu.memory_space<vmem>>[vector<16xi32>], vector<16xf32>,
      %dma_wait3A_554 = arith.constant 6 : i32
      %dma_wait3A_555 = arith.constant 0 : i32
      %dma_wait3A_556 = arith.constant 0 : i32
      %dma_wait3A_557 = tpu.memref_slice %arg8[%select_n3A_50, %dma_wait3A_554, %dma_wait3A_555, %dma_wait3A_556] : memref<2x8x2x128xi32, #tpu.memory_space<vmem>> -> memref<1x1x1x128xi32, #tpu.memory_space<vmem>>
      %dma_wait3A_558 = tpu.memref_squeeze %dma_wait3A_557 : memref<1x1x1x128xi32, #tpu.memory_space<vmem>> -> memref<128xi32, #tpu.memory_space<vmem>>
      %dma_wait3A_559 = arith.constant 0 : i32
      %dma_wait3A_560 = arith.constant 0 : i32
      %dma_wait3A_561 = tpu.memref_slice %arg2[%dma_wait3A_559, %dma_wait3A_560] : memref<10240x128xf32, #tpu.memory_space<hbm>> -> memref<10240x128xf32, #tpu.memory_space<hbm>>
      tpu.wait_indirect_dma semaphore(%arg12 : memref<!tpu.dma_semaphore, #tpu.memory_space<semaphore_mem>>) src(%dma_wait3A_561 : memref<10240x128xf32, #tpu.memory_space<hbm>>) dst(%arg9 : memref<128x128xf32, #tpu.memory_space<vmem>>)
      %run_scoped3A_562 = arith.constant 6 : i32
      %run_scoped3A_563 = arith.constant 1 : i32
      "tpu.region"() ({
        %run_scoped3A_644 = tpu.sem_alloc : memref<!tpu.dma_semaphore, #tpu.memory_space<semaphore_mem>>
        %dma_start3A_645 = arith.constant 0 : i32
        %dma_start3A_646 = tpu.memref_slice %arg8[%select_n3A_50, %run_scoped3A_562, %run_scoped3A_563, %dma_start3A_645] : memref<2x8x2x128xi32, #tpu.memory_space<vmem>> -> memref<1x1x1x128xi32, #tpu.memory_space<vmem>>
        %dma_start3A_647 = tpu.memref_squeeze %dma_start3A_646 : memref<1x1x1x128xi32, #tpu.memory_space<vmem>> -> memref<128xi32, #tpu.memory_space<vmem>>
        %dma_start3A_648 = arith.constant 0 : i32
        %dma_start3A_649 = arith.constant 0 : i32
        %dma_start3A_650 = tpu.memref_slice %arg11[%dma_start3A_648, %dma_start3A_649] : memref<10240x128xf32, #tpu.memory_space<vmem_shared>> -> memref<10240x128xf32, #tpu.memory_space<vmem_shared>>
        tpu.enqueue_indirect_dma source(%arg9 : memref<128x128xf32, #tpu.memory_space<vmem>>) target(%dma_start3A_650 : memref<10240x128xf32, #tpu.memory_space<vmem_shared>>) offsets(%dma_start3A_647 : memref<128xi32, #tpu.memory_space<vmem>>) semaphore(%run_scoped3A_644 : memref<!tpu.dma_semaphore, #tpu.memory_space<semaphore_mem>>) {add = true}
        %dma_wait3A_651 = arith.constant 0 : i32
        %dma_wait3A_652 = tpu.memref_slice %arg8[%select_n3A_50, %run_scoped3A_562, %run_scoped3A_563, %dma_wait3A_651] : memref<2x8x2x128xi32, #tpu.memory_space<vmem>> -> memref<1x1x1x128xi32, #tpu.memory_space<vmem>>
        %dma_wait3A_653 = tpu.memref_squeeze %dma_wait3A_652 : memref<1x1x1x128xi32, #tpu.memory_space<vmem>> -> memref<128xi32, #tpu.memory_space<vmem>>
        %dma_wait3A_654 = arith.constant 0 : i32
        %dma_wait3A_655 = arith.constant 0 : i32
        %dma_wait3A_656 = tpu.memref_slice %arg11[%dma_wait3A_654, %dma_wait3A_655] : memref<10240x128xf32, #tpu.memory_space<vmem_shared>> -> memref<10240x128xf32, #tpu.memory_space<vmem_shared>>
        tpu.wait_indirect_dma semaphore(%run_scoped3A_644 : memref<!tpu.dma_semaphore, #tpu.memory_space<semaphore_mem>>) src(%arg9 : memref<128x128xf32, #tpu.memory_space<vmem>>) dst(%dma_wait3A_656 : memref<10240x128xf32, #tpu.memory_space<vmem_shared>>)
        tpu.yield
      }) : () -> ()
      %add3A_564 = arith.constant 1 : i32
      %add3A_565 = arith.addi %scan3A_41, %add3A_564 : i32
      %lt3A_566 = arith.constant 10 : i32
      %lt3A_567 = arith.cmpi slt, %add3A_565, %lt3A_566 : i32
      %convert_element_type3A_568 = arith.extui %lt3A_567 : i1 to i32
      %cond3A_569 = arith.constant 0 : i32
      %cond3A_570 = arith.cmpi ne, %convert_element_type3A_568, %cond3A_569 : i32
      scf.if %cond3A_570 {
        %sub3A = arith.constant 1 : i32
        %sub3A_644 = arith.subi %sub3A, %select_n3A_50 : i32
        %dma_start3A_645 = arith.constant 0 : i32
        %dma_start3A_646 = arith.constant 0 : i32
        %dma_start3A_647 = arith.constant 0 : i32
        %dma_start3A_648 = tpu.memref_slice %arg8[%sub3A_644, %dma_start3A_645, %dma_start3A_646, %dma_start3A_647] : memref<2x8x2x128xi32, #tpu.memory_space<vmem>> -> memref<1x1x1x128xi32, #tpu.memory_space<vmem>>
        %dma_start3A_649 = tpu.memref_squeeze %dma_start3A_648 : memref<1x1x1x128xi32, #tpu.memory_space<vmem>> -> memref<128xi32, #tpu.memory_space<vmem>>
        %dma_start3A_650 = arith.constant 0 : i32
        %dma_start3A_651 = arith.constant 0 : i32
        %dma_start3A_652 = tpu.memref_slice %arg2[%dma_start3A_650, %dma_start3A_651] : memref<10240x128xf32, #tpu.memory_space<hbm>> -> memref<10240x128xf32, #tpu.memory_space<hbm>>
        tpu.enqueue_indirect_dma source(%dma_start3A_652 : memref<10240x128xf32, #tpu.memory_space<hbm>>) target(%arg9 : memref<128x128xf32, #tpu.memory_space<vmem>>) offsets(%dma_start3A_649 : memref<128xi32, #tpu.memory_space<vmem>>) semaphore(%arg12 : memref<!tpu.dma_semaphore, #tpu.memory_space<semaphore_mem>>)
      } else {
      }
      %get3A_571 = arith.constant 7 : i32
      %get3A_572 = arith.constant 1 : i32
      %get3A_573 = arith.index_cast %select_n3A_50 : i32 to index
      %get3A_574 = arith.index_cast %get3A_571 : i32 to index
      %get3A_575 = arith.index_cast %get3A_572 : i32 to index
      %get3A_576 = arith.constant 0 : index
      %get3A_577 = tpu.vector_load %arg8[%get3A_573, %get3A_574, %get3A_575, %get3A_576] {strides = array<i32>} : memref<2x8x2x128xi32, #tpu.memory_space<vmem>>, vector<16xi32>,
      tpu.vector_store_idx %arg14[%get3A_577], %broadcast_in_dim3A_13 {add = true} : memref<10240xf32, #tpu.memory_space<vmem>>[vector<16xi32>], vector<16xf32>,
      %get3A_578 = arith.constant 7 : i32
      %get3A_579 = arith.constant 1 : i32
      %get3A_580 = arith.index_cast %select_n3A_50 : i32 to index
      %get3A_581 = arith.index_cast %get3A_578 : i32 to index
      %get3A_582 = arith.index_cast %get3A_579 : i32 to index
      %get3A_583 = arith.constant 16 : index
      %get3A_584 = tpu.vector_load %arg8[%get3A_580, %get3A_581, %get3A_582, %get3A_583] {strides = array<i32>} : memref<2x8x2x128xi32, #tpu.memory_space<vmem>>, vector<16xi32>,
      tpu.vector_store_idx %arg14[%get3A_584], %broadcast_in_dim3A_13 {add = true} : memref<10240xf32, #tpu.memory_space<vmem>>[vector<16xi32>], vector<16xf32>,
      %get3A_585 = arith.constant 7 : i32
      %get3A_586 = arith.constant 1 : i32
      %get3A_587 = arith.index_cast %select_n3A_50 : i32 to index
      %get3A_588 = arith.index_cast %get3A_585 : i32 to index
      %get3A_589 = arith.index_cast %get3A_586 : i32 to index
      %get3A_590 = arith.constant 32 : index
      %get3A_591 = tpu.vector_load %arg8[%get3A_587, %get3A_588, %get3A_589, %get3A_590] {strides = array<i32>} : memref<2x8x2x128xi32, #tpu.memory_space<vmem>>, vector<16xi32>,
      tpu.vector_store_idx %arg14[%get3A_591], %broadcast_in_dim3A_13 {add = true} : memref<10240xf32, #tpu.memory_space<vmem>>[vector<16xi32>], vector<16xf32>,
      %get3A_592 = arith.constant 7 : i32
      %get3A_593 = arith.constant 1 : i32
      %get3A_594 = arith.index_cast %select_n3A_50 : i32 to index
      %get3A_595 = arith.index_cast %get3A_592 : i32 to index
      %get3A_596 = arith.index_cast %get3A_593 : i32 to index
      %get3A_597 = arith.constant 48 : index
      %get3A_598 = tpu.vector_load %arg8[%get3A_594, %get3A_595, %get3A_596, %get3A_597] {strides = array<i32>} : memref<2x8x2x128xi32, #tpu.memory_space<vmem>>, vector<16xi32>,
      tpu.vector_store_idx %arg14[%get3A_598], %broadcast_in_dim3A_13 {add = true} : memref<10240xf32, #tpu.memory_space<vmem>>[vector<16xi32>], vector<16xf32>,
      %get3A_599 = arith.constant 7 : i32
      %get3A_600 = arith.constant 1 : i32
      %get3A_601 = arith.index_cast %select_n3A_50 : i32 to index
      %get3A_602 = arith.index_cast %get3A_599 : i32 to index
      %get3A_603 = arith.index_cast %get3A_600 : i32 to index
      %get3A_604 = arith.constant 64 : index
      %get3A_605 = tpu.vector_load %arg8[%get3A_601, %get3A_602, %get3A_603, %get3A_604] {strides = array<i32>} : memref<2x8x2x128xi32, #tpu.memory_space<vmem>>, vector<16xi32>,
      tpu.vector_store_idx %arg14[%get3A_605], %broadcast_in_dim3A_13 {add = true} : memref<10240xf32, #tpu.memory_space<vmem>>[vector<16xi32>], vector<16xf32>,
      %get3A_606 = arith.constant 7 : i32
      %get3A_607 = arith.constant 1 : i32
      %get3A_608 = arith.index_cast %select_n3A_50 : i32 to index
      %get3A_609 = arith.index_cast %get3A_606 : i32 to index
      %get3A_610 = arith.index_cast %get3A_607 : i32 to index
      %get3A_611 = arith.constant 80 : index
      %get3A_612 = tpu.vector_load %arg8[%get3A_608, %get3A_609, %get3A_610, %get3A_611] {strides = array<i32>} : memref<2x8x2x128xi32, #tpu.memory_space<vmem>>, vector<16xi32>,
      tpu.vector_store_idx %arg14[%get3A_612], %broadcast_in_dim3A_13 {add = true} : memref<10240xf32, #tpu.memory_space<vmem>>[vector<16xi32>], vector<16xf32>,
      %get3A_613 = arith.constant 7 : i32
      %get3A_614 = arith.constant 1 : i32
      %get3A_615 = arith.index_cast %select_n3A_50 : i32 to index
      %get3A_616 = arith.index_cast %get3A_613 : i32 to index
      %get3A_617 = arith.index_cast %get3A_614 : i32 to index
      %get3A_618 = arith.constant 96 : index
      %get3A_619 = tpu.vector_load %arg8[%get3A_615, %get3A_616, %get3A_617, %get3A_618] {strides = array<i32>} : memref<2x8x2x128xi32, #tpu.memory_space<vmem>>, vector<16xi32>,
      tpu.vector_store_idx %arg14[%get3A_619], %broadcast_in_dim3A_13 {add = true} : memref<10240xf32, #tpu.memory_space<vmem>>[vector<16xi32>], vector<16xf32>,
      %get3A_620 = arith.constant 7 : i32
      %get3A_621 = arith.constant 1 : i32
      %get3A_622 = arith.index_cast %select_n3A_50 : i32 to index
      %get3A_623 = arith.index_cast %get3A_620 : i32 to index
      %get3A_624 = arith.index_cast %get3A_621 : i32 to index
      %get3A_625 = arith.constant 112 : index
      %get3A_626 = tpu.vector_load %arg8[%get3A_622, %get3A_623, %get3A_624, %get3A_625] {strides = array<i32>} : memref<2x8x2x128xi32, #tpu.memory_space<vmem>>, vector<16xi32>,
      tpu.vector_store_idx %arg14[%get3A_626], %broadcast_in_dim3A_13 {add = true} : memref<10240xf32, #tpu.memory_space<vmem>>[vector<16xi32>], vector<16xf32>,
      %dma_wait3A_627 = arith.constant 7 : i32
      %dma_wait3A_628 = arith.constant 0 : i32
      %dma_wait3A_629 = arith.constant 0 : i32
      %dma_wait3A_630 = tpu.memref_slice %arg8[%select_n3A_50, %dma_wait3A_627, %dma_wait3A_628, %dma_wait3A_629] : memref<2x8x2x128xi32, #tpu.memory_space<vmem>> -> memref<1x1x1x128xi32, #tpu.memory_space<vmem>>
      %dma_wait3A_631 = tpu.memref_squeeze %dma_wait3A_630 : memref<1x1x1x128xi32, #tpu.memory_space<vmem>> -> memref<128xi32, #tpu.memory_space<vmem>>
      %dma_wait3A_632 = arith.constant 0 : i32
      %dma_wait3A_633 = arith.constant 0 : i32
      %dma_wait3A_634 = tpu.memref_slice %arg2[%dma_wait3A_632, %dma_wait3A_633] : memref<10240x128xf32, #tpu.memory_space<hbm>> -> memref<10240x128xf32, #tpu.memory_space<hbm>>
      tpu.wait_indirect_dma semaphore(%arg13 : memref<!tpu.dma_semaphore, #tpu.memory_space<semaphore_mem>>) src(%dma_wait3A_634 : memref<10240x128xf32, #tpu.memory_space<hbm>>) dst(%arg10 : memref<128x128xf32, #tpu.memory_space<vmem>>)
      %run_scoped3A_635 = arith.constant 7 : i32
      %run_scoped3A_636 = arith.constant 1 : i32
      "tpu.region"() ({
        %run_scoped3A_644 = tpu.sem_alloc : memref<!tpu.dma_semaphore, #tpu.memory_space<semaphore_mem>>
        %dma_start3A_645 = arith.constant 0 : i32
        %dma_start3A_646 = tpu.memref_slice %arg8[%select_n3A_50, %run_scoped3A_635, %run_scoped3A_636, %dma_start3A_645] : memref<2x8x2x128xi32, #tpu.memory_space<vmem>> -> memref<1x1x1x128xi32, #tpu.memory_space<vmem>>
        %dma_start3A_647 = tpu.memref_squeeze %dma_start3A_646 : memref<1x1x1x128xi32, #tpu.memory_space<vmem>> -> memref<128xi32, #tpu.memory_space<vmem>>
        %dma_start3A_648 = arith.constant 0 : i32
        %dma_start3A_649 = arith.constant 0 : i32
        %dma_start3A_650 = tpu.memref_slice %arg11[%dma_start3A_648, %dma_start3A_649] : memref<10240x128xf32, #tpu.memory_space<vmem_shared>> -> memref<10240x128xf32, #tpu.memory_space<vmem_shared>>
        tpu.enqueue_indirect_dma source(%arg10 : memref<128x128xf32, #tpu.memory_space<vmem>>) target(%dma_start3A_650 : memref<10240x128xf32, #tpu.memory_space<vmem_shared>>) offsets(%dma_start3A_647 : memref<128xi32, #tpu.memory_space<vmem>>) semaphore(%run_scoped3A_644 : memref<!tpu.dma_semaphore, #tpu.memory_space<semaphore_mem>>) {add = true}
        %dma_wait3A_651 = arith.constant 0 : i32
        %dma_wait3A_652 = tpu.memref_slice %arg8[%select_n3A_50, %run_scoped3A_635, %run_scoped3A_636, %dma_wait3A_651] : memref<2x8x2x128xi32, #tpu.memory_space<vmem>> -> memref<1x1x1x128xi32, #tpu.memory_space<vmem>>
        %dma_wait3A_653 = tpu.memref_squeeze %dma_wait3A_652 : memref<1x1x1x128xi32, #tpu.memory_space<vmem>> -> memref<128xi32, #tpu.memory_space<vmem>>
        %dma_wait3A_654 = arith.constant 0 : i32
        %dma_wait3A_655 = arith.constant 0 : i32
        %dma_wait3A_656 = tpu.memref_slice %arg11[%dma_wait3A_654, %dma_wait3A_655] : memref<10240x128xf32, #tpu.memory_space<vmem_shared>> -> memref<10240x128xf32, #tpu.memory_space<vmem_shared>>
        tpu.wait_indirect_dma semaphore(%run_scoped3A_644 : memref<!tpu.dma_semaphore, #tpu.memory_space<semaphore_mem>>) src(%arg10 : memref<128x128xf32, #tpu.memory_space<vmem>>) dst(%dma_wait3A_656 : memref<10240x128xf32, #tpu.memory_space<vmem_shared>>)
        tpu.yield
      }) : () -> ()
      %add3A_637 = arith.constant 1 : i32
      %add3A_638 = arith.addi %scan3A_41, %add3A_637 : i32
      %lt3A_639 = arith.constant 10 : i32
      %lt3A_640 = arith.cmpi slt, %add3A_638, %lt3A_639 : i32
      %convert_element_type3A_641 = arith.extui %lt3A_640 : i1 to i32
      %cond3A_642 = arith.constant 0 : i32
      %cond3A_643 = arith.cmpi ne, %convert_element_type3A_641, %cond3A_642 : i32
      scf.if %cond3A_643 {
        %sub3A = arith.constant 1 : i32
        %sub3A_644 = arith.subi %sub3A, %select_n3A_50 : i32
        %dma_start3A_645 = arith.constant 1 : i32
        %dma_start3A_646 = arith.constant 0 : i32
        %dma_start3A_647 = arith.constant 0 : i32
        %dma_start3A_648 = tpu.memref_slice %arg8[%sub3A_644, %dma_start3A_645, %dma_start3A_646, %dma_start3A_647] : memref<2x8x2x128xi32, #tpu.memory_space<vmem>> -> memref<1x1x1x128xi32, #tpu.memory_space<vmem>>
        %dma_start3A_649 = tpu.memref_squeeze %dma_start3A_648 : memref<1x1x1x128xi32, #tpu.memory_space<vmem>> -> memref<128xi32, #tpu.memory_space<vmem>>
        %dma_start3A_650 = arith.constant 0 : i32
        %dma_start3A_651 = arith.constant 0 : i32
        %dma_start3A_652 = tpu.memref_slice %arg2[%dma_start3A_650, %dma_start3A_651] : memref<10240x128xf32, #tpu.memory_space<hbm>> -> memref<10240x128xf32, #tpu.memory_space<hbm>>
        tpu.enqueue_indirect_dma source(%dma_start3A_652 : memref<10240x128xf32, #tpu.memory_space<hbm>>) target(%arg10 : memref<128x128xf32, #tpu.memory_space<vmem>>) offsets(%dma_start3A_649 : memref<128xi32, #tpu.memory_space<vmem>>) semaphore(%arg13 : memref<!tpu.dma_semaphore, #tpu.memory_space<semaphore_mem>>)
      } else {
      }
    }
    %scan3A_37 = arith.constant 10 : i32
    %mul3A_38 = arith.constant 10240 : i32
    %mul3A_39 = arith.muli %add3A, %mul3A_38 : i32
    "tpu.region"() ({
      %run_scoped3A_41 = tpu.sem_alloc : memref<!tpu.dma_semaphore, #tpu.memory_space<semaphore_mem>>
      %dma_start3A_42 = tpu.memref_slice %arg7[%mul3A_39] : memref<327680xf32, #tpu.memory_space<hbm>> -> memref<10240xf32, #tpu.memory_space<hbm>>
      %dma_start3A_43 = tpu.memref_slice %arg7[%mul3A_39] : memref<327680xf32, #tpu.memory_space<hbm>> -> memref<10240xf32, #tpu.memory_space<hbm>>
      tpu.enqueue_dma source(%arg14 : memref<10240xf32, #tpu.memory_space<vmem>>) target(%dma_start3A_43 : memref<10240xf32, #tpu.memory_space<hbm>>) target_semaphore(%run_scoped3A_41 : memref<!tpu.dma_semaphore, #tpu.memory_space<semaphore_mem>>)
      %dma_wait3A = tpu.memref_slice %arg7[%mul3A_39] : memref<327680xf32, #tpu.memory_space<hbm>> -> memref<10240xf32, #tpu.memory_space<hbm>>
      %dma_wait3A_44 = tpu.memref_slice %arg7[%mul3A_39] : memref<327680xf32, #tpu.memory_space<hbm>> -> memref<10240xf32, #tpu.memory_space<hbm>>
      tpu.wait_dma2 semaphore(%run_scoped3A_41 : memref<!tpu.dma_semaphore, #tpu.memory_space<semaphore_mem>>) src(%arg14 : memref<10240xf32, #tpu.memory_space<vmem>>) dst(%dma_wait3A_44 : memref<10240xf32, #tpu.memory_space<hbm>>)
      tpu.yield
    }) : () -> ()
    %barrier3A_40 = arith.constant 0 : index
    tpu.barrier barrier_id(%barrier3A_40)
    "tpu.region"() ({
      %run_scoped3A_41 = tpu.sem_alloc : memref<!tpu.dma_semaphore, #tpu.memory_space<semaphore_mem>>
      %dma_start3A_42 = arith.constant 0 : i32
      %dma_start3A_43 = arith.constant 0 : i32
      %dma_start3A_44 = tpu.memref_slice %arg6[%arg0, %dma_start3A_42, %dma_start3A_43] : memref<2x10240x128xf32, #tpu.memory_space<hbm>> -> memref<1x10240x128xf32, #tpu.memory_space<hbm>>
      %dma_start3A_45 = tpu.memref_squeeze %dma_start3A_44 : memref<1x10240x128xf32, #tpu.memory_space<hbm>> -> memref<10240x128xf32, #tpu.memory_space<hbm>>
      %dma_start3A_46 = arith.constant 0 : i32
      %dma_start3A_47 = tpu.memref_slice %dma_start3A_45[%mul3A_2, %dma_start3A_46] : memref<10240x128xf32, #tpu.memory_space<hbm>> -> memref<640x128xf32, #tpu.memory_space<hbm>>
      %dma_start3A_48 = arith.constant 0 : i32
      %dma_start3A_49 = tpu.memref_slice %arg11[%mul3A_2, %dma_start3A_48] : memref<10240x128xf32, #tpu.memory_space<vmem_shared>> -> memref<640x128xf32, #tpu.memory_space<vmem_shared>>
      tpu.enqueue_dma source(%dma_start3A_49 : memref<640x128xf32, #tpu.memory_space<vmem_shared>>) target(%dma_start3A_47 : memref<640x128xf32, #tpu.memory_space<hbm>>) target_semaphore(%run_scoped3A_41 : memref<!tpu.dma_semaphore, #tpu.memory_space<semaphore_mem>>)
      %dma_wait3A = arith.constant 0 : i32
      %dma_wait3A_50 = arith.constant 0 : i32
      %dma_wait3A_51 = tpu.memref_slice %arg6[%arg0, %dma_wait3A, %dma_wait3A_50] : memref<2x10240x128xf32, #tpu.memory_space<hbm>> -> memref<1x10240x128xf32, #tpu.memory_space<hbm>>
      %dma_wait3A_52 = tpu.memref_squeeze %dma_wait3A_51 : memref<1x10240x128xf32, #tpu.memory_space<hbm>> -> memref<10240x128xf32, #tpu.memory_space<hbm>>
      %dma_wait3A_53 = arith.constant 0 : i32
      %dma_wait3A_54 = tpu.memref_slice %dma_wait3A_52[%mul3A_2, %dma_wait3A_53] : memref<10240x128xf32, #tpu.memory_space<hbm>> -> memref<640x128xf32, #tpu.memory_space<hbm>>
      %dma_wait3A_55 = arith.constant 0 : i32
      %dma_wait3A_56 = tpu.memref_slice %arg11[%mul3A_2, %dma_wait3A_55] : memref<10240x128xf32, #tpu.memory_space<vmem_shared>> -> memref<640x128xf32, #tpu.memory_space<vmem_shared>>
      tpu.wait_dma2 semaphore(%run_scoped3A_41 : memref<!tpu.dma_semaphore, #tpu.memory_space<semaphore_mem>>) src(%dma_wait3A_56 : memref<640x128xf32, #tpu.memory_space<vmem_shared>>) dst(%dma_wait3A_54 : memref<640x128xf32, #tpu.memory_space<hbm>>)
      tpu.yield
    }) : () -> ()
    return
  }
}

#map = affine_map<(d0, d1) -> (0, 0)>
#map1 = affine_map<(d0, d1) -> (0, 0, 0)>
#map2 = affine_map<(d0, d1) -> (0)>
module attributes {stable_mosaic.version = 14 : i64} {
  func.func @k(%arg0: i32, %arg1: i32, %arg2: memref<10240x128xf32, #tpu.memory_space<hbm>>, %arg3: memref<2560x2x128xi32, #tpu.memory_space<hbm>>, %arg4: memref<128x128xf32, #tpu.memory_space<hbm>>, %arg5: memref<10240xf32, #tpu.memory_space<hbm>>, %arg6: memref<2x10240x128xf32, #tpu.memory_space<hbm>>, %arg7: memref<2x8x2x128xi32, #tpu.memory_space<vmem>>, %arg8: memref<128x128xf32, #tpu.memory_space<vmem>>, %arg9: memref<128x128xf32, #tpu.memory_space<vmem>>, %arg10: memref<10240x128xf32, #tpu.memory_space<vmem_shared>>, %arg11: memref<!tpu.dma_semaphore, #tpu.memory_space<semaphore_mem>>, %arg12: memref<!tpu.dma_semaphore, #tpu.memory_space<semaphore_mem>>) attributes {dimension_semantics = [#tpu.dimension_semantics<core_parallel>, #tpu.dimension_semantics<subcore_parallel>], iteration_bounds = array<i64: 2, 16>, scalar_prefetch = 0 : i64, scratch_operands = 6 : i64, tpu.core_type = #tpu.core_type<sc_vector_subcore>, window_params = [{transform_indices = #map}, {transform_indices = #map1}, {transform_indices = #map}, {transform_indices = #map2}, {transform_indices = #map1}]} {
    %mul3A = arith.constant 16 : i32
    %mul3A_0 = arith.muli %arg0, %mul3A : i32
    %add3A = arith.addi %mul3A_0, %arg1 : i32
    %mul3A_1 = arith.constant 640 : i32
    %mul3A_2 = arith.muli %arg1, %mul3A_1 : i32
    %add3A_3 = arith.constant 0 : i32
    %add3A_4 = arith.addi %mul3A_2, %add3A_3 : i32
    "tpu.region"() ({
      %run_scoped3A_39 = tpu.sem_alloc : memref<!tpu.dma_semaphore, #tpu.memory_space<semaphore_mem>>
      %dma_start3A_40 = arith.constant 0 : i32
      %dma_start3A_41 = tpu.memref_slice %arg10[%add3A_4, %dma_start3A_40] : memref<10240x128xf32, #tpu.memory_space<vmem_shared>> -> memref<128x128xf32, #tpu.memory_space<vmem_shared>>
      tpu.enqueue_dma source(%arg4 : memref<128x128xf32, #tpu.memory_space<hbm>>) target(%dma_start3A_41 : memref<128x128xf32, #tpu.memory_space<vmem_shared>>) target_semaphore(%run_scoped3A_39 : memref<!tpu.dma_semaphore, #tpu.memory_space<semaphore_mem>>)
      %dma_wait3A = arith.constant 0 : i32
      %dma_wait3A_42 = tpu.memref_slice %arg10[%add3A_4, %dma_wait3A] : memref<10240x128xf32, #tpu.memory_space<vmem_shared>> -> memref<128x128xf32, #tpu.memory_space<vmem_shared>>
      tpu.wait_dma2 semaphore(%run_scoped3A_39 : memref<!tpu.dma_semaphore, #tpu.memory_space<semaphore_mem>>) src(%arg4 : memref<128x128xf32, #tpu.memory_space<hbm>>) dst(%dma_wait3A_42 : memref<128x128xf32, #tpu.memory_space<vmem_shared>>)
      tpu.yield
    }) : () -> ()
    %add3A_5 = arith.constant 128 : i32
    %add3A_6 = arith.addi %mul3A_2, %add3A_5 : i32
    "tpu.region"() ({
      %run_scoped3A_39 = tpu.sem_alloc : memref<!tpu.dma_semaphore, #tpu.memory_space<semaphore_mem>>
      %dma_start3A_40 = arith.constant 0 : i32
      %dma_start3A_41 = tpu.memref_slice %arg10[%add3A_6, %dma_start3A_40] : memref<10240x128xf32, #tpu.memory_space<vmem_shared>> -> memref<128x128xf32, #tpu.memory_space<vmem_shared>>
      tpu.enqueue_dma source(%arg4 : memref<128x128xf32, #tpu.memory_space<hbm>>) target(%dma_start3A_41 : memref<128x128xf32, #tpu.memory_space<vmem_shared>>) target_semaphore(%run_scoped3A_39 : memref<!tpu.dma_semaphore, #tpu.memory_space<semaphore_mem>>)
      %dma_wait3A = arith.constant 0 : i32
      %dma_wait3A_42 = tpu.memref_slice %arg10[%add3A_6, %dma_wait3A] : memref<10240x128xf32, #tpu.memory_space<vmem_shared>> -> memref<128x128xf32, #tpu.memory_space<vmem_shared>>
      tpu.wait_dma2 semaphore(%run_scoped3A_39 : memref<!tpu.dma_semaphore, #tpu.memory_space<semaphore_mem>>) src(%arg4 : memref<128x128xf32, #tpu.memory_space<hbm>>) dst(%dma_wait3A_42 : memref<128x128xf32, #tpu.memory_space<vmem_shared>>)
      tpu.yield
    }) : () -> ()
    %add3A_7 = arith.constant 256 : i32
    %add3A_8 = arith.addi %mul3A_2, %add3A_7 : i32
    "tpu.region"() ({
      %run_scoped3A_39 = tpu.sem_alloc : memref<!tpu.dma_semaphore, #tpu.memory_space<semaphore_mem>>
      %dma_start3A_40 = arith.constant 0 : i32
      %dma_start3A_41 = tpu.memref_slice %arg10[%add3A_8, %dma_start3A_40] : memref<10240x128xf32, #tpu.memory_space<vmem_shared>> -> memref<128x128xf32, #tpu.memory_space<vmem_shared>>
      tpu.enqueue_dma source(%arg4 : memref<128x128xf32, #tpu.memory_space<hbm>>) target(%dma_start3A_41 : memref<128x128xf32, #tpu.memory_space<vmem_shared>>) target_semaphore(%run_scoped3A_39 : memref<!tpu.dma_semaphore, #tpu.memory_space<semaphore_mem>>)
      %dma_wait3A = arith.constant 0 : i32
      %dma_wait3A_42 = tpu.memref_slice %arg10[%add3A_8, %dma_wait3A] : memref<10240x128xf32, #tpu.memory_space<vmem_shared>> -> memref<128x128xf32, #tpu.memory_space<vmem_shared>>
      tpu.wait_dma2 semaphore(%run_scoped3A_39 : memref<!tpu.dma_semaphore, #tpu.memory_space<semaphore_mem>>) src(%arg4 : memref<128x128xf32, #tpu.memory_space<hbm>>) dst(%dma_wait3A_42 : memref<128x128xf32, #tpu.memory_space<vmem_shared>>)
      tpu.yield
    }) : () -> ()
    %add3A_9 = arith.constant 384 : i32
    %add3A_10 = arith.addi %mul3A_2, %add3A_9 : i32
    "tpu.region"() ({
      %run_scoped3A_39 = tpu.sem_alloc : memref<!tpu.dma_semaphore, #tpu.memory_space<semaphore_mem>>
      %dma_start3A_40 = arith.constant 0 : i32
      %dma_start3A_41 = tpu.memref_slice %arg10[%add3A_10, %dma_start3A_40] : memref<10240x128xf32, #tpu.memory_space<vmem_shared>> -> memref<128x128xf32, #tpu.memory_space<vmem_shared>>
      tpu.enqueue_dma source(%arg4 : memref<128x128xf32, #tpu.memory_space<hbm>>) target(%dma_start3A_41 : memref<128x128xf32, #tpu.memory_space<vmem_shared>>) target_semaphore(%run_scoped3A_39 : memref<!tpu.dma_semaphore, #tpu.memory_space<semaphore_mem>>)
      %dma_wait3A = arith.constant 0 : i32
      %dma_wait3A_42 = tpu.memref_slice %arg10[%add3A_10, %dma_wait3A] : memref<10240x128xf32, #tpu.memory_space<vmem_shared>> -> memref<128x128xf32, #tpu.memory_space<vmem_shared>>
      tpu.wait_dma2 semaphore(%run_scoped3A_39 : memref<!tpu.dma_semaphore, #tpu.memory_space<semaphore_mem>>) src(%arg4 : memref<128x128xf32, #tpu.memory_space<hbm>>) dst(%dma_wait3A_42 : memref<128x128xf32, #tpu.memory_space<vmem_shared>>)
      tpu.yield
    }) : () -> ()
    %add3A_11 = arith.constant 512 : i32
    %add3A_12 = arith.addi %mul3A_2, %add3A_11 : i32
    "tpu.region"() ({
      %run_scoped3A_39 = tpu.sem_alloc : memref<!tpu.dma_semaphore, #tpu.memory_space<semaphore_mem>>
      %dma_start3A_40 = arith.constant 0 : i32
      %dma_start3A_41 = tpu.memref_slice %arg10[%add3A_12, %dma_start3A_40] : memref<10240x128xf32, #tpu.memory_space<vmem_shared>> -> memref<128x128xf32, #tpu.memory_space<vmem_shared>>
      tpu.enqueue_dma source(%arg4 : memref<128x128xf32, #tpu.memory_space<hbm>>) target(%dma_start3A_41 : memref<128x128xf32, #tpu.memory_space<vmem_shared>>) target_semaphore(%run_scoped3A_39 : memref<!tpu.dma_semaphore, #tpu.memory_space<semaphore_mem>>)
      %dma_wait3A = arith.constant 0 : i32
      %dma_wait3A_42 = tpu.memref_slice %arg10[%add3A_12, %dma_wait3A] : memref<10240x128xf32, #tpu.memory_space<vmem_shared>> -> memref<128x128xf32, #tpu.memory_space<vmem_shared>>
      tpu.wait_dma2 semaphore(%run_scoped3A_39 : memref<!tpu.dma_semaphore, #tpu.memory_space<semaphore_mem>>) src(%arg4 : memref<128x128xf32, #tpu.memory_space<hbm>>) dst(%dma_wait3A_42 : memref<128x128xf32, #tpu.memory_space<vmem_shared>>)
      tpu.yield
    }) : () -> ()
    %broadcast_in_dim3A = arith.constant 1.000000e+00 : f32
    %broadcast_in_dim3A_13 = vector.broadcast %broadcast_in_dim3A : f32 to vector<16xf32>
    %mul3A_14 = arith.constant 80 : i32
    %mul3A_15 = arith.muli %add3A, %mul3A_14 : i32
    %run_scoped3A = arith.constant 0 : i32
    "tpu.region"() ({
      %run_scoped3A_39 = tpu.sem_alloc : memref<!tpu.dma_semaphore, #tpu.memory_space<semaphore_mem>>
      %dma_start3A_40 = arith.constant 0 : i32
      %dma_start3A_41 = arith.constant 0 : i32
      %dma_start3A_42 = arith.constant 0 : i32
      %dma_start3A_43 = tpu.memref_slice %arg7[%run_scoped3A, %dma_start3A_40, %dma_start3A_41, %dma_start3A_42] : memref<2x8x2x128xi32, #tpu.memory_space<vmem>> -> memref<1x8x2x128xi32, #tpu.memory_space<vmem>>
      %dma_start3A_44 = tpu.memref_squeeze %dma_start3A_43 : memref<1x8x2x128xi32, #tpu.memory_space<vmem>> -> memref<8x2x128xi32, #tpu.memory_space<vmem>>
      %dma_start3A_45 = arith.constant 0 : i32
      %dma_start3A_46 = arith.constant 0 : i32
      %dma_start3A_47 = tpu.memref_slice %arg3[%mul3A_15, %dma_start3A_45, %dma_start3A_46] : memref<2560x2x128xi32, #tpu.memory_space<hbm>> -> memref<8x2x128xi32, #tpu.memory_space<hbm>>
      %dma_start3A_48 = arith.constant 0 : i32
      %dma_start3A_49 = arith.constant 0 : i32
      %dma_start3A_50 = arith.constant 0 : i32
      %dma_start3A_51 = tpu.memref_slice %arg7[%run_scoped3A, %dma_start3A_48, %dma_start3A_49, %dma_start3A_50] : memref<2x8x2x128xi32, #tpu.memory_space<vmem>> -> memref<1x8x2x128xi32, #tpu.memory_space<vmem>>
      %dma_start3A_52 = tpu.memref_squeeze %dma_start3A_51 : memref<1x8x2x128xi32, #tpu.memory_space<vmem>> -> memref<8x2x128xi32, #tpu.memory_space<vmem>>
      %dma_start3A_53 = arith.constant 0 : i32
      %dma_start3A_54 = arith.constant 0 : i32
      %dma_start3A_55 = tpu.memref_slice %arg3[%mul3A_15, %dma_start3A_53, %dma_start3A_54] : memref<2560x2x128xi32, #tpu.memory_space<hbm>> -> memref<8x2x128xi32, #tpu.memory_space<hbm>>
      tpu.enqueue_dma source(%dma_start3A_55 : memref<8x2x128xi32, #tpu.memory_space<hbm>>) target(%dma_start3A_52 : memref<8x2x128xi32, #tpu.memory_space<vmem>>) target_semaphore(%run_scoped3A_39 : memref<!tpu.dma_semaphore, #tpu.memory_space<semaphore_mem>>)
      %dma_wait3A = arith.constant 0 : i32
      %dma_wait3A_56 = arith.constant 0 : i32
      %dma_wait3A_57 = arith.constant 0 : i32
      %dma_wait3A_58 = tpu.memref_slice %arg7[%run_scoped3A, %dma_wait3A, %dma_wait3A_56, %dma_wait3A_57] : memref<2x8x2x128xi32, #tpu.memory_space<vmem>> -> memref<1x8x2x128xi32, #tpu.memory_space<vmem>>
      %dma_wait3A_59 = tpu.memref_squeeze %dma_wait3A_58 : memref<1x8x2x128xi32, #tpu.memory_space<vmem>> -> memref<8x2x128xi32, #tpu.memory_space<vmem>>
      %dma_wait3A_60 = arith.constant 0 : i32
      %dma_wait3A_61 = arith.constant 0 : i32
      %dma_wait3A_62 = tpu.memref_slice %arg3[%mul3A_15, %dma_wait3A_60, %dma_wait3A_61] : memref<2560x2x128xi32, #tpu.memory_space<hbm>> -> memref<8x2x128xi32, #tpu.memory_space<hbm>>
      %dma_wait3A_63 = arith.constant 0 : i32
      %dma_wait3A_64 = arith.constant 0 : i32
      %dma_wait3A_65 = arith.constant 0 : i32
      %dma_wait3A_66 = tpu.memref_slice %arg7[%run_scoped3A, %dma_wait3A_63, %dma_wait3A_64, %dma_wait3A_65] : memref<2x8x2x128xi32, #tpu.memory_space<vmem>> -> memref<1x8x2x128xi32, #tpu.memory_space<vmem>>
      %dma_wait3A_67 = tpu.memref_squeeze %dma_wait3A_66 : memref<1x8x2x128xi32, #tpu.memory_space<vmem>> -> memref<8x2x128xi32, #tpu.memory_space<vmem>>
      %dma_wait3A_68 = arith.constant 0 : i32
      %dma_wait3A_69 = arith.constant 0 : i32
      %dma_wait3A_70 = tpu.memref_slice %arg3[%mul3A_15, %dma_wait3A_68, %dma_wait3A_69] : memref<2560x2x128xi32, #tpu.memory_space<hbm>> -> memref<8x2x128xi32, #tpu.memory_space<hbm>>
      tpu.wait_dma2 semaphore(%run_scoped3A_39 : memref<!tpu.dma_semaphore, #tpu.memory_space<semaphore_mem>>) src(%dma_wait3A_70 : memref<8x2x128xi32, #tpu.memory_space<hbm>>) dst(%dma_wait3A_67 : memref<8x2x128xi32, #tpu.memory_space<vmem>>)
      tpu.yield
    }) : () -> ()
    %dma_start3A = arith.constant 0 : i32
    %dma_start3A_16 = arith.constant 0 : i32
    %dma_start3A_17 = arith.constant 0 : i32
    %dma_start3A_18 = arith.constant 0 : i32
    %dma_start3A_19 = tpu.memref_slice %arg7[%dma_start3A, %dma_start3A_16, %dma_start3A_17, %dma_start3A_18] : memref<2x8x2x128xi32, #tpu.memory_space<vmem>> -> memref<1x1x1x128xi32, #tpu.memory_space<vmem>>
    %dma_start3A_20 = tpu.memref_squeeze %dma_start3A_19 : memref<1x1x1x128xi32, #tpu.memory_space<vmem>> -> memref<128xi32, #tpu.memory_space<vmem>>
    %dma_start3A_21 = arith.constant 0 : i32
    %dma_start3A_22 = arith.constant 0 : i32
    %dma_start3A_23 = tpu.memref_slice %arg2[%dma_start3A_21, %dma_start3A_22] : memref<10240x128xf32, #tpu.memory_space<hbm>> -> memref<10240x128xf32, #tpu.memory_space<hbm>>
    tpu.enqueue_indirect_dma source(%dma_start3A_23 : memref<10240x128xf32, #tpu.memory_space<hbm>>) target(%arg8 : memref<128x128xf32, #tpu.memory_space<vmem>>) offsets(%dma_start3A_20 : memref<128xi32, #tpu.memory_space<vmem>>) semaphore(%arg11 : memref<!tpu.dma_semaphore, #tpu.memory_space<semaphore_mem>>)
    %dma_start3A_24 = arith.constant 0 : i32
    %dma_start3A_25 = arith.constant 1 : i32
    %dma_start3A_26 = arith.constant 0 : i32
    %dma_start3A_27 = arith.constant 0 : i32
    %dma_start3A_28 = tpu.memref_slice %arg7[%dma_start3A_24, %dma_start3A_25, %dma_start3A_26, %dma_start3A_27] : memref<2x8x2x128xi32, #tpu.memory_space<vmem>> -> memref<1x1x1x128xi32, #tpu.memory_space<vmem>>
    %dma_start3A_29 = tpu.memref_squeeze %dma_start3A_28 : memref<1x1x1x128xi32, #tpu.memory_space<vmem>> -> memref<128xi32, #tpu.memory_space<vmem>>
    %dma_start3A_30 = arith.constant 0 : i32
    %dma_start3A_31 = arith.constant 0 : i32
    %dma_start3A_32 = tpu.memref_slice %arg2[%dma_start3A_30, %dma_start3A_31] : memref<10240x128xf32, #tpu.memory_space<hbm>> -> memref<10240x128xf32, #tpu.memory_space<hbm>>
    tpu.enqueue_indirect_dma source(%dma_start3A_32 : memref<10240x128xf32, #tpu.memory_space<hbm>>) target(%arg9 : memref<128x128xf32, #tpu.memory_space<vmem>>) offsets(%dma_start3A_29 : memref<128xi32, #tpu.memory_space<vmem>>) semaphore(%arg12 : memref<!tpu.dma_semaphore, #tpu.memory_space<semaphore_mem>>)
    %barrier3A = arith.constant 0 : index
    tpu.barrier barrier_id(%barrier3A)
    %scan3A = arith.constant 0 : i32
    %scan3A_33 = arith.constant 0 : i32
    %scan3A_34 = arith.constant 10 : i32
    %scan3A_35 = arith.addi %scan3A_33, %scan3A_34 : i32
    %scan3A_36 = arith.constant 1 : i32
    scf.for %scan3A_39 = %scan3A_33 to %scan3A_35 step %scan3A_36  : i32 {
      %jit3A = arith.constant 2 : i32
      %eq3A = arith.constant 0 : i32
      %eq3A_40 = arith.cmpi eq, %jit3A, %eq3A : i32
      %jit3A_41 = arith.constant 1 : i32
      %select_n3A = arith.select %eq3A_40, %jit3A_41, %jit3A : i32
      %rem3A = arith.remsi %scan3A_39, %select_n3A : i32
      %ne3A = arith.constant 0 : i32
      %ne3A_42 = arith.cmpi ne, %rem3A, %ne3A : i32
      %lt3A = arith.constant 0 : i32
      %lt3A_43 = arith.cmpi slt, %rem3A, %lt3A : i32
      %lt3A_44 = arith.constant 0 : i32
      %lt3A_45 = arith.cmpi slt, %select_n3A, %lt3A_44 : i32
      %ne3A_46 = arith.xori %lt3A_43, %lt3A_45 : i1
      %and3A = arith.andi %ne3A_46, %ne3A_42 : i1
      %add3A_47 = arith.addi %rem3A, %select_n3A : i32
      %select_n3A_48 = arith.select %and3A, %add3A_47, %rem3A : i32
      %add3A_49 = arith.constant 1 : i32
      %add3A_50 = arith.addi %scan3A_39, %add3A_49 : i32
      %lt3A_51 = arith.constant 10 : i32
      %lt3A_52 = arith.cmpi slt, %add3A_50, %lt3A_51 : i32
      %convert_element_type3A = arith.extui %lt3A_52 : i1 to i32
      %cond3A = arith.constant 0 : i32
      %cond3A_53 = arith.cmpi ne, %convert_element_type3A, %cond3A : i32
      scf.if %cond3A_53 {
        %add3A_195 = arith.constant 1 : i32
        %add3A_196 = arith.addi %scan3A_39, %add3A_195 : i32
        %mul3A_197 = arith.constant 8 : i32
        %mul3A_198 = arith.muli %add3A_196, %mul3A_197 : i32
        %add3A_199 = arith.addi %mul3A_15, %mul3A_198 : i32
        %sub3A = arith.constant 1 : i32
        %sub3A_200 = arith.subi %sub3A, %select_n3A_48 : i32
        "tpu.region"() ({
          %run_scoped3A_201 = tpu.sem_alloc : memref<!tpu.dma_semaphore, #tpu.memory_space<semaphore_mem>>
          %dma_start3A_202 = arith.constant 0 : i32
          %dma_start3A_203 = arith.constant 0 : i32
          %dma_start3A_204 = arith.constant 0 : i32
          %dma_start3A_205 = tpu.memref_slice %arg7[%sub3A_200, %dma_start3A_202, %dma_start3A_203, %dma_start3A_204] : memref<2x8x2x128xi32, #tpu.memory_space<vmem>> -> memref<1x8x2x128xi32, #tpu.memory_space<vmem>>
          %dma_start3A_206 = tpu.memref_squeeze %dma_start3A_205 : memref<1x8x2x128xi32, #tpu.memory_space<vmem>> -> memref<8x2x128xi32, #tpu.memory_space<vmem>>
          %dma_start3A_207 = arith.constant 0 : i32
          %dma_start3A_208 = arith.constant 0 : i32
          %dma_start3A_209 = tpu.memref_slice %arg3[%add3A_199, %dma_start3A_207, %dma_start3A_208] : memref<2560x2x128xi32, #tpu.memory_space<hbm>> -> memref<8x2x128xi32, #tpu.memory_space<hbm>>
          %dma_start3A_210 = arith.constant 0 : i32
          %dma_start3A_211 = arith.constant 0 : i32
          %dma_start3A_212 = arith.constant 0 : i32
          %dma_start3A_213 = tpu.memref_slice %arg7[%sub3A_200, %dma_start3A_210, %dma_start3A_211, %dma_start3A_212] : memref<2x8x2x128xi32, #tpu.memory_space<vmem>> -> memref<1x8x2x128xi32, #tpu.memory_space<vmem>>
          %dma_start3A_214 = tpu.memref_squeeze %dma_start3A_213 : memref<1x8x2x128xi32, #tpu.memory_space<vmem>> -> memref<8x2x128xi32, #tpu.memory_space<vmem>>
          %dma_start3A_215 = arith.constant 0 : i32
          %dma_start3A_216 = arith.constant 0 : i32
          %dma_start3A_217 = tpu.memref_slice %arg3[%add3A_199, %dma_start3A_215, %dma_start3A_216] : memref<2560x2x128xi32, #tpu.memory_space<hbm>> -> memref<8x2x128xi32, #tpu.memory_space<hbm>>
          tpu.enqueue_dma source(%dma_start3A_217 : memref<8x2x128xi32, #tpu.memory_space<hbm>>) target(%dma_start3A_214 : memref<8x2x128xi32, #tpu.memory_space<vmem>>) target_semaphore(%run_scoped3A_201 : memref<!tpu.dma_semaphore, #tpu.memory_space<semaphore_mem>>)
          %dma_wait3A_218 = arith.constant 0 : i32
          %dma_wait3A_219 = arith.constant 0 : i32
          %dma_wait3A_220 = arith.constant 0 : i32
          %dma_wait3A_221 = tpu.memref_slice %arg7[%sub3A_200, %dma_wait3A_218, %dma_wait3A_219, %dma_wait3A_220] : memref<2x8x2x128xi32, #tpu.memory_space<vmem>> -> memref<1x8x2x128xi32, #tpu.memory_space<vmem>>
          %dma_wait3A_222 = tpu.memref_squeeze %dma_wait3A_221 : memref<1x8x2x128xi32, #tpu.memory_space<vmem>> -> memref<8x2x128xi32, #tpu.memory_space<vmem>>
          %dma_wait3A_223 = arith.constant 0 : i32
          %dma_wait3A_224 = arith.constant 0 : i32
          %dma_wait3A_225 = tpu.memref_slice %arg3[%add3A_199, %dma_wait3A_223, %dma_wait3A_224] : memref<2560x2x128xi32, #tpu.memory_space<hbm>> -> memref<8x2x128xi32, #tpu.memory_space<hbm>>
          %dma_wait3A_226 = arith.constant 0 : i32
          %dma_wait3A_227 = arith.constant 0 : i32
          %dma_wait3A_228 = arith.constant 0 : i32
          %dma_wait3A_229 = tpu.memref_slice %arg7[%sub3A_200, %dma_wait3A_226, %dma_wait3A_227, %dma_wait3A_228] : memref<2x8x2x128xi32, #tpu.memory_space<vmem>> -> memref<1x8x2x128xi32, #tpu.memory_space<vmem>>
          %dma_wait3A_230 = tpu.memref_squeeze %dma_wait3A_229 : memref<1x8x2x128xi32, #tpu.memory_space<vmem>> -> memref<8x2x128xi32, #tpu.memory_space<vmem>>
          %dma_wait3A_231 = arith.constant 0 : i32
          %dma_wait3A_232 = arith.constant 0 : i32
          %dma_wait3A_233 = tpu.memref_slice %arg3[%add3A_199, %dma_wait3A_231, %dma_wait3A_232] : memref<2560x2x128xi32, #tpu.memory_space<hbm>> -> memref<8x2x128xi32, #tpu.memory_space<hbm>>
          tpu.wait_dma2 semaphore(%run_scoped3A_201 : memref<!tpu.dma_semaphore, #tpu.memory_space<semaphore_mem>>) src(%dma_wait3A_233 : memref<8x2x128xi32, #tpu.memory_space<hbm>>) dst(%dma_wait3A_230 : memref<8x2x128xi32, #tpu.memory_space<vmem>>)
          tpu.yield
        }) : () -> ()
      } else {
      }
      %dma_wait3A = arith.constant 0 : i32
      %dma_wait3A_54 = arith.constant 0 : i32
      %dma_wait3A_55 = arith.constant 0 : i32
      %dma_wait3A_56 = tpu.memref_slice %arg7[%select_n3A_48, %dma_wait3A, %dma_wait3A_54, %dma_wait3A_55] : memref<2x8x2x128xi32, #tpu.memory_space<vmem>> -> memref<1x1x1x128xi32, #tpu.memory_space<vmem>>
      %dma_wait3A_57 = tpu.memref_squeeze %dma_wait3A_56 : memref<1x1x1x128xi32, #tpu.memory_space<vmem>> -> memref<128xi32, #tpu.memory_space<vmem>>
      %dma_wait3A_58 = arith.constant 0 : i32
      %dma_wait3A_59 = arith.constant 0 : i32
      %dma_wait3A_60 = tpu.memref_slice %arg2[%dma_wait3A_58, %dma_wait3A_59] : memref<10240x128xf32, #tpu.memory_space<hbm>> -> memref<10240x128xf32, #tpu.memory_space<hbm>>
      tpu.wait_indirect_dma semaphore(%arg11 : memref<!tpu.dma_semaphore, #tpu.memory_space<semaphore_mem>>) src(%dma_wait3A_60 : memref<10240x128xf32, #tpu.memory_space<hbm>>) dst(%arg8 : memref<128x128xf32, #tpu.memory_space<vmem>>)
      %run_scoped3A_61 = arith.constant 0 : i32
      %run_scoped3A_62 = arith.constant 1 : i32
      "tpu.region"() ({
        %run_scoped3A_195 = tpu.sem_alloc : memref<!tpu.dma_semaphore, #tpu.memory_space<semaphore_mem>>
        %dma_start3A_196 = arith.constant 0 : i32
        %dma_start3A_197 = tpu.memref_slice %arg7[%select_n3A_48, %run_scoped3A_61, %run_scoped3A_62, %dma_start3A_196] : memref<2x8x2x128xi32, #tpu.memory_space<vmem>> -> memref<1x1x1x128xi32, #tpu.memory_space<vmem>>
        %dma_start3A_198 = tpu.memref_squeeze %dma_start3A_197 : memref<1x1x1x128xi32, #tpu.memory_space<vmem>> -> memref<128xi32, #tpu.memory_space<vmem>>
        %dma_start3A_199 = arith.constant 0 : i32
        %dma_start3A_200 = arith.constant 0 : i32
        %dma_start3A_201 = tpu.memref_slice %arg10[%dma_start3A_199, %dma_start3A_200] : memref<10240x128xf32, #tpu.memory_space<vmem_shared>> -> memref<10240x128xf32, #tpu.memory_space<vmem_shared>>
        tpu.enqueue_indirect_dma source(%arg8 : memref<128x128xf32, #tpu.memory_space<vmem>>) target(%dma_start3A_201 : memref<10240x128xf32, #tpu.memory_space<vmem_shared>>) offsets(%dma_start3A_198 : memref<128xi32, #tpu.memory_space<vmem>>) semaphore(%run_scoped3A_195 : memref<!tpu.dma_semaphore, #tpu.memory_space<semaphore_mem>>) {add = true}
        %dma_wait3A_202 = arith.constant 0 : i32
        %dma_wait3A_203 = tpu.memref_slice %arg7[%select_n3A_48, %run_scoped3A_61, %run_scoped3A_62, %dma_wait3A_202] : memref<2x8x2x128xi32, #tpu.memory_space<vmem>> -> memref<1x1x1x128xi32, #tpu.memory_space<vmem>>
        %dma_wait3A_204 = tpu.memref_squeeze %dma_wait3A_203 : memref<1x1x1x128xi32, #tpu.memory_space<vmem>> -> memref<128xi32, #tpu.memory_space<vmem>>
        %dma_wait3A_205 = arith.constant 0 : i32
        %dma_wait3A_206 = arith.constant 0 : i32
        %dma_wait3A_207 = tpu.memref_slice %arg10[%dma_wait3A_205, %dma_wait3A_206] : memref<10240x128xf32, #tpu.memory_space<vmem_shared>> -> memref<10240x128xf32, #tpu.memory_space<vmem_shared>>
        tpu.wait_indirect_dma semaphore(%run_scoped3A_195 : memref<!tpu.dma_semaphore, #tpu.memory_space<semaphore_mem>>) src(%arg8 : memref<128x128xf32, #tpu.memory_space<vmem>>) dst(%dma_wait3A_207 : memref<10240x128xf32, #tpu.memory_space<vmem_shared>>)
        tpu.yield
      }) : () -> ()
      %dma_start3A_63 = arith.constant 2 : i32
      %dma_start3A_64 = arith.constant 0 : i32
      %dma_start3A_65 = arith.constant 0 : i32
      %dma_start3A_66 = tpu.memref_slice %arg7[%select_n3A_48, %dma_start3A_63, %dma_start3A_64, %dma_start3A_65] : memref<2x8x2x128xi32, #tpu.memory_space<vmem>> -> memref<1x1x1x128xi32, #tpu.memory_space<vmem>>
      %dma_start3A_67 = tpu.memref_squeeze %dma_start3A_66 : memref<1x1x1x128xi32, #tpu.memory_space<vmem>> -> memref<128xi32, #tpu.memory_space<vmem>>
      %dma_start3A_68 = arith.constant 0 : i32
      %dma_start3A_69 = arith.constant 0 : i32
      %dma_start3A_70 = tpu.memref_slice %arg2[%dma_start3A_68, %dma_start3A_69] : memref<10240x128xf32, #tpu.memory_space<hbm>> -> memref<10240x128xf32, #tpu.memory_space<hbm>>
      tpu.enqueue_indirect_dma source(%dma_start3A_70 : memref<10240x128xf32, #tpu.memory_space<hbm>>) target(%arg8 : memref<128x128xf32, #tpu.memory_space<vmem>>) offsets(%dma_start3A_67 : memref<128xi32, #tpu.memory_space<vmem>>) semaphore(%arg11 : memref<!tpu.dma_semaphore, #tpu.memory_space<semaphore_mem>>)
      %dma_wait3A_71 = arith.constant 1 : i32
      %dma_wait3A_72 = arith.constant 0 : i32
      %dma_wait3A_73 = arith.constant 0 : i32
      %dma_wait3A_74 = tpu.memref_slice %arg7[%select_n3A_48, %dma_wait3A_71, %dma_wait3A_72, %dma_wait3A_73] : memref<2x8x2x128xi32, #tpu.memory_space<vmem>> -> memref<1x1x1x128xi32, #tpu.memory_space<vmem>>
      %dma_wait3A_75 = tpu.memref_squeeze %dma_wait3A_74 : memref<1x1x1x128xi32, #tpu.memory_space<vmem>> -> memref<128xi32, #tpu.memory_space<vmem>>
      %dma_wait3A_76 = arith.constant 0 : i32
      %dma_wait3A_77 = arith.constant 0 : i32
      %dma_wait3A_78 = tpu.memref_slice %arg2[%dma_wait3A_76, %dma_wait3A_77] : memref<10240x128xf32, #tpu.memory_space<hbm>> -> memref<10240x128xf32, #tpu.memory_space<hbm>>
      tpu.wait_indirect_dma semaphore(%arg12 : memref<!tpu.dma_semaphore, #tpu.memory_space<semaphore_mem>>) src(%dma_wait3A_78 : memref<10240x128xf32, #tpu.memory_space<hbm>>) dst(%arg9 : memref<128x128xf32, #tpu.memory_space<vmem>>)
      %run_scoped3A_79 = arith.constant 1 : i32
      %run_scoped3A_80 = arith.constant 1 : i32
      "tpu.region"() ({
        %run_scoped3A_195 = tpu.sem_alloc : memref<!tpu.dma_semaphore, #tpu.memory_space<semaphore_mem>>
        %dma_start3A_196 = arith.constant 0 : i32
        %dma_start3A_197 = tpu.memref_slice %arg7[%select_n3A_48, %run_scoped3A_79, %run_scoped3A_80, %dma_start3A_196] : memref<2x8x2x128xi32, #tpu.memory_space<vmem>> -> memref<1x1x1x128xi32, #tpu.memory_space<vmem>>
        %dma_start3A_198 = tpu.memref_squeeze %dma_start3A_197 : memref<1x1x1x128xi32, #tpu.memory_space<vmem>> -> memref<128xi32, #tpu.memory_space<vmem>>
        %dma_start3A_199 = arith.constant 0 : i32
        %dma_start3A_200 = arith.constant 0 : i32
        %dma_start3A_201 = tpu.memref_slice %arg10[%dma_start3A_199, %dma_start3A_200] : memref<10240x128xf32, #tpu.memory_space<vmem_shared>> -> memref<10240x128xf32, #tpu.memory_space<vmem_shared>>
        tpu.enqueue_indirect_dma source(%arg9 : memref<128x128xf32, #tpu.memory_space<vmem>>) target(%dma_start3A_201 : memref<10240x128xf32, #tpu.memory_space<vmem_shared>>) offsets(%dma_start3A_198 : memref<128xi32, #tpu.memory_space<vmem>>) semaphore(%run_scoped3A_195 : memref<!tpu.dma_semaphore, #tpu.memory_space<semaphore_mem>>) {add = true}
        %dma_wait3A_202 = arith.constant 0 : i32
        %dma_wait3A_203 = tpu.memref_slice %arg7[%select_n3A_48, %run_scoped3A_79, %run_scoped3A_80, %dma_wait3A_202] : memref<2x8x2x128xi32, #tpu.memory_space<vmem>> -> memref<1x1x1x128xi32, #tpu.memory_space<vmem>>
        %dma_wait3A_204 = tpu.memref_squeeze %dma_wait3A_203 : memref<1x1x1x128xi32, #tpu.memory_space<vmem>> -> memref<128xi32, #tpu.memory_space<vmem>>
        %dma_wait3A_205 = arith.constant 0 : i32
        %dma_wait3A_206 = arith.constant 0 : i32
        %dma_wait3A_207 = tpu.memref_slice %arg10[%dma_wait3A_205, %dma_wait3A_206] : memref<10240x128xf32, #tpu.memory_space<vmem_shared>> -> memref<10240x128xf32, #tpu.memory_space<vmem_shared>>
        tpu.wait_indirect_dma semaphore(%run_scoped3A_195 : memref<!tpu.dma_semaphore, #tpu.memory_space<semaphore_mem>>) src(%arg9 : memref<128x128xf32, #tpu.memory_space<vmem>>) dst(%dma_wait3A_207 : memref<10240x128xf32, #tpu.memory_space<vmem_shared>>)
        tpu.yield
      }) : () -> ()
      %dma_start3A_81 = arith.constant 3 : i32
      %dma_start3A_82 = arith.constant 0 : i32
      %dma_start3A_83 = arith.constant 0 : i32
      %dma_start3A_84 = tpu.memref_slice %arg7[%select_n3A_48, %dma_start3A_81, %dma_start3A_82, %dma_start3A_83] : memref<2x8x2x128xi32, #tpu.memory_space<vmem>> -> memref<1x1x1x128xi32, #tpu.memory_space<vmem>>
      %dma_start3A_85 = tpu.memref_squeeze %dma_start3A_84 : memref<1x1x1x128xi32, #tpu.memory_space<vmem>> -> memref<128xi32, #tpu.memory_space<vmem>>
      %dma_start3A_86 = arith.constant 0 : i32
      %dma_start3A_87 = arith.constant 0 : i32
      %dma_start3A_88 = tpu.memref_slice %arg2[%dma_start3A_86, %dma_start3A_87] : memref<10240x128xf32, #tpu.memory_space<hbm>> -> memref<10240x128xf32, #tpu.memory_space<hbm>>
      tpu.enqueue_indirect_dma source(%dma_start3A_88 : memref<10240x128xf32, #tpu.memory_space<hbm>>) target(%arg9 : memref<128x128xf32, #tpu.memory_space<vmem>>) offsets(%dma_start3A_85 : memref<128xi32, #tpu.memory_space<vmem>>) semaphore(%arg12 : memref<!tpu.dma_semaphore, #tpu.memory_space<semaphore_mem>>)
      %dma_wait3A_89 = arith.constant 2 : i32
      %dma_wait3A_90 = arith.constant 0 : i32
      %dma_wait3A_91 = arith.constant 0 : i32
      %dma_wait3A_92 = tpu.memref_slice %arg7[%select_n3A_48, %dma_wait3A_89, %dma_wait3A_90, %dma_wait3A_91] : memref<2x8x2x128xi32, #tpu.memory_space<vmem>> -> memref<1x1x1x128xi32, #tpu.memory_space<vmem>>
      %dma_wait3A_93 = tpu.memref_squeeze %dma_wait3A_92 : memref<1x1x1x128xi32, #tpu.memory_space<vmem>> -> memref<128xi32, #tpu.memory_space<vmem>>
      %dma_wait3A_94 = arith.constant 0 : i32
      %dma_wait3A_95 = arith.constant 0 : i32
      %dma_wait3A_96 = tpu.memref_slice %arg2[%dma_wait3A_94, %dma_wait3A_95] : memref<10240x128xf32, #tpu.memory_space<hbm>> -> memref<10240x128xf32, #tpu.memory_space<hbm>>
      tpu.wait_indirect_dma semaphore(%arg11 : memref<!tpu.dma_semaphore, #tpu.memory_space<semaphore_mem>>) src(%dma_wait3A_96 : memref<10240x128xf32, #tpu.memory_space<hbm>>) dst(%arg8 : memref<128x128xf32, #tpu.memory_space<vmem>>)
      %run_scoped3A_97 = arith.constant 2 : i32
      %run_scoped3A_98 = arith.constant 1 : i32
      "tpu.region"() ({
        %run_scoped3A_195 = tpu.sem_alloc : memref<!tpu.dma_semaphore, #tpu.memory_space<semaphore_mem>>
        %dma_start3A_196 = arith.constant 0 : i32
        %dma_start3A_197 = tpu.memref_slice %arg7[%select_n3A_48, %run_scoped3A_97, %run_scoped3A_98, %dma_start3A_196] : memref<2x8x2x128xi32, #tpu.memory_space<vmem>> -> memref<1x1x1x128xi32, #tpu.memory_space<vmem>>
        %dma_start3A_198 = tpu.memref_squeeze %dma_start3A_197 : memref<1x1x1x128xi32, #tpu.memory_space<vmem>> -> memref<128xi32, #tpu.memory_space<vmem>>
        %dma_start3A_199 = arith.constant 0 : i32
        %dma_start3A_200 = arith.constant 0 : i32
        %dma_start3A_201 = tpu.memref_slice %arg10[%dma_start3A_199, %dma_start3A_200] : memref<10240x128xf32, #tpu.memory_space<vmem_shared>> -> memref<10240x128xf32, #tpu.memory_space<vmem_shared>>
        tpu.enqueue_indirect_dma source(%arg8 : memref<128x128xf32, #tpu.memory_space<vmem>>) target(%dma_start3A_201 : memref<10240x128xf32, #tpu.memory_space<vmem_shared>>) offsets(%dma_start3A_198 : memref<128xi32, #tpu.memory_space<vmem>>) semaphore(%run_scoped3A_195 : memref<!tpu.dma_semaphore, #tpu.memory_space<semaphore_mem>>) {add = true}
        %dma_wait3A_202 = arith.constant 0 : i32
        %dma_wait3A_203 = tpu.memref_slice %arg7[%select_n3A_48, %run_scoped3A_97, %run_scoped3A_98, %dma_wait3A_202] : memref<2x8x2x128xi32, #tpu.memory_space<vmem>> -> memref<1x1x1x128xi32, #tpu.memory_space<vmem>>
        %dma_wait3A_204 = tpu.memref_squeeze %dma_wait3A_203 : memref<1x1x1x128xi32, #tpu.memory_space<vmem>> -> memref<128xi32, #tpu.memory_space<vmem>>
        %dma_wait3A_205 = arith.constant 0 : i32
        %dma_wait3A_206 = arith.constant 0 : i32
        %dma_wait3A_207 = tpu.memref_slice %arg10[%dma_wait3A_205, %dma_wait3A_206] : memref<10240x128xf32, #tpu.memory_space<vmem_shared>> -> memref<10240x128xf32, #tpu.memory_space<vmem_shared>>
        tpu.wait_indirect_dma semaphore(%run_scoped3A_195 : memref<!tpu.dma_semaphore, #tpu.memory_space<semaphore_mem>>) src(%arg8 : memref<128x128xf32, #tpu.memory_space<vmem>>) dst(%dma_wait3A_207 : memref<10240x128xf32, #tpu.memory_space<vmem_shared>>)
        tpu.yield
      }) : () -> ()
      %dma_start3A_99 = arith.constant 4 : i32
      %dma_start3A_100 = arith.constant 0 : i32
      %dma_start3A_101 = arith.constant 0 : i32
      %dma_start3A_102 = tpu.memref_slice %arg7[%select_n3A_48, %dma_start3A_99, %dma_start3A_100, %dma_start3A_101] : memref<2x8x2x128xi32, #tpu.memory_space<vmem>> -> memref<1x1x1x128xi32, #tpu.memory_space<vmem>>
      %dma_start3A_103 = tpu.memref_squeeze %dma_start3A_102 : memref<1x1x1x128xi32, #tpu.memory_space<vmem>> -> memref<128xi32, #tpu.memory_space<vmem>>
      %dma_start3A_104 = arith.constant 0 : i32
      %dma_start3A_105 = arith.constant 0 : i32
      %dma_start3A_106 = tpu.memref_slice %arg2[%dma_start3A_104, %dma_start3A_105] : memref<10240x128xf32, #tpu.memory_space<hbm>> -> memref<10240x128xf32, #tpu.memory_space<hbm>>
      tpu.enqueue_indirect_dma source(%dma_start3A_106 : memref<10240x128xf32, #tpu.memory_space<hbm>>) target(%arg8 : memref<128x128xf32, #tpu.memory_space<vmem>>) offsets(%dma_start3A_103 : memref<128xi32, #tpu.memory_space<vmem>>) semaphore(%arg11 : memref<!tpu.dma_semaphore, #tpu.memory_space<semaphore_mem>>)
      %dma_wait3A_107 = arith.constant 3 : i32
      %dma_wait3A_108 = arith.constant 0 : i32
      %dma_wait3A_109 = arith.constant 0 : i32
      %dma_wait3A_110 = tpu.memref_slice %arg7[%select_n3A_48, %dma_wait3A_107, %dma_wait3A_108, %dma_wait3A_109] : memref<2x8x2x128xi32, #tpu.memory_space<vmem>> -> memref<1x1x1x128xi32, #tpu.memory_space<vmem>>
      %dma_wait3A_111 = tpu.memref_squeeze %dma_wait3A_110 : memref<1x1x1x128xi32, #tpu.memory_space<vmem>> -> memref<128xi32, #tpu.memory_space<vmem>>
      %dma_wait3A_112 = arith.constant 0 : i32
      %dma_wait3A_113 = arith.constant 0 : i32
      %dma_wait3A_114 = tpu.memref_slice %arg2[%dma_wait3A_112, %dma_wait3A_113] : memref<10240x128xf32, #tpu.memory_space<hbm>> -> memref<10240x128xf32, #tpu.memory_space<hbm>>
      tpu.wait_indirect_dma semaphore(%arg12 : memref<!tpu.dma_semaphore, #tpu.memory_space<semaphore_mem>>) src(%dma_wait3A_114 : memref<10240x128xf32, #tpu.memory_space<hbm>>) dst(%arg9 : memref<128x128xf32, #tpu.memory_space<vmem>>)
      %run_scoped3A_115 = arith.constant 3 : i32
      %run_scoped3A_116 = arith.constant 1 : i32
      "tpu.region"() ({
        %run_scoped3A_195 = tpu.sem_alloc : memref<!tpu.dma_semaphore, #tpu.memory_space<semaphore_mem>>
        %dma_start3A_196 = arith.constant 0 : i32
        %dma_start3A_197 = tpu.memref_slice %arg7[%select_n3A_48, %run_scoped3A_115, %run_scoped3A_116, %dma_start3A_196] : memref<2x8x2x128xi32, #tpu.memory_space<vmem>> -> memref<1x1x1x128xi32, #tpu.memory_space<vmem>>
        %dma_start3A_198 = tpu.memref_squeeze %dma_start3A_197 : memref<1x1x1x128xi32, #tpu.memory_space<vmem>> -> memref<128xi32, #tpu.memory_space<vmem>>
        %dma_start3A_199 = arith.constant 0 : i32
        %dma_start3A_200 = arith.constant 0 : i32
        %dma_start3A_201 = tpu.memref_slice %arg10[%dma_start3A_199, %dma_start3A_200] : memref<10240x128xf32, #tpu.memory_space<vmem_shared>> -> memref<10240x128xf32, #tpu.memory_space<vmem_shared>>
        tpu.enqueue_indirect_dma source(%arg9 : memref<128x128xf32, #tpu.memory_space<vmem>>) target(%dma_start3A_201 : memref<10240x128xf32, #tpu.memory_space<vmem_shared>>) offsets(%dma_start3A_198 : memref<128xi32, #tpu.memory_space<vmem>>) semaphore(%run_scoped3A_195 : memref<!tpu.dma_semaphore, #tpu.memory_space<semaphore_mem>>) {add = true}
        %dma_wait3A_202 = arith.constant 0 : i32
        %dma_wait3A_203 = tpu.memref_slice %arg7[%select_n3A_48, %run_scoped3A_115, %run_scoped3A_116, %dma_wait3A_202] : memref<2x8x2x128xi32, #tpu.memory_space<vmem>> -> memref<1x1x1x128xi32, #tpu.memory_space<vmem>>
        %dma_wait3A_204 = tpu.memref_squeeze %dma_wait3A_203 : memref<1x1x1x128xi32, #tpu.memory_space<vmem>> -> memref<128xi32, #tpu.memory_space<vmem>>
        %dma_wait3A_205 = arith.constant 0 : i32
        %dma_wait3A_206 = arith.constant 0 : i32
        %dma_wait3A_207 = tpu.memref_slice %arg10[%dma_wait3A_205, %dma_wait3A_206] : memref<10240x128xf32, #tpu.memory_space<vmem_shared>> -> memref<10240x128xf32, #tpu.memory_space<vmem_shared>>
        tpu.wait_indirect_dma semaphore(%run_scoped3A_195 : memref<!tpu.dma_semaphore, #tpu.memory_space<semaphore_mem>>) src(%arg9 : memref<128x128xf32, #tpu.memory_space<vmem>>) dst(%dma_wait3A_207 : memref<10240x128xf32, #tpu.memory_space<vmem_shared>>)
        tpu.yield
      }) : () -> ()
      %dma_start3A_117 = arith.constant 5 : i32
      %dma_start3A_118 = arith.constant 0 : i32
      %dma_start3A_119 = arith.constant 0 : i32
      %dma_start3A_120 = tpu.memref_slice %arg7[%select_n3A_48, %dma_start3A_117, %dma_start3A_118, %dma_start3A_119] : memref<2x8x2x128xi32, #tpu.memory_space<vmem>> -> memref<1x1x1x128xi32, #tpu.memory_space<vmem>>
      %dma_start3A_121 = tpu.memref_squeeze %dma_start3A_120 : memref<1x1x1x128xi32, #tpu.memory_space<vmem>> -> memref<128xi32, #tpu.memory_space<vmem>>
      %dma_start3A_122 = arith.constant 0 : i32
      %dma_start3A_123 = arith.constant 0 : i32
      %dma_start3A_124 = tpu.memref_slice %arg2[%dma_start3A_122, %dma_start3A_123] : memref<10240x128xf32, #tpu.memory_space<hbm>> -> memref<10240x128xf32, #tpu.memory_space<hbm>>
      tpu.enqueue_indirect_dma source(%dma_start3A_124 : memref<10240x128xf32, #tpu.memory_space<hbm>>) target(%arg9 : memref<128x128xf32, #tpu.memory_space<vmem>>) offsets(%dma_start3A_121 : memref<128xi32, #tpu.memory_space<vmem>>) semaphore(%arg12 : memref<!tpu.dma_semaphore, #tpu.memory_space<semaphore_mem>>)
      %dma_wait3A_125 = arith.constant 4 : i32
      %dma_wait3A_126 = arith.constant 0 : i32
      %dma_wait3A_127 = arith.constant 0 : i32
      %dma_wait3A_128 = tpu.memref_slice %arg7[%select_n3A_48, %dma_wait3A_125, %dma_wait3A_126, %dma_wait3A_127] : memref<2x8x2x128xi32, #tpu.memory_space<vmem>> -> memref<1x1x1x128xi32, #tpu.memory_space<vmem>>
      %dma_wait3A_129 = tpu.memref_squeeze %dma_wait3A_128 : memref<1x1x1x128xi32, #tpu.memory_space<vmem>> -> memref<128xi32, #tpu.memory_space<vmem>>
      %dma_wait3A_130 = arith.constant 0 : i32
      %dma_wait3A_131 = arith.constant 0 : i32
      %dma_wait3A_132 = tpu.memref_slice %arg2[%dma_wait3A_130, %dma_wait3A_131] : memref<10240x128xf32, #tpu.memory_space<hbm>> -> memref<10240x128xf32, #tpu.memory_space<hbm>>
      tpu.wait_indirect_dma semaphore(%arg11 : memref<!tpu.dma_semaphore, #tpu.memory_space<semaphore_mem>>) src(%dma_wait3A_132 : memref<10240x128xf32, #tpu.memory_space<hbm>>) dst(%arg8 : memref<128x128xf32, #tpu.memory_space<vmem>>)
      %run_scoped3A_133 = arith.constant 4 : i32
      %run_scoped3A_134 = arith.constant 1 : i32
      "tpu.region"() ({
        %run_scoped3A_195 = tpu.sem_alloc : memref<!tpu.dma_semaphore, #tpu.memory_space<semaphore_mem>>
        %dma_start3A_196 = arith.constant 0 : i32
        %dma_start3A_197 = tpu.memref_slice %arg7[%select_n3A_48, %run_scoped3A_133, %run_scoped3A_134, %dma_start3A_196] : memref<2x8x2x128xi32, #tpu.memory_space<vmem>> -> memref<1x1x1x128xi32, #tpu.memory_space<vmem>>
        %dma_start3A_198 = tpu.memref_squeeze %dma_start3A_197 : memref<1x1x1x128xi32, #tpu.memory_space<vmem>> -> memref<128xi32, #tpu.memory_space<vmem>>
        %dma_start3A_199 = arith.constant 0 : i32
        %dma_start3A_200 = arith.constant 0 : i32
        %dma_start3A_201 = tpu.memref_slice %arg10[%dma_start3A_199, %dma_start3A_200] : memref<10240x128xf32, #tpu.memory_space<vmem_shared>> -> memref<10240x128xf32, #tpu.memory_space<vmem_shared>>
        tpu.enqueue_indirect_dma source(%arg8 : memref<128x128xf32, #tpu.memory_space<vmem>>) target(%dma_start3A_201 : memref<10240x128xf32, #tpu.memory_space<vmem_shared>>) offsets(%dma_start3A_198 : memref<128xi32, #tpu.memory_space<vmem>>) semaphore(%run_scoped3A_195 : memref<!tpu.dma_semaphore, #tpu.memory_space<semaphore_mem>>) {add = true}
        %dma_wait3A_202 = arith.constant 0 : i32
        %dma_wait3A_203 = tpu.memref_slice %arg7[%select_n3A_48, %run_scoped3A_133, %run_scoped3A_134, %dma_wait3A_202] : memref<2x8x2x128xi32, #tpu.memory_space<vmem>> -> memref<1x1x1x128xi32, #tpu.memory_space<vmem>>
        %dma_wait3A_204 = tpu.memref_squeeze %dma_wait3A_203 : memref<1x1x1x128xi32, #tpu.memory_space<vmem>> -> memref<128xi32, #tpu.memory_space<vmem>>
        %dma_wait3A_205 = arith.constant 0 : i32
        %dma_wait3A_206 = arith.constant 0 : i32
        %dma_wait3A_207 = tpu.memref_slice %arg10[%dma_wait3A_205, %dma_wait3A_206] : memref<10240x128xf32, #tpu.memory_space<vmem_shared>> -> memref<10240x128xf32, #tpu.memory_space<vmem_shared>>
        tpu.wait_indirect_dma semaphore(%run_scoped3A_195 : memref<!tpu.dma_semaphore, #tpu.memory_space<semaphore_mem>>) src(%arg8 : memref<128x128xf32, #tpu.memory_space<vmem>>) dst(%dma_wait3A_207 : memref<10240x128xf32, #tpu.memory_space<vmem_shared>>)
        tpu.yield
      }) : () -> ()
      %dma_start3A_135 = arith.constant 6 : i32
      %dma_start3A_136 = arith.constant 0 : i32
      %dma_start3A_137 = arith.constant 0 : i32
      %dma_start3A_138 = tpu.memref_slice %arg7[%select_n3A_48, %dma_start3A_135, %dma_start3A_136, %dma_start3A_137] : memref<2x8x2x128xi32, #tpu.memory_space<vmem>> -> memref<1x1x1x128xi32, #tpu.memory_space<vmem>>
      %dma_start3A_139 = tpu.memref_squeeze %dma_start3A_138 : memref<1x1x1x128xi32, #tpu.memory_space<vmem>> -> memref<128xi32, #tpu.memory_space<vmem>>
      %dma_start3A_140 = arith.constant 0 : i32
      %dma_start3A_141 = arith.constant 0 : i32
      %dma_start3A_142 = tpu.memref_slice %arg2[%dma_start3A_140, %dma_start3A_141] : memref<10240x128xf32, #tpu.memory_space<hbm>> -> memref<10240x128xf32, #tpu.memory_space<hbm>>
      tpu.enqueue_indirect_dma source(%dma_start3A_142 : memref<10240x128xf32, #tpu.memory_space<hbm>>) target(%arg8 : memref<128x128xf32, #tpu.memory_space<vmem>>) offsets(%dma_start3A_139 : memref<128xi32, #tpu.memory_space<vmem>>) semaphore(%arg11 : memref<!tpu.dma_semaphore, #tpu.memory_space<semaphore_mem>>)
      %dma_wait3A_143 = arith.constant 5 : i32
      %dma_wait3A_144 = arith.constant 0 : i32
      %dma_wait3A_145 = arith.constant 0 : i32
      %dma_wait3A_146 = tpu.memref_slice %arg7[%select_n3A_48, %dma_wait3A_143, %dma_wait3A_144, %dma_wait3A_145] : memref<2x8x2x128xi32, #tpu.memory_space<vmem>> -> memref<1x1x1x128xi32, #tpu.memory_space<vmem>>
      %dma_wait3A_147 = tpu.memref_squeeze %dma_wait3A_146 : memref<1x1x1x128xi32, #tpu.memory_space<vmem>> -> memref<128xi32, #tpu.memory_space<vmem>>
      %dma_wait3A_148 = arith.constant 0 : i32
      %dma_wait3A_149 = arith.constant 0 : i32
      %dma_wait3A_150 = tpu.memref_slice %arg2[%dma_wait3A_148, %dma_wait3A_149] : memref<10240x128xf32, #tpu.memory_space<hbm>> -> memref<10240x128xf32, #tpu.memory_space<hbm>>
      tpu.wait_indirect_dma semaphore(%arg12 : memref<!tpu.dma_semaphore, #tpu.memory_space<semaphore_mem>>) src(%dma_wait3A_150 : memref<10240x128xf32, #tpu.memory_space<hbm>>) dst(%arg9 : memref<128x128xf32, #tpu.memory_space<vmem>>)
      %run_scoped3A_151 = arith.constant 5 : i32
      %run_scoped3A_152 = arith.constant 1 : i32
      "tpu.region"() ({
        %run_scoped3A_195 = tpu.sem_alloc : memref<!tpu.dma_semaphore, #tpu.memory_space<semaphore_mem>>
        %dma_start3A_196 = arith.constant 0 : i32
        %dma_start3A_197 = tpu.memref_slice %arg7[%select_n3A_48, %run_scoped3A_151, %run_scoped3A_152, %dma_start3A_196] : memref<2x8x2x128xi32, #tpu.memory_space<vmem>> -> memref<1x1x1x128xi32, #tpu.memory_space<vmem>>
        %dma_start3A_198 = tpu.memref_squeeze %dma_start3A_197 : memref<1x1x1x128xi32, #tpu.memory_space<vmem>> -> memref<128xi32, #tpu.memory_space<vmem>>
        %dma_start3A_199 = arith.constant 0 : i32
        %dma_start3A_200 = arith.constant 0 : i32
        %dma_start3A_201 = tpu.memref_slice %arg10[%dma_start3A_199, %dma_start3A_200] : memref<10240x128xf32, #tpu.memory_space<vmem_shared>> -> memref<10240x128xf32, #tpu.memory_space<vmem_shared>>
        tpu.enqueue_indirect_dma source(%arg9 : memref<128x128xf32, #tpu.memory_space<vmem>>) target(%dma_start3A_201 : memref<10240x128xf32, #tpu.memory_space<vmem_shared>>) offsets(%dma_start3A_198 : memref<128xi32, #tpu.memory_space<vmem>>) semaphore(%run_scoped3A_195 : memref<!tpu.dma_semaphore, #tpu.memory_space<semaphore_mem>>) {add = true}
        %dma_wait3A_202 = arith.constant 0 : i32
        %dma_wait3A_203 = tpu.memref_slice %arg7[%select_n3A_48, %run_scoped3A_151, %run_scoped3A_152, %dma_wait3A_202] : memref<2x8x2x128xi32, #tpu.memory_space<vmem>> -> memref<1x1x1x128xi32, #tpu.memory_space<vmem>>
        %dma_wait3A_204 = tpu.memref_squeeze %dma_wait3A_203 : memref<1x1x1x128xi32, #tpu.memory_space<vmem>> -> memref<128xi32, #tpu.memory_space<vmem>>
        %dma_wait3A_205 = arith.constant 0 : i32
        %dma_wait3A_206 = arith.constant 0 : i32
        %dma_wait3A_207 = tpu.memref_slice %arg10[%dma_wait3A_205, %dma_wait3A_206] : memref<10240x128xf32, #tpu.memory_space<vmem_shared>> -> memref<10240x128xf32, #tpu.memory_space<vmem_shared>>
        tpu.wait_indirect_dma semaphore(%run_scoped3A_195 : memref<!tpu.dma_semaphore, #tpu.memory_space<semaphore_mem>>) src(%arg9 : memref<128x128xf32, #tpu.memory_space<vmem>>) dst(%dma_wait3A_207 : memref<10240x128xf32, #tpu.memory_space<vmem_shared>>)
        tpu.yield
      }) : () -> ()
      %dma_start3A_153 = arith.constant 7 : i32
      %dma_start3A_154 = arith.constant 0 : i32
      %dma_start3A_155 = arith.constant 0 : i32
      %dma_start3A_156 = tpu.memref_slice %arg7[%select_n3A_48, %dma_start3A_153, %dma_start3A_154, %dma_start3A_155] : memref<2x8x2x128xi32, #tpu.memory_space<vmem>> -> memref<1x1x1x128xi32, #tpu.memory_space<vmem>>
      %dma_start3A_157 = tpu.memref_squeeze %dma_start3A_156 : memref<1x1x1x128xi32, #tpu.memory_space<vmem>> -> memref<128xi32, #tpu.memory_space<vmem>>
      %dma_start3A_158 = arith.constant 0 : i32
      %dma_start3A_159 = arith.constant 0 : i32
      %dma_start3A_160 = tpu.memref_slice %arg2[%dma_start3A_158, %dma_start3A_159] : memref<10240x128xf32, #tpu.memory_space<hbm>> -> memref<10240x128xf32, #tpu.memory_space<hbm>>
      tpu.enqueue_indirect_dma source(%dma_start3A_160 : memref<10240x128xf32, #tpu.memory_space<hbm>>) target(%arg9 : memref<128x128xf32, #tpu.memory_space<vmem>>) offsets(%dma_start3A_157 : memref<128xi32, #tpu.memory_space<vmem>>) semaphore(%arg12 : memref<!tpu.dma_semaphore, #tpu.memory_space<semaphore_mem>>)
      %dma_wait3A_161 = arith.constant 6 : i32
      %dma_wait3A_162 = arith.constant 0 : i32
      %dma_wait3A_163 = arith.constant 0 : i32
      %dma_wait3A_164 = tpu.memref_slice %arg7[%select_n3A_48, %dma_wait3A_161, %dma_wait3A_162, %dma_wait3A_163] : memref<2x8x2x128xi32, #tpu.memory_space<vmem>> -> memref<1x1x1x128xi32, #tpu.memory_space<vmem>>
      %dma_wait3A_165 = tpu.memref_squeeze %dma_wait3A_164 : memref<1x1x1x128xi32, #tpu.memory_space<vmem>> -> memref<128xi32, #tpu.memory_space<vmem>>
      %dma_wait3A_166 = arith.constant 0 : i32
      %dma_wait3A_167 = arith.constant 0 : i32
      %dma_wait3A_168 = tpu.memref_slice %arg2[%dma_wait3A_166, %dma_wait3A_167] : memref<10240x128xf32, #tpu.memory_space<hbm>> -> memref<10240x128xf32, #tpu.memory_space<hbm>>
      tpu.wait_indirect_dma semaphore(%arg11 : memref<!tpu.dma_semaphore, #tpu.memory_space<semaphore_mem>>) src(%dma_wait3A_168 : memref<10240x128xf32, #tpu.memory_space<hbm>>) dst(%arg8 : memref<128x128xf32, #tpu.memory_space<vmem>>)
      %run_scoped3A_169 = arith.constant 6 : i32
      %run_scoped3A_170 = arith.constant 1 : i32
      "tpu.region"() ({
        %run_scoped3A_195 = tpu.sem_alloc : memref<!tpu.dma_semaphore, #tpu.memory_space<semaphore_mem>>
        %dma_start3A_196 = arith.constant 0 : i32
        %dma_start3A_197 = tpu.memref_slice %arg7[%select_n3A_48, %run_scoped3A_169, %run_scoped3A_170, %dma_start3A_196] : memref<2x8x2x128xi32, #tpu.memory_space<vmem>> -> memref<1x1x1x128xi32, #tpu.memory_space<vmem>>
        %dma_start3A_198 = tpu.memref_squeeze %dma_start3A_197 : memref<1x1x1x128xi32, #tpu.memory_space<vmem>> -> memref<128xi32, #tpu.memory_space<vmem>>
        %dma_start3A_199 = arith.constant 0 : i32
        %dma_start3A_200 = arith.constant 0 : i32
        %dma_start3A_201 = tpu.memref_slice %arg10[%dma_start3A_199, %dma_start3A_200] : memref<10240x128xf32, #tpu.memory_space<vmem_shared>> -> memref<10240x128xf32, #tpu.memory_space<vmem_shared>>
        tpu.enqueue_indirect_dma source(%arg8 : memref<128x128xf32, #tpu.memory_space<vmem>>) target(%dma_start3A_201 : memref<10240x128xf32, #tpu.memory_space<vmem_shared>>) offsets(%dma_start3A_198 : memref<128xi32, #tpu.memory_space<vmem>>) semaphore(%run_scoped3A_195 : memref<!tpu.dma_semaphore, #tpu.memory_space<semaphore_mem>>) {add = true}
        %dma_wait3A_202 = arith.constant 0 : i32
        %dma_wait3A_203 = tpu.memref_slice %arg7[%select_n3A_48, %run_scoped3A_169, %run_scoped3A_170, %dma_wait3A_202] : memref<2x8x2x128xi32, #tpu.memory_space<vmem>> -> memref<1x1x1x128xi32, #tpu.memory_space<vmem>>
        %dma_wait3A_204 = tpu.memref_squeeze %dma_wait3A_203 : memref<1x1x1x128xi32, #tpu.memory_space<vmem>> -> memref<128xi32, #tpu.memory_space<vmem>>
        %dma_wait3A_205 = arith.constant 0 : i32
        %dma_wait3A_206 = arith.constant 0 : i32
        %dma_wait3A_207 = tpu.memref_slice %arg10[%dma_wait3A_205, %dma_wait3A_206] : memref<10240x128xf32, #tpu.memory_space<vmem_shared>> -> memref<10240x128xf32, #tpu.memory_space<vmem_shared>>
        tpu.wait_indirect_dma semaphore(%run_scoped3A_195 : memref<!tpu.dma_semaphore, #tpu.memory_space<semaphore_mem>>) src(%arg8 : memref<128x128xf32, #tpu.memory_space<vmem>>) dst(%dma_wait3A_207 : memref<10240x128xf32, #tpu.memory_space<vmem_shared>>)
        tpu.yield
      }) : () -> ()
      %add3A_171 = arith.constant 1 : i32
      %add3A_172 = arith.addi %scan3A_39, %add3A_171 : i32
      %lt3A_173 = arith.constant 10 : i32
      %lt3A_174 = arith.cmpi slt, %add3A_172, %lt3A_173 : i32
      %convert_element_type3A_175 = arith.extui %lt3A_174 : i1 to i32
      %cond3A_176 = arith.constant 0 : i32
      %cond3A_177 = arith.cmpi ne, %convert_element_type3A_175, %cond3A_176 : i32
      scf.if %cond3A_177 {
        %sub3A = arith.constant 1 : i32
        %sub3A_195 = arith.subi %sub3A, %select_n3A_48 : i32
        %dma_start3A_196 = arith.constant 0 : i32
        %dma_start3A_197 = arith.constant 0 : i32
        %dma_start3A_198 = arith.constant 0 : i32
        %dma_start3A_199 = tpu.memref_slice %arg7[%sub3A_195, %dma_start3A_196, %dma_start3A_197, %dma_start3A_198] : memref<2x8x2x128xi32, #tpu.memory_space<vmem>> -> memref<1x1x1x128xi32, #tpu.memory_space<vmem>>
        %dma_start3A_200 = tpu.memref_squeeze %dma_start3A_199 : memref<1x1x1x128xi32, #tpu.memory_space<vmem>> -> memref<128xi32, #tpu.memory_space<vmem>>
        %dma_start3A_201 = arith.constant 0 : i32
        %dma_start3A_202 = arith.constant 0 : i32
        %dma_start3A_203 = tpu.memref_slice %arg2[%dma_start3A_201, %dma_start3A_202] : memref<10240x128xf32, #tpu.memory_space<hbm>> -> memref<10240x128xf32, #tpu.memory_space<hbm>>
        tpu.enqueue_indirect_dma source(%dma_start3A_203 : memref<10240x128xf32, #tpu.memory_space<hbm>>) target(%arg8 : memref<128x128xf32, #tpu.memory_space<vmem>>) offsets(%dma_start3A_200 : memref<128xi32, #tpu.memory_space<vmem>>) semaphore(%arg11 : memref<!tpu.dma_semaphore, #tpu.memory_space<semaphore_mem>>)
      } else {
      }
      %dma_wait3A_178 = arith.constant 7 : i32
      %dma_wait3A_179 = arith.constant 0 : i32
      %dma_wait3A_180 = arith.constant 0 : i32
      %dma_wait3A_181 = tpu.memref_slice %arg7[%select_n3A_48, %dma_wait3A_178, %dma_wait3A_179, %dma_wait3A_180] : memref<2x8x2x128xi32, #tpu.memory_space<vmem>> -> memref<1x1x1x128xi32, #tpu.memory_space<vmem>>
      %dma_wait3A_182 = tpu.memref_squeeze %dma_wait3A_181 : memref<1x1x1x128xi32, #tpu.memory_space<vmem>> -> memref<128xi32, #tpu.memory_space<vmem>>
      %dma_wait3A_183 = arith.constant 0 : i32
      %dma_wait3A_184 = arith.constant 0 : i32
      %dma_wait3A_185 = tpu.memref_slice %arg2[%dma_wait3A_183, %dma_wait3A_184] : memref<10240x128xf32, #tpu.memory_space<hbm>> -> memref<10240x128xf32, #tpu.memory_space<hbm>>
      tpu.wait_indirect_dma semaphore(%arg12 : memref<!tpu.dma_semaphore, #tpu.memory_space<semaphore_mem>>) src(%dma_wait3A_185 : memref<10240x128xf32, #tpu.memory_space<hbm>>) dst(%arg9 : memref<128x128xf32, #tpu.memory_space<vmem>>)
      %run_scoped3A_186 = arith.constant 7 : i32
      %run_scoped3A_187 = arith.constant 1 : i32
      "tpu.region"() ({
        %run_scoped3A_195 = tpu.sem_alloc : memref<!tpu.dma_semaphore, #tpu.memory_space<semaphore_mem>>
        %dma_start3A_196 = arith.constant 0 : i32
        %dma_start3A_197 = tpu.memref_slice %arg7[%select_n3A_48, %run_scoped3A_186, %run_scoped3A_187, %dma_start3A_196] : memref<2x8x2x128xi32, #tpu.memory_space<vmem>> -> memref<1x1x1x128xi32, #tpu.memory_space<vmem>>
        %dma_start3A_198 = tpu.memref_squeeze %dma_start3A_197 : memref<1x1x1x128xi32, #tpu.memory_space<vmem>> -> memref<128xi32, #tpu.memory_space<vmem>>
        %dma_start3A_199 = arith.constant 0 : i32
        %dma_start3A_200 = arith.constant 0 : i32
        %dma_start3A_201 = tpu.memref_slice %arg10[%dma_start3A_199, %dma_start3A_200] : memref<10240x128xf32, #tpu.memory_space<vmem_shared>> -> memref<10240x128xf32, #tpu.memory_space<vmem_shared>>
        tpu.enqueue_indirect_dma source(%arg9 : memref<128x128xf32, #tpu.memory_space<vmem>>) target(%dma_start3A_201 : memref<10240x128xf32, #tpu.memory_space<vmem_shared>>) offsets(%dma_start3A_198 : memref<128xi32, #tpu.memory_space<vmem>>) semaphore(%run_scoped3A_195 : memref<!tpu.dma_semaphore, #tpu.memory_space<semaphore_mem>>) {add = true}
        %dma_wait3A_202 = arith.constant 0 : i32
        %dma_wait3A_203 = tpu.memref_slice %arg7[%select_n3A_48, %run_scoped3A_186, %run_scoped3A_187, %dma_wait3A_202] : memref<2x8x2x128xi32, #tpu.memory_space<vmem>> -> memref<1x1x1x128xi32, #tpu.memory_space<vmem>>
        %dma_wait3A_204 = tpu.memref_squeeze %dma_wait3A_203 : memref<1x1x1x128xi32, #tpu.memory_space<vmem>> -> memref<128xi32, #tpu.memory_space<vmem>>
        %dma_wait3A_205 = arith.constant 0 : i32
        %dma_wait3A_206 = arith.constant 0 : i32
        %dma_wait3A_207 = tpu.memref_slice %arg10[%dma_wait3A_205, %dma_wait3A_206] : memref<10240x128xf32, #tpu.memory_space<vmem_shared>> -> memref<10240x128xf32, #tpu.memory_space<vmem_shared>>
        tpu.wait_indirect_dma semaphore(%run_scoped3A_195 : memref<!tpu.dma_semaphore, #tpu.memory_space<semaphore_mem>>) src(%arg9 : memref<128x128xf32, #tpu.memory_space<vmem>>) dst(%dma_wait3A_207 : memref<10240x128xf32, #tpu.memory_space<vmem_shared>>)
        tpu.yield
      }) : () -> ()
      %add3A_188 = arith.constant 1 : i32
      %add3A_189 = arith.addi %scan3A_39, %add3A_188 : i32
      %lt3A_190 = arith.constant 10 : i32
      %lt3A_191 = arith.cmpi slt, %add3A_189, %lt3A_190 : i32
      %convert_element_type3A_192 = arith.extui %lt3A_191 : i1 to i32
      %cond3A_193 = arith.constant 0 : i32
      %cond3A_194 = arith.cmpi ne, %convert_element_type3A_192, %cond3A_193 : i32
      scf.if %cond3A_194 {
        %sub3A = arith.constant 1 : i32
        %sub3A_195 = arith.subi %sub3A, %select_n3A_48 : i32
        %dma_start3A_196 = arith.constant 1 : i32
        %dma_start3A_197 = arith.constant 0 : i32
        %dma_start3A_198 = arith.constant 0 : i32
        %dma_start3A_199 = tpu.memref_slice %arg7[%sub3A_195, %dma_start3A_196, %dma_start3A_197, %dma_start3A_198] : memref<2x8x2x128xi32, #tpu.memory_space<vmem>> -> memref<1x1x1x128xi32, #tpu.memory_space<vmem>>
        %dma_start3A_200 = tpu.memref_squeeze %dma_start3A_199 : memref<1x1x1x128xi32, #tpu.memory_space<vmem>> -> memref<128xi32, #tpu.memory_space<vmem>>
        %dma_start3A_201 = arith.constant 0 : i32
        %dma_start3A_202 = arith.constant 0 : i32
        %dma_start3A_203 = tpu.memref_slice %arg2[%dma_start3A_201, %dma_start3A_202] : memref<10240x128xf32, #tpu.memory_space<hbm>> -> memref<10240x128xf32, #tpu.memory_space<hbm>>
        tpu.enqueue_indirect_dma source(%dma_start3A_203 : memref<10240x128xf32, #tpu.memory_space<hbm>>) target(%arg9 : memref<128x128xf32, #tpu.memory_space<vmem>>) offsets(%dma_start3A_200 : memref<128xi32, #tpu.memory_space<vmem>>) semaphore(%arg12 : memref<!tpu.dma_semaphore, #tpu.memory_space<semaphore_mem>>)
      } else {
      }
    }
    %scan3A_37 = arith.constant 10 : i32
    %barrier3A_38 = arith.constant 0 : index
    tpu.barrier barrier_id(%barrier3A_38)
    "tpu.region"() ({
      %run_scoped3A_39 = tpu.sem_alloc : memref<!tpu.dma_semaphore, #tpu.memory_space<semaphore_mem>>
      %dma_start3A_40 = arith.constant 0 : i32
      %dma_start3A_41 = arith.constant 0 : i32
      %dma_start3A_42 = tpu.memref_slice %arg6[%arg0, %dma_start3A_40, %dma_start3A_41] : memref<2x10240x128xf32, #tpu.memory_space<hbm>> -> memref<1x10240x128xf32, #tpu.memory_space<hbm>>
      %dma_start3A_43 = tpu.memref_squeeze %dma_start3A_42 : memref<1x10240x128xf32, #tpu.memory_space<hbm>> -> memref<10240x128xf32, #tpu.memory_space<hbm>>
      %dma_start3A_44 = arith.constant 0 : i32
      %dma_start3A_45 = tpu.memref_slice %dma_start3A_43[%mul3A_2, %dma_start3A_44] : memref<10240x128xf32, #tpu.memory_space<hbm>> -> memref<640x128xf32, #tpu.memory_space<hbm>>
      %dma_start3A_46 = arith.constant 0 : i32
      %dma_start3A_47 = tpu.memref_slice %arg10[%mul3A_2, %dma_start3A_46] : memref<10240x128xf32, #tpu.memory_space<vmem_shared>> -> memref<640x128xf32, #tpu.memory_space<vmem_shared>>
      tpu.enqueue_dma source(%dma_start3A_47 : memref<640x128xf32, #tpu.memory_space<vmem_shared>>) target(%dma_start3A_45 : memref<640x128xf32, #tpu.memory_space<hbm>>) target_semaphore(%run_scoped3A_39 : memref<!tpu.dma_semaphore, #tpu.memory_space<semaphore_mem>>)
      %dma_wait3A = arith.constant 0 : i32
      %dma_wait3A_48 = arith.constant 0 : i32
      %dma_wait3A_49 = tpu.memref_slice %arg6[%arg0, %dma_wait3A, %dma_wait3A_48] : memref<2x10240x128xf32, #tpu.memory_space<hbm>> -> memref<1x10240x128xf32, #tpu.memory_space<hbm>>
      %dma_wait3A_50 = tpu.memref_squeeze %dma_wait3A_49 : memref<1x10240x128xf32, #tpu.memory_space<hbm>> -> memref<10240x128xf32, #tpu.memory_space<hbm>>
      %dma_wait3A_51 = arith.constant 0 : i32
      %dma_wait3A_52 = tpu.memref_slice %dma_wait3A_50[%mul3A_2, %dma_wait3A_51] : memref<10240x128xf32, #tpu.memory_space<hbm>> -> memref<640x128xf32, #tpu.memory_space<hbm>>
      %dma_wait3A_53 = arith.constant 0 : i32
      %dma_wait3A_54 = tpu.memref_slice %arg10[%mul3A_2, %dma_wait3A_53] : memref<10240x128xf32, #tpu.memory_space<vmem_shared>> -> memref<640x128xf32, #tpu.memory_space<vmem_shared>>
      tpu.wait_dma2 semaphore(%run_scoped3A_39 : memref<!tpu.dma_semaphore, #tpu.memory_space<semaphore_mem>>) src(%dma_wait3A_54 : memref<640x128xf32, #tpu.memory_space<vmem_shared>>) dst(%dma_wait3A_52 : memref<640x128xf32, #tpu.memory_space<hbm>>)
      tpu.yield
    }) : () -> ()
    return
  }
}

module attributes {stable_mosaic.version = 14 : i64} {
  func.func @_tc1_body(%arg0: i32, %arg1: memref<2x1024x128xf32, #tpu.memory_space<vmem>>, %arg2: memref<32x8x128xf32, #tpu.memory_space<vmem>>, %arg3: memref<1024x128xf32, #tpu.memory_space<vmem>>, %arg4: memref<256x128xf32, #tpu.memory_space<vmem>>, %arg5: memref<1x256xf32, #tpu.memory_space<vmem>>, %arg6: memref<256x128xf32, #tpu.memory_space<vmem>>, %arg7: memref<128x256xf32, #tpu.memory_space<vmem>>, %arg8: memref<128x256xf32, #tpu.memory_space<vmem>>, %arg9: memref<1024x128xf32, #tpu.memory_space<vmem>>, %arg10: memref<1024x128xf32, #tpu.memory_space<vmem>>, %arg11: memref<1024x128xf32, #tpu.memory_space<vmem>>) attributes {dimension_semantics = [#tpu.dimension_semantics<arbitrary>], iteration_bounds = array<i64: 10>, scalar_prefetch = 0 : i64, scratch_operands = 0 : i64, tpu.core_type = #tpu.core_type<tc>, window_params = [{transform_indices = @transform_0, window_bounds = array<i64: 2, 1024, 128>}, {transform_indices = @transform_1, window_bounds = array<i64: 32, 8, 128>}, {transform_indices = @transform_2, window_bounds = array<i64: 1024, 128>}, {pipeline_mode = #tpu.pipeline_mode<synchronous>, transform_indices = @transform_3, window_bounds = array<i64: 256, 128>}, {pipeline_mode = #tpu.pipeline_mode<synchronous>, transform_indices = @transform_4, window_bounds = array<i64: 1, 256>}, {pipeline_mode = #tpu.pipeline_mode<synchronous>, transform_indices = @transform_5, window_bounds = array<i64: 256, 128>}, {pipeline_mode = #tpu.pipeline_mode<synchronous>, transform_indices = @transform_6, window_bounds = array<i64: 128, 256>}, {pipeline_mode = #tpu.pipeline_mode<synchronous>, transform_indices = @transform_7, window_bounds = array<i64: 128, 256>}, {transform_indices = @transform_8, window_bounds = array<i64: 1024, 128>}, {transform_indices = @transform_9, window_bounds = array<i64: 1024, 128>}, {transform_indices = @transform_10, window_bounds = array<i64: 1024, 128>}]} {
    %get3A = arith.constant 0 : index
    %get3A_0 = arith.constant 0 : index
    %get3A_1 = arith.constant 0 : index
    %get3A_2 = vector.load %arg1[%get3A, %get3A_0, %get3A_1] : memref<2x1024x128xf32, #tpu.memory_space<vmem>>, vector<1x1024x128xf32>
    %get3A_3 = vector.shape_cast %get3A_2 : vector<1x1024x128xf32> to vector<1024x128xf32>
    %get3A_4 = arith.constant 1 : index
    %get3A_5 = arith.constant 0 : index
    %get3A_6 = arith.constant 0 : index
    %get3A_7 = vector.load %arg1[%get3A_4, %get3A_5, %get3A_6] : memref<2x1024x128xf32, #tpu.memory_space<vmem>>, vector<1x1024x128xf32>
    %get3A_8 = vector.shape_cast %get3A_7 : vector<1x1024x128xf32> to vector<1024x128xf32>
    %add3A = arith.addf %get3A_3, %get3A_8 : vector<1024x128xf32>
    %get3A_9 = arith.constant 0 : index
    %get3A_10 = arith.constant 0 : index
    %get3A_11 = arith.constant 0 : index
    %get3A_12 = vector.load %arg2[%get3A_9, %get3A_10, %get3A_11] : memref<32x8x128xf32, #tpu.memory_space<vmem>>, vector<32x8x128xf32>
    %reduce_sum3A = arith.constant dense<0.000000e+00> : vector<8x128xf32>
    %reduce_sum3A_13 = vector.multi_reduction <add>, %get3A_12, %reduce_sum3A [0] : vector<32x8x128xf32> to vector<8x128xf32>
    %iota3A = tpu.iota {dimensions = array<i32: 0>} : vector<1024x8xi32>
    %jit3A = arith.constant 128 : i32
    %div3A = vector.broadcast %jit3A : i32 to vector<1024x8xi32>
    %div3A_14 = arith.divsi %iota3A, %div3A : vector<1024x8xi32>
    %sign3A = arith.constant 0 : i32
    %sign3A_15 = vector.broadcast %sign3A : i32 to vector<1024x8xi32>
    %sign3A_16 = arith.cmpi sgt, %iota3A, %sign3A_15 : vector<1024x8xi32>
    %sign3A_17 = arith.extui %sign3A_16 : vector<1024x8xi1> to vector<1024x8xi32>
    %sign3A_18 = arith.constant 0 : i32
    %sign3A_19 = vector.broadcast %sign3A_18 : i32 to vector<1024x8xi32>
    %sign3A_20 = arith.cmpi slt, %iota3A, %sign3A_19 : vector<1024x8xi32>
    %sign3A_21 = arith.extui %sign3A_20 : vector<1024x8xi1> to vector<1024x8xi32>
    %sign3A_22 = arith.subi %sign3A_17, %sign3A_21 : vector<1024x8xi32>
    %sign3A_23 = arith.constant 0 : i32
    %sign3A_24 = arith.cmpi sgt, %jit3A, %sign3A_23 : i32
    %sign3A_25 = arith.extui %sign3A_24 : i1 to i32
    %sign3A_26 = arith.constant 0 : i32
    %sign3A_27 = arith.cmpi slt, %jit3A, %sign3A_26 : i32
    %sign3A_28 = arith.extui %sign3A_27 : i1 to i32
    %sign3A_29 = arith.subi %sign3A_25, %sign3A_28 : i32
    %ne3A = vector.broadcast %sign3A_29 : i32 to vector<1024x8xi32>
    %ne3A_30 = arith.cmpi ne, %sign3A_22, %ne3A : vector<1024x8xi32>
    %rem3A = vector.broadcast %jit3A : i32 to vector<1024x8xi32>
    %rem3A_31 = arith.remsi %iota3A, %rem3A : vector<1024x8xi32>
    %ne3A_32 = arith.constant 0 : i32
    %ne3A_33 = vector.broadcast %ne3A_32 : i32 to vector<1024x8xi32>
    %ne3A_34 = arith.cmpi ne, %rem3A_31, %ne3A_33 : vector<1024x8xi32>
    %and3A = arith.andi %ne3A_30, %ne3A_34 : vector<1024x8xi1>
    %sub3A = arith.constant 1 : i32
    %sub3A_35 = vector.broadcast %sub3A : i32 to vector<1024x8xi32>
    %sub3A_36 = arith.subi %div3A_14, %sub3A_35 : vector<1024x8xi32>
    %select_n3A = arith.select %and3A, %sub3A_36, %div3A_14 : vector<1024x8xi1>, vector<1024x8xi32>
    %iota3A_37 = tpu.iota {dimensions = array<i32: 1>} : vector<1024x8xi32>
    %eq3A = arith.cmpi eq, %select_n3A, %iota3A_37 : vector<1024x8xi32>
    %convert_element_type3A = arith.extui %eq3A : vector<1024x8xi1> to vector<1024x8xi32>
    %convert_element_type3A_38 = arith.sitofp %convert_element_type3A : vector<1024x8xi32> to vector<1024x8xf32>
    %iota3A_39 = tpu.iota {dimensions = array<i32: 0>} : vector<1024x128xi32>
    %jit3A_40 = arith.constant 128 : i32
    %eq3A_41 = arith.constant 0 : i32
    %eq3A_42 = arith.cmpi eq, %jit3A_40, %eq3A_41 : i32
    %jit3A_43 = arith.constant 1 : i32
    %select_n3A_44 = arith.select %eq3A_42, %jit3A_43, %jit3A_40 : i32
    %rem3A_45 = vector.broadcast %select_n3A_44 : i32 to vector<1024x128xi32>
    %rem3A_46 = arith.remsi %iota3A_39, %rem3A_45 : vector<1024x128xi32>
    %ne3A_47 = arith.constant 0 : i32
    %ne3A_48 = vector.broadcast %ne3A_47 : i32 to vector<1024x128xi32>
    %ne3A_49 = arith.cmpi ne, %rem3A_46, %ne3A_48 : vector<1024x128xi32>
    %lt3A = arith.constant 0 : i32
    %lt3A_50 = vector.broadcast %lt3A : i32 to vector<1024x128xi32>
    %lt3A_51 = arith.cmpi slt, %rem3A_46, %lt3A_50 : vector<1024x128xi32>
    %lt3A_52 = arith.constant 0 : i32
    %lt3A_53 = arith.cmpi slt, %select_n3A_44, %lt3A_52 : i32
    %ne3A_54 = vector.broadcast %lt3A_53 : i1 to vector<1024x128xi1>
    %ne3A_55 = vector.broadcast %ne3A_54 : vector<1024x128xi1> to vector<1024x128xi1>
    %ne3A_56 = arith.xori %lt3A_51, %ne3A_55 : vector<1024x128xi1>
    %and3A_57 = arith.andi %ne3A_56, %ne3A_49 : vector<1024x128xi1>
    %add3A_58 = vector.broadcast %select_n3A_44 : i32 to vector<1024x128xi32>
    %add3A_59 = arith.addi %rem3A_46, %add3A_58 : vector<1024x128xi32>
    %select_n3A_60 = arith.select %and3A_57, %add3A_59, %rem3A_46 : vector<1024x128xi1>, vector<1024x128xi32>
    %iota3A_61 = tpu.iota {dimensions = array<i32: 1>} : vector<1024x128xi32>
    %eq3A_62 = arith.cmpi eq, %select_n3A_60, %iota3A_61 : vector<1024x128xi32>
    %convert_element_type3A_63 = arith.extui %eq3A_62 : vector<1024x128xi1> to vector<1024x128xi32>
    %convert_element_type3A_64 = arith.sitofp %convert_element_type3A_63 : vector<1024x128xi32> to vector<1024x128xf32>
    %dot_general3A = arith.constant dense<0.000000e+00> : vector<1024x128xf32>
    %dot_general3A_65 = tpu.matmul %convert_element_type3A_38, %reduce_sum3A_13, %dot_general3A {dimension_numbers = #tpu.dot_dimension_numbers<[1], [0], [0], [1], [0, 0, 1, 1], [], []>, transpose_lhs_hint = false} : vector<1024x8xf32>, vector<8x128xf32>, vector<1024x128xf32> -> vector<1024x128xf32>
    %mul3A = arith.mulf %dot_general3A_65, %convert_element_type3A_64 : vector<1024x128xf32>
    %reduce_sum3A_66 = arith.constant dense<0.000000e+00> : vector<1024xf32>
    %reduce_sum3A_67 = vector.multi_reduction <add>, %mul3A, %reduce_sum3A_66 [1] : vector<1024x128xf32> to vector<1024xf32>
    %broadcast_in_dim3A = vector.shape_cast %reduce_sum3A_67 : vector<1024xf32> to vector<1024x1xf32>
    %max3A = arith.constant 1.000000e+00 : f32
    %max3A_68 = vector.broadcast %max3A : f32 to vector<1024x1xf32>
    %max3A_69 = arith.maximumf %broadcast_in_dim3A, %max3A_68 : vector<1024x1xf32>
    %div3A_70 = arith.constant 1.000000e+00 : f32
    %div3A_71 = vector.broadcast %div3A_70 : f32 to vector<1024x1xf32>
    %div3A_72 = arith.divf %div3A_71, %max3A_69 : vector<1024x1xf32>
    %get3A_73 = arith.constant 0 : index
    %get3A_74 = arith.constant 0 : index
    %get3A_75 = vector.load %arg4[%get3A_73, %get3A_74] : memref<256x128xf32, #tpu.memory_space<vmem>>, vector<256x128xf32>
    %dot_general3A_76 = arith.constant dense<0.000000e+00> : vector<1024x256xf32>
    %dot_general3A_77 = tpu.matmul %add3A, %get3A_75, %dot_general3A_76 {dimension_numbers = #tpu.dot_dimension_numbers<[1], [1], [0], [0], [0, 0, 1, 0], [], []>, transpose_lhs_hint = false} : vector<1024x128xf32>, vector<256x128xf32>, vector<1024x256xf32> -> vector<1024x256xf32>
    %mul3A_78 = vector.broadcast %div3A_72 : vector<1024x1xf32> to vector<1024x256xf32>
    %mul3A_79 = arith.mulf %dot_general3A_77, %mul3A_78 : vector<1024x256xf32>
    %get3A_80 = arith.constant 0 : index
    %get3A_81 = arith.constant 0 : index
    %get3A_82 = vector.load %arg5[%get3A_80, %get3A_81] : memref<1x256xf32, #tpu.memory_space<vmem>>, vector<1x256xf32>
    %add3A_83 = vector.broadcast %get3A_82 : vector<1x256xf32> to vector<1024x256xf32>
    %add3A_84 = arith.addf %mul3A_79, %add3A_83 : vector<1024x256xf32>
    %get3A_85 = arith.constant 0 : index
    %get3A_86 = arith.constant 0 : index
    %get3A_87 = vector.load %arg3[%get3A_85, %get3A_86] : memref<1024x128xf32, #tpu.memory_space<vmem>>, vector<1024x128xf32>
    %get3A_88 = arith.constant 0 : index
    %get3A_89 = arith.constant 0 : index
    %get3A_90 = vector.load %arg6[%get3A_88, %get3A_89] : memref<256x128xf32, #tpu.memory_space<vmem>>, vector<256x128xf32>
    %dot_general3A_91 = arith.constant dense<0.000000e+00> : vector<1024x256xf32>
    %dot_general3A_92 = tpu.matmul %get3A_87, %get3A_90, %dot_general3A_91 {dimension_numbers = #tpu.dot_dimension_numbers<[1], [1], [0], [0], [0, 0, 1, 0], [], []>, transpose_lhs_hint = false} : vector<1024x128xf32>, vector<256x128xf32>, vector<1024x256xf32> -> vector<1024x256xf32>
    %add3A_93 = arith.addf %add3A_84, %dot_general3A_92 : vector<1024x256xf32>
    %gt3A = arith.constant 0.000000e+00 : f32
    %gt3A_94 = vector.broadcast %gt3A : f32 to vector<1024x256xf32>
    %gt3A_95 = arith.cmpf ogt, %add3A_93, %gt3A_94 : vector<1024x256xf32>
    %mul3A_96 = arith.constant 0.00999999977 : f32
    %mul3A_97 = vector.broadcast %mul3A_96 : f32 to vector<1024x256xf32>
    %mul3A_98 = arith.mulf %mul3A_97, %add3A_93 : vector<1024x256xf32>
    %select_n3A_99 = arith.select %gt3A_95, %add3A_93, %mul3A_98 : vector<1024x256xi1>, vector<1024x256xf32>
    %get3A_100 = arith.constant 0 : index
    %get3A_101 = arith.constant 0 : index
    %get3A_102 = vector.load %arg7[%get3A_100, %get3A_101] : memref<128x256xf32, #tpu.memory_space<vmem>>, vector<128x256xf32>
    %dot_general3A_103 = arith.constant dense<0.000000e+00> : vector<1024x128xf32>
    %dot_general3A_104 = tpu.matmul %select_n3A_99, %get3A_102, %dot_general3A_103 {dimension_numbers = #tpu.dot_dimension_numbers<[1], [1], [0], [0], [0, 0, 1, 0], [], []>, transpose_lhs_hint = false} : vector<1024x256xf32>, vector<128x256xf32>, vector<1024x128xf32> -> vector<1024x128xf32>
    %swap3A = arith.constant 0 : index
    %swap3A_105 = arith.constant 0 : index
    %swap3A_106 = vector.load %arg9[%swap3A, %swap3A_105] : memref<1024x128xf32, #tpu.memory_space<vmem>>, vector<1024x128xf32>
    tpu.vector_store %arg9[%swap3A, %swap3A_105], %dot_general3A_104 {strides = array<i32>} : memref<1024x128xf32, #tpu.memory_space<vmem>>, vector<1024x128xf32>,
    %get3A_107 = arith.constant 0 : index
    %get3A_108 = arith.constant 0 : index
    %get3A_109 = vector.load %arg8[%get3A_107, %get3A_108] : memref<128x256xf32, #tpu.memory_space<vmem>>, vector<128x256xf32>
    %dot_general3A_110 = arith.constant dense<0.000000e+00> : vector<1024x128xf32>
    %dot_general3A_111 = tpu.matmul %select_n3A_99, %get3A_109, %dot_general3A_110 {dimension_numbers = #tpu.dot_dimension_numbers<[1], [1], [0], [0], [0, 0, 1, 0], [], []>, transpose_lhs_hint = false} : vector<1024x256xf32>, vector<128x256xf32>, vector<1024x128xf32> -> vector<1024x128xf32>
    %swap3A_112 = arith.constant 0 : index
    %swap3A_113 = arith.constant 0 : index
    %swap3A_114 = vector.load %arg10[%swap3A_112, %swap3A_113] : memref<1024x128xf32, #tpu.memory_space<vmem>>, vector<1024x128xf32>
    tpu.vector_store %arg10[%swap3A_112, %swap3A_113], %dot_general3A_111 {strides = array<i32>} : memref<1024x128xf32, #tpu.memory_space<vmem>>, vector<1024x128xf32>,
    %broadcast_in_dim3A_115 = vector.shape_cast %div3A_72 : vector<1024x1xf32> to vector<1024x1xf32>
    %broadcast_in_dim3A_116 = vector.broadcast %broadcast_in_dim3A_115 : vector<1024x1xf32> to vector<1024x128xf32>
    %swap3A_117 = arith.constant 0 : index
    %swap3A_118 = arith.constant 0 : index
    %swap3A_119 = vector.load %arg11[%swap3A_117, %swap3A_118] : memref<1024x128xf32, #tpu.memory_space<vmem>>, vector<1024x128xf32>
    tpu.vector_store %arg11[%swap3A_117, %swap3A_118], %broadcast_in_dim3A_116 {strides = array<i32>} : memref<1024x128xf32, #tpu.memory_space<vmem>>, vector<1024x128xf32>,
    return
  }
  func.func @transform_0(%arg0: i32) -> (i32, i32, i32) {
    %c0_i32 = arith.constant 0 : i32
    %c0_i32_0 = arith.constant 0 : i32
    %c0_i32_1 = arith.constant 0 : i32
    return %c0_i32, %arg0, %c0_i32_0 : i32, i32, i32
  }
  func.func @transform_1(%arg0: i32) -> (i32, i32, i32) {
    %c0_i32 = arith.constant 0 : i32
    %c0_i32_0 = arith.constant 0 : i32
    %c0_i32_1 = arith.constant 0 : i32
    return %c0_i32, %arg0, %c0_i32_0 : i32, i32, i32
  }
  func.func @transform_2(%arg0: i32) -> (i32, i32) {
    %c0_i32 = arith.constant 0 : i32
    %c0_i32_0 = arith.constant 0 : i32
    return %arg0, %c0_i32 : i32, i32
  }
  func.func @transform_3(%arg0: i32) -> (i32, i32) {
    %c0_i32 = arith.constant 0 : i32
    %c0_i32_0 = arith.constant 0 : i32
    %c0_i32_1 = arith.constant 0 : i32
    return %c0_i32, %c0_i32_0 : i32, i32
  }
  func.func @transform_4(%arg0: i32) -> (i32, i32) {
    %c0_i32 = arith.constant 0 : i32
    %c0_i32_0 = arith.constant 0 : i32
    %c0_i32_1 = arith.constant 0 : i32
    return %c0_i32, %c0_i32_0 : i32, i32
  }
  func.func @transform_5(%arg0: i32) -> (i32, i32) {
    %c0_i32 = arith.constant 0 : i32
    %c0_i32_0 = arith.constant 0 : i32
    %c0_i32_1 = arith.constant 0 : i32
    return %c0_i32, %c0_i32_0 : i32, i32
  }
  func.func @transform_6(%arg0: i32) -> (i32, i32) {
    %c0_i32 = arith.constant 0 : i32
    %c0_i32_0 = arith.constant 0 : i32
    %c0_i32_1 = arith.constant 0 : i32
    return %c0_i32, %c0_i32_0 : i32, i32
  }
  func.func @transform_7(%arg0: i32) -> (i32, i32) {
    %c0_i32 = arith.constant 0 : i32
    %c0_i32_0 = arith.constant 0 : i32
    %c0_i32_1 = arith.constant 0 : i32
    return %c0_i32, %c0_i32_0 : i32, i32
  }
  func.func @transform_8(%arg0: i32) -> (i32, i32) {
    %c0_i32 = arith.constant 0 : i32
    %c0_i32_0 = arith.constant 0 : i32
    return %arg0, %c0_i32 : i32, i32
  }
  func.func @transform_9(%arg0: i32) -> (i32, i32) {
    %c0_i32 = arith.constant 0 : i32
    %c0_i32_0 = arith.constant 0 : i32
    return %arg0, %c0_i32 : i32, i32
  }
  func.func @transform_10(%arg0: i32) -> (i32, i32) {
    %c0_i32 = arith.constant 0 : i32
    %c0_i32_0 = arith.constant 0 : i32
    return %arg0, %c0_i32 : i32, i32
  }
}

module attributes {stable_mosaic.version = 14 : i64} {
  func.func @_tc2_body(%arg0: i32, %arg1: memref<2x1024x128xf32, #tpu.memory_space<vmem>>, %arg2: memref<1024x128xf32, #tpu.memory_space<vmem>>, %arg3: memref<1024x128xf32, #tpu.memory_space<vmem>>, %arg4: memref<1x128xf32, #tpu.memory_space<vmem>>, %arg5: memref<1024x128xf32, #tpu.memory_space<vmem>>) attributes {dimension_semantics = [#tpu.dimension_semantics<arbitrary>], iteration_bounds = array<i64: 10>, scalar_prefetch = 0 : i64, scratch_operands = 0 : i64, tpu.core_type = #tpu.core_type<tc>, window_params = [{transform_indices = @transform_0, window_bounds = array<i64: 2, 1024, 128>}, {transform_indices = @transform_1, window_bounds = array<i64: 1024, 128>}, {transform_indices = @transform_2, window_bounds = array<i64: 1024, 128>}, {pipeline_mode = #tpu.pipeline_mode<synchronous>, transform_indices = @transform_3, window_bounds = array<i64: 1, 128>}, {transform_indices = @transform_4, window_bounds = array<i64: 1024, 128>}]} {
    %get3A = arith.constant 0 : index
    %get3A_0 = arith.constant 0 : index
    %get3A_1 = arith.constant 0 : index
    %get3A_2 = vector.load %arg1[%get3A, %get3A_0, %get3A_1] : memref<2x1024x128xf32, #tpu.memory_space<vmem>>, vector<1x1024x128xf32>
    %get3A_3 = vector.shape_cast %get3A_2 : vector<1x1024x128xf32> to vector<1024x128xf32>
    %get3A_4 = arith.constant 1 : index
    %get3A_5 = arith.constant 0 : index
    %get3A_6 = arith.constant 0 : index
    %get3A_7 = vector.load %arg1[%get3A_4, %get3A_5, %get3A_6] : memref<2x1024x128xf32, #tpu.memory_space<vmem>>, vector<1x1024x128xf32>
    %get3A_8 = vector.shape_cast %get3A_7 : vector<1x1024x128xf32> to vector<1024x128xf32>
    %add3A = arith.addf %get3A_3, %get3A_8 : vector<1024x128xf32>
    %get3A_9 = arith.constant 0 : index
    %get3A_10 = arith.constant 0 : index
    %get3A_11 = vector.load %arg2[%get3A_9, %get3A_10] : memref<1024x128xf32, #tpu.memory_space<vmem>>, vector<1024x128xf32>
    %mul3A = arith.mulf %add3A, %get3A_11 : vector<1024x128xf32>
    %get3A_12 = arith.constant 0 : index
    %get3A_13 = arith.constant 0 : index
    %get3A_14 = vector.load %arg4[%get3A_12, %get3A_13] : memref<1x128xf32, #tpu.memory_space<vmem>>, vector<1x128xf32>
    %add3A_15 = vector.broadcast %get3A_14 : vector<1x128xf32> to vector<1024x128xf32>
    %add3A_16 = arith.addf %mul3A, %add3A_15 : vector<1024x128xf32>
    %get3A_17 = arith.constant 0 : index
    %get3A_18 = arith.constant 0 : index
    %get3A_19 = vector.load %arg3[%get3A_17, %get3A_18] : memref<1024x128xf32, #tpu.memory_space<vmem>>, vector<1024x128xf32>
    %add3A_20 = arith.addf %add3A_16, %get3A_19 : vector<1024x128xf32>
    %swap3A = arith.constant 0 : index
    %swap3A_21 = arith.constant 0 : index
    %swap3A_22 = vector.load %arg5[%swap3A, %swap3A_21] : memref<1024x128xf32, #tpu.memory_space<vmem>>, vector<1024x128xf32>
    tpu.vector_store %arg5[%swap3A, %swap3A_21], %add3A_20 {strides = array<i32>} : memref<1024x128xf32, #tpu.memory_space<vmem>>, vector<1024x128xf32>,
    return
  }
  func.func @transform_0(%arg0: i32) -> (i32, i32, i32) {
    %c0_i32 = arith.constant 0 : i32
    %c0_i32_0 = arith.constant 0 : i32
    %c0_i32_1 = arith.constant 0 : i32
    return %c0_i32, %arg0, %c0_i32_0 : i32, i32, i32
  }
  func.func @transform_1(%arg0: i32) -> (i32, i32) {
    %c0_i32 = arith.constant 0 : i32
    %c0_i32_0 = arith.constant 0 : i32
    return %arg0, %c0_i32 : i32, i32
  }
  func.func @transform_2(%arg0: i32) -> (i32, i32) {
    %c0_i32 = arith.constant 0 : i32
    %c0_i32_0 = arith.constant 0 : i32
    return %arg0, %c0_i32 : i32, i32
  }
  func.func @transform_3(%arg0: i32) -> (i32, i32) {
    %c0_i32 = arith.constant 0 : i32
    %c0_i32_0 = arith.constant 0 : i32
    %c0_i32_1 = arith.constant 0 : i32
    return %c0_i32, %c0_i32_0 : i32, i32
  }
  func.func @transform_4(%arg0: i32) -> (i32, i32) {
    %c0_i32 = arith.constant 0 : i32
    %c0_i32_0 = arith.constant 0 : i32
    return %arg0, %c0_i32 : i32, i32
  }
}

</mosaic_0001>

<sc_bundles>
// kernel: kernel.6.cloned.1.call-start
scs
__scs_entry_jumppad:
0x0: {  	(pc) =	sbr.rel $0x88, $3  }
0x1: {  	(tag) =	ssettag $0x0;
	lr =	simm.s32 $0x1  }
0x2: {  	[smem:$0x3F99] =	sst lr;
	_ =	strace $0xD0000000  }
0x3: {  	_ = 	snop  }
0x4: {  	_ = 	snop  }
0x5: {  	_ = 	snop  }
0x6: {  	_ = 	snop  }
0x7: {  	_ = 	snop  }
__scs_overlays_trampoline_lowered:
0x8: {  	[smem:$0x3FA8] =	sst s0  }
0x9: {  	[smem:$0x3FA9] =	sst s1  }
0xa: {  	[smem:$0x3FAA] =	sst s2  }
0xb: {  	[smem:$0x3FAB] =	sst s3  }
0xc: {  	[smem:$0x3FAC] =	sst s4  }
0xd: {  	[smem:$0x3FAD] =	sst s5  }
0xe: {  	[smem:$0x3FAE] =	sst s6  }
0xf: {  	[smem:$0x3FAF] =	sst s7  }
0x10: {  	[smem:$0x3FB0] =	sst s8  }
0x11: {  	[smem:$0x3FB1] =	sst s9;
	s0 =	simm.s32 @!p0 $0x0  }
0x12: {  	s1 =	sld [smem:$0x3F97];
	s0 =	simm.s32 @p0 $0x1  }
0x13: {  	[smem:$0x3FB2] =	sst s0;
	s0 =	simm.s32 @!p1 $0x0  }
0x14: {  	s2 =	sld [smem:$0x3F96];
	s0 =	simm.s32 @p1 $0x1  }
0x15: {  	[smem:$0x3FB3] =	sst s0;
	s0 =	simm.s32 @!p2 $0x0  }
0x16: {  	s3 =	sld [smem:$0x3FDB];
	s0 =	simm.s32 @p2 $0x1  }
0x17: {  	s4 =	simm.s32 $0x1BF5;
	[smem:$0x3FB5] =	sst s0  }
0x18: {  	s0 =	sld [smem:$0x3F98];
	_ =	swait.ge [sflag:s4], $0x0  }
0x19: {  	s7 =	sld [smem:$0x3F99]  }
0x1a: {  	s8 =	sadd.s32 $0xFFFFE003, lr  }
0x1b: {  	s9 =	sadd.s32 $0xFFFFFEF7, lr;
	s5 =	simm.s32 $0xFFFFFFFF;
	p2 =	slt.u32 s8, $0xFFFFF086  }
0x1c: {  	p1 =	slt.u32 s9, $0xF7A;
	s5 =	simm.s32 @!p2 $0x0  }
0x1d: {  	s5 =	simm.s32 @p1 $0x1;
	p0 =	seq.s32 s7, s2  }
0x1e: {  	s7 =	smul.u32 @!p0 $0xF7A, s2;
	p2 =	seq.s32 @!p0 s5, $0x0  }
0x1f: {  	s9 =	smul.u32 $0xF7A, s1;
	s8 =	simm.s32 @!p0 $0x1BF5;
	p2 =	por !p2, p0  }
0x20: {  	[sflag:s8] =	ssyncset.s32 @!p0 $0xFFFFF086;
	s6 =	sadd.s32 @!p0 s3, s7;
	s7 =	simm.s32 @!p0 $0x108  }
0x21: {  	s3 =	sadd.s32 s3, s9;
	s6 =	sadd.s32 @!p0 $0x88, s6;
	s7 =	simm.s32 @p2 $0x1082  }
0x22: {  	[simem:s7], [sflag:s8] =	dma.local @!p0 [hbm:s6], $0xF7A  }
0x23: {  	s9 =	sor.u32 $0xD0000000, s2;
	s6 =	simm.s32 $0x108;
	_ =	swait.ge @!p0 [sflag:s8], $0x0  }
0x24: {  	s3 =	sadd.s32 $0x88, s3;
	s6 =	simm.s32 @!p1 $0x1082;
	[sflag:s4] =	ssyncset.s32 $0xFFFFF086  }
0x25: {  	[simem:s6], [sflag:s4] =	dma.local [hbm:s3], $0xF7A  }
0x26: {  	[smem:$0x3F99] =	sst s1;
	(tag) =	ssettag s2;
	_ =	strace s9  }
0x27: {  	s1 =	sld [smem:$0x3FA9]  }
0x28: {  	s2 =	sld [smem:$0x3FAA]  }
0x29: {  	s4 =	sld [smem:$0x3FAC]  }
0x2a: {  	p0 =	seq.s32 s5, $0x0;
	s5 =	sld [smem:$0x3FAD]  }
0x2b: {  	s6 =	sld [smem:$0x3FAE]  }
0x2c: {  	s7 =	sld [smem:$0x3FAF]  }
0x2d: {  	s3 =	simm.s32 $0x108;
	s8 =	sld [smem:$0x3FB0]  }
0x2e: {  	s3 =	simm.s32 @!p0 $0x1082;
	s9 =	sld [smem:$0x3FB1]  }
0x2f: {  	lr =	sadd.s32 s0, s3;
	s0 =	sld [smem:$0x3FA8]  }
0x30: {  	s3 =	sld [smem:$0x3FAB]  }
0x31: {  	[smem:$0x3FB4] =	sst s10  }
0x32: {  	s10 =	sld [smem:$0x3FB2];
	_ =	sdelay $0x3  }
0x33: {  	p0 =	seq.s32 s10, $0x1;
	s10 =	sld [smem:$0x3FB4];
	_ =	sdelay $0x3  }
0x34: {  	[smem:$0x3FB4] =	sst s10  }
0x35: {  	s10 =	sld [smem:$0x3FB3];
	_ =	sdelay $0x3  }
0x36: {  	p1 =	seq.s32 s10, $0x1;
	s10 =	sld [smem:$0x3FB4];
	_ =	sdelay $0x3  }
0x37: {  	[smem:$0x3FB4] =	sst s10  }
0x38: {  	s10 =	sld [smem:$0x3FB5]  }
0x39: {  	_ = 	snop;
	(pc) =	sbr.ind lr, $3  }
0x3a: {  	_ = 	snop  }
0x3b: {  	_ = 	snop  }
0x3c: {  	p2 =	seq.s32 s10, $0x1;
	s10 =	sld [smem:$0x3FB4]  }
0x3d: {  	_ =	shalt  }
0x3e: {  	_ =	shalt  }
0x3f: {  	_ =	shalt  }
0x40: {  	_ =	shalt  }
0x41: {  	_ =	shalt  }
0x42: {  	_ =	shalt  }
0x43: {  	_ =	shalt  }
0x44: {  	_ =	shalt  }
0x45: {  	_ =	shalt  }
0x46: {  	_ =	shalt  }
0x47: {  	_ =	shalt  }
0x48: {  	_ =	shalt  }
0x49: {  	_ =	shalt  }
0x4a: {  	_ =	shalt  }
0x4b: {  	_ =	shalt  }
0x4c: {  	_ =	shalt  }
0x4d: {  	_ =	shalt  }
0x4e: {  	_ =	shalt  }
0x4f: {  	_ =	shalt  }
0x50: {  	_ =	shalt  }
0x51: {  	_ =	shalt  }
0x52: {  	_ =	shalt  }
0x53: {  	_ =	shalt  }
0x54: {  	_ =	shalt  }
0x55: {  	_ =	shalt  }
0x56: {  	_ =	shalt  }
0x57: {  	_ =	shalt  }
0x58: {  	_ =	shalt  }
0x59: {  	_ =	shalt  }
0x5a: {  	_ =	shalt  }
0x5b: {  	_ =	shalt  }
0x5c: {  	_ =	shalt  }
0x5d: {  	_ =	shalt  }
0x5e: {  	_ =	shalt  }
0x5f: {  	_ =	shalt  }
0x60: {  	_ =	shalt  }
0x61: {  	_ =	shalt  }
0x62: {  	_ =	shalt  }
0x63: {  	_ =	shalt  }
0x64: {  	_ =	shalt  }
0x65: {  	_ =	shalt  }
0x66: {  	_ =	shalt  }
0x67: {  	_ =	shalt  }
0x68: {  	_ =	shalt  }
0x69: {  	_ =	shalt  }
0x6a: {  	_ =	shalt  }
0x6b: {  	_ =	shalt  }
0x6c: {  	_ =	shalt  }
0x6d: {  	_ =	shalt  }
0x6e: {  	_ =	shalt  }
0x6f: {  	_ =	shalt  }
0x70: {  	_ =	shalt  }
0x71: {  	_ =	shalt  }
0x72: {  	_ =	shalt  }
0x73: {  	_ =	shalt  }
0x74: {  	_ =	shalt  }
0x75: {  	_ =	shalt  }
0x76: {  	_ =	shalt  }
0x77: {  	_ =	shalt  }
0x78: {  	_ =	shalt  }
0x79: {  	_ =	shalt  }
0x7a: {  	_ =	shalt  }
0x7b: {  	_ =	shalt  }
0x7c: {  	_ =	shalt  }
0x7d: {  	_ =	shalt  }
0x7e: {  	_ =	shalt  }
0x7f: {  	_ =	shalt  }
0x80: {  	_ =	shalt  }
0x81: {  	_ =	shalt  }
0x82: {  	_ =	shalt  }
0x83: {  	_ =	shalt  }
0x84: {  	_ =	shalt  }
0x85: {  	_ =	shalt  }
0x86: {  	_ =	shalt  }
0x87: {  	_ =	shalt  }
.Lfunc_end0:
.L_simem_size_0:
called_computation_lowered:
.L_overlay_start_0:
0x88: {  	s2 =	sld [smem:$0x3FD9]  }
0x89: {  	s3 =	sld [smem:$0x3FFE];
	_ =	sdelay $0x1  }
0x8a: {  	s1 =	srdreg.scid  }
0x8b: {  	s0 =	sand.u32 $0x1, s1  }
0x8c: {  	s17 =	sshll.u32 s0, $0xA;
	s2 =	sadd.s32 s3, s2  }
0x8d: {  	s2 =	sadd.s32 s2, s17  }
0x8e: {  	[smem:$0x3FC0] =	sst s2  }
0x8f: {  	_ = 	snop  }
0x90: {  	s2 =	sld [smem:$0x3FD0];
	(tm) =	ssettm $0x1  }
0x91: {  	s18 =	sld [smem:$0x3FFB];
	_ =	sdelay $0x3  }
0x92: {  	_ =	strace s18  }
0x93: {  	s3 =	sld [smem:$0x3FFC];
	_ =	sdelay $0x3  }
0x94: {  	_ =	strace s3  }
0x95: {  	s3 =	sld [smem:$0x3FFD];
	_ =	sdelay $0x3  }
0x96: {  	_ =	strace s3  }
0x97: {  	_ =	strace $0x8FFFFFFF  }
0x98: {  	s19 =	sld [smem:$0x3FDB];
	_ =	sdelay $0x1  }
0x99: {  	s4 =	simm.s32 $_scs_section_size  }
0x9a: {  	s5 =	simm.s32 $_size__tile_overlayer_lowered;
	s6 =	simm.s32 $_tile_overlayer_lowered  }
0x9b: {  	s22 =	simm.s32 $0x1BFF;
	s21 =	sshll.u32 s6, $0x1;
	s3 =	sadd.s32 s4, s19  }
0x9c: {  	s7 =	simm.s32 $0x0;
	s20 =	sshll.u32 s5, $0x1;
	s5 =	sadd.s32 s21, s3  }
0x9d: {  	[timem:s7], [sflag:s22] =	dma.local [hbm:s5], s20  }
0x9e: {  	_ =	swait.ge [sflag:s22], s20  }
0x9f: {  	s4 =	ssub.s32 $0x0, s20;
	[sflag:s22] =	ssyncset.done $0x0  }
0xa0: {  	[sflag:s22] =	ssyncadd.s32 s4;
	_ =	sdelay $0x1  }
0xa1: {  	s23 =	simm.s32 $0x1B8B  }
0xa2: {  	_ =	swait.ge [sflag:s23], $0x1  }
0xa3: {  	[sflag:s23] =	ssyncset.done $0x0  }
0xa4: {  	s25 =	simm.s32 $0x1B8E;
	s24 =	sld [smem:$0x3FFE];
	[sflag:s23] =	ssyncadd.s32 $0xFFFFFFFF  }
0xa5: {  	s26 =	simm.s32 $execute0_lowered;
	[smem:$0x3FD2] =	sst s25  }
0xa6: {  	s5 =	sshll.u32 s26, $0x1;
	_ =	strace $0x80000046;
	[dreg:$0x1] =	wrdreg $0xFFFFFFFF  }
0xa7: {  	s28 =	simm.s32 $_size_execute0_lowered;
	s3 =	sadd.s32 s3, s5;
	[dreg:$0x0] =	wrdreg $0x0  }
0xa8: {  	s5 =	sshll.u32 s28, $0x1;
	[dreg:$0x2] =	wrdreg s3  }
0xa9: {  	[dreg:$0x3] =	wrdreg s5  }
0xaa: {  	[dreg:$0x4] =	wrdreg $0xC0  }
0xab: {  	_ =	task [dreg:s7], $0x5FFFF  }
0xac: {  	[dreg:$0x1] =	wrdreg $0xFFFFFFFF  }
0xad: {  	[dreg:$0x0] =	wrdreg $0x60  }
0xae: {  	[dreg:$0x2] =	wrdreg s24  }
0xaf: {  	[dreg:$0x3] =	wrdreg s2  }
0xb0: {  	[dreg:$0x4] =	wrdreg $0x90000  }
0xb1: {  	[dreg:$0x5] =	wrdreg $0x9  }
0xb2: {  	_ =	task.clear_ibuf [dreg:s7], $0x6FFFF;
	_ =	strace $0x90000046  }
0xb3: {  	s29 =	simm.s32 $0x9;
	_ =	strace $0x80000048  }
0xb4: {  	_ =	swait.ge [sflag:s29], $0x1  }
0xb5: {  	[sflag:s29] =	ssyncadd.s32 $0xFFFFFFFF  }
0xb6: {  	_ =	strace $0x90000048  }
0xb7: {  	_ =	sfence  }
0xb8: {  	s30 =	sld [smem:$0x0];
	_ =	sdelay $0x2  }
0xb9: {  	s31 =	sshll.u32 s1, $0xD;
	s1 =	sshrl.u32 s1, $0x2  }
0xba: {  	s3 =	sand.u32 $0x4000, s31;
	s1 =	sadd.s32 s1, s30  }
0xbb: {  	s0 =	sor.u32 s3, s0;
	s1 =	sshll.u32 s1, $0x11  }
0xbc: {  	s0 =	sor.u32 s1, s0  }
0xbd: {  	s0 =	sadd.s32 $0x8F2B, s0  }
0xbe: {  	[sflag:s0] =	ssyncadd.remote.s32 $0x1  }
0xbf: {  	_ =	sfence.sel $0xFFFF  }
0xc0: {  	[dreg:$0x0] =	wrdreg $0xFFFFFFFF;
	(pc) =	sbr.abs _section_cstart, $3  }
0xc1: {  	[dreg:$0x1] =	wrdreg $0xFFFFFFFF  }
0xc2: {  	_ =	task.clear_ibuf [dreg:s7], $0x2FFFF;
	_ =	strace $0x9FFFFFFF  }
0xc3: {  	(tm) =	ssettm $0x7FFFFFFF  }
tec
execute0_lowered:
.L_overlay_start_1:
0x0: {  	(tag) =	ssettag $0x1  }
0x1: {  	s7 =	rddreg [dreg:$0x0]  }
0x2: {  	s11 =	rddreg [dreg:$0x1]  }
0x3: {  	s1 =	rddreg [dreg:$0x2]  }
0x4: {  	s2 =	srdreg.scid;
	s3 =	simm.s32 $0x0;
	s0 =	stileid.u32  }
0x5: {  	s20 =	simm.s32 $0x1000;
	s8 =	sand.u32 $0x1, s2;
	s14 =	smul.u32 $0x50000, s0  }
0x6: {  	[smem:$0x7FF] =	sst s3;
	s5 =	sadd.s32 $0x2AC00, s7;
	s30 =	smul.u32 $0x5000, s0  }
0x7: {  	s6 =	sadd.s32 $0x2A600, s7;
	s29 =	sshll.u32 s0, $0x6;
	s25 =	smul.u32 $0x2800, s0  }
0x8: {  	s4 =	sshll.u32 s8, $0x4;
	_ =	strace $0x80000047;
	s9 =	smul.u32 $0x28000, s8  }
0x9: {  	s13 =	ssub.s32 $0x2, s8;
	s8 =	smul.u32 $0x50000, s8;
	s10 =	sor.u32 s0, s4  }
0xa: {  	s4 =	sadd.s32 $0x2600, s7;
	s22 =	sshrl.u32 s13, $0x1;
	s26 =	sshrl.u32 s14, $0x2  }
0xb: {  	s12 =	smul.u32 $0x500, s10;
	s15 =	sadd.s32 s9, s7;
	s23 =	ssub.s32 s13, s22  }
0xc: {  	s28 =	sadd.s32 s26, s1;
	s10 =	smul.u32 $0xA00, s10;
	s14 =	sadd.s32 s30, s8  }
0xd: {  	s13 =	simm.s32 $0x3;
	s22 =	simm.s32 $0x5000;
	s26 =	simm.s32 $0x0  }
0xe: {  	s16 =	sadd.s32 $0x4000, s28;
	s17 =	sadd.s32 $0x8000, s28;
	s18 =	sadd.s32 $0xC000, s28  }
0xf: {  	s19 =	sadd.s32 $0x10000, s28;
	s31 =	sor.u32 $0x800, s14;
	s24 =	sadd.s32 $0x35400, s15  }
0x10: {  	s21 =	sadd.s32 s12, s7;
	s7 =	sor.u32 $0x1C03, s29;
	s8 =	sadd.s32 s11, s10  }
0x11: {  	s14 =	sshrl.u32 s31, $0x3;
	s10 =	smax.u32 s23, $0x1;
	s12 =	sshrl.u32 s28, $0x3  }
0x12: {  	s15 =	sshrl.u32 s17, $0x3;
	s17 =	sshrl.u32 s19, $0x3;
	s19 =	simm.s32 $0x80  }
0x13: {  	s23 =	simm.s32 $0x1;
	s24 =	sadd.s32 s25, s24;
	s25 =	simm.s32 $0x2  }
0x14: {  	s9 =	sadd.s32 $0x2B400, s21;
	s11 =	sadd.s32 s14, s11;
	s14 =	sshrl.u32 s16, $0x3  }
0x15: {  	v0 =	vimm.f32 $1.000000000e+00;
	s16 =	sshrl.u32 s18, $0x3;
	s18 =	simm.s32 $0x1D000;
	s21 =	simm.s32 $0x100  }
.LBB2_1:
0x16: {  	[spmem:s12], [sflag:s7] =	dma.local [hbm:s5], $0x800  }
0x17: {  	_ =	swait.ge [sflag:s13], $0x800  }
0x18: {  	[sflag:s13] =	ssyncset.done $0x0  }
0x19: {  	[sflag:s13] =	ssyncadd.s32 $0xFFFFF800  }
0x1a: {  	[spmem:s14], [sflag:s7] =	dma.local [hbm:s5], $0x800  }
0x1b: {  	_ =	swait.ge [sflag:s13], $0x800  }
0x1c: {  	[sflag:s13] =	ssyncset.done $0x0  }
0x1d: {  	[sflag:s13] =	ssyncadd.s32 $0xFFFFF800  }
0x1e: {  	[spmem:s15], [sflag:s7] =	dma.local [hbm:s5], $0x800  }
0x1f: {  	_ =	swait.ge [sflag:s13], $0x800  }
0x20: {  	[sflag:s13] =	ssyncset.done $0x0  }
0x21: {  	[sflag:s13] =	ssyncadd.s32 $0xFFFFF800  }
0x22: {  	[spmem:s16], [sflag:s7] =	dma.local [hbm:s5], $0x800  }
0x23: {  	_ =	swait.ge [sflag:s13], $0x800  }
0x24: {  	[sflag:s13] =	ssyncset.done $0x0  }
0x25: {  	[sflag:s13] =	ssyncadd.s32 $0xFFFFF800  }
0x26: {  	[spmem:s17], [sflag:s7] =	dma.local [hbm:s5], $0x800  }
0x27: {  	_ =	swait.ge [sflag:s13], $0x800  }
0x28: {  	[sflag:s13] =	ssyncset.done $0x0  }
0x29: {  	[sflag:s13] =	ssyncadd.s32 $0xFFFFF800  }
0x2a: {  	[tilespmem:s18], [sflag:$0x3] =	stream.linear.gather [hbm4b:s6+s3], $0x2800, $0x38;
	[tilespmem:$0x1F800] =	vst v63  }
0x2b: {  	_ =	swait.ge [sflag:s13], $0x2800  }
0x2c: {  	[sflag:s13] =	ssyncset.done $0x0  }
0x2d: {  	[sflag:s13] =	ssyncadd.s32 $0xFFFFD800  }
0x2e: {  	[tilespmem:s3], [sflag:$0x3] =	stream.linear.gather [hbm4b:s8+s3], $0x800, $0x38;
	[tilespmem:$0x1F800] =	vst v63  }
0x2f: {  	_ =	swait.ge [sflag:s13], $0x800  }
0x30: {  	[sflag:s13] =	ssyncset.done $0x0  }
0x31: {  	[sflag:s13] =	ssyncadd.s32 $0xFFFFF800  }
0x32: {  	[tilespmem:s20], [sflag:$0x1] =	stream.indirect.gather [hbm4b:s4+s19], $0x80, s3, s19, $0xb8;
	[tilespmem:$0x1F800] =	vst v63  }
0x33: {  	_ = 	snop  }
0x34: {  	[tilespmem:s22], [sflag:$0x2] =	stream.indirect.gather [hbm4b:s4+s19], $0x80, s21, s19, $0xb8;
	[tilespmem:$0x1F800] =	vst v63  }
0x35: {  	s28 =	smov.u32 s11;
	s29 =	simm.s32 $0x0;
	[bflag:$0x0] =	sbarrier.arrive $0xFFFF  }
.LBB2_2:
0x36: {  	p0 =	seq.s32 s29, $0x4800  }
0x37: {  	s30 =	sand.u32 @!p0 $0x800, s29  }
0x38: {  	s0 =	simm.s32 @!p0 $0x0;
	s31 =	sxor.u32 @!p0 $0x800, s30  }
0x39: {  	[tilespmem:s31], [sflag:$0x3] =	stream.linear.gather @!p0 [hbm4b:s28+s0], $0x800, $0x38;
	[tilespmem:$0x1F800] =	vst v63  }
0x3a: {  	s0 =	simm.s32 @!p0 $0x3  }
0x3b: {  	_ =	swait.ge @!p0 [sflag:s0], $0x800  }
0x3c: {  	[sflag:s0] =	ssyncset.done @!p0 $0x0  }
0x3d: {  	s30 =	simm.s32 @p0 $0x800;
	[sflag:s0] =	ssyncadd.s32 @!p0 $0xFFFFF800  }
0x3e: {  	v1 =	vld [tilespmem:s30+$0x80];
	_ =	sdelay $0x7  }
0x3f: {  	[tilespmem:v1+s18+$0x0] =	vst.idx.add.f32.msk $0xffff, v0  }
0x40: {  	v1 =	vld [tilespmem:s30+$0x90];
	_ =	sdelay $0x7  }
0x41: {  	[tilespmem:v1+s18+$0x0] =	vst.idx.add.f32.msk $0xffff, v0  }
0x42: {  	v1 =	vld [tilespmem:s30+$0xA0];
	_ =	sdelay $0x7  }
0x43: {  	[tilespmem:v1+s18+$0x0] =	vst.idx.add.f32.msk $0xffff, v0  }
0x44: {  	v1 =	vld [tilespmem:s30+$0xB0];
	_ =	sdelay $0x7  }
0x45: {  	[tilespmem:v1+s18+$0x0] =	vst.idx.add.f32.msk $0xffff, v0  }
0x46: {  	v1 =	vld [tilespmem:s30+$0xC0];
	_ =	sdelay $0x7  }
0x47: {  	[tilespmem:v1+s18+$0x0] =	vst.idx.add.f32.msk $0xffff, v0  }
0x48: {  	v1 =	vld [tilespmem:s30+$0xD0];
	_ =	sdelay $0x7  }
0x49: {  	[tilespmem:v1+s18+$0x0] =	vst.idx.add.f32.msk $0xffff, v0  }
0x4a: {  	v1 =	vld [tilespmem:s30+$0xE0];
	_ =	sdelay $0x7  }
0x4b: {  	[tilespmem:v1+s18+$0x0] =	vst.idx.add.f32.msk $0xffff, v0  }
0x4c: {  	v1 =	vld [tilespmem:s30+$0xF0];
	_ =	sdelay $0x7  }
0x4d: {  	[tilespmem:v1+s18+$0x0] =	vst.idx.add.f32.msk $0xffff, v0  }
0x4e: {  	_ =	swait.ge [sflag:s23], $0x4000  }
0x4f: {  	[sflag:s23] =	ssyncset.done $0x0  }
0x50: {  	s31 =	sadd.s32 $0x80, s30;
	[sflag:s23] =	ssyncadd.s32 $0xFFFFC000  }
0x51: {  	[spmem:s1] =	stream.indirect.scatter.add.f32 [tilespmem:s20], [sflag:$0x3], $0x80, s31, s19, $0xb8;
	[tilespmem:$0x1F800] =	vst v63  }
0x52: {  	_ =	swait.ge [sflag:s13], $0x4000  }
0x53: {  	[sflag:s13] =	ssyncset.done $0x0  }
0x54: {  	s2 =	sadd.s32 $0x200, s30;
	[sflag:s13] =	ssyncadd.s32 $0xFFFFC000  }
0x55: {  	[tilespmem:s20], [sflag:$0x1] =	stream.indirect.gather [hbm4b:s4+s19], $0x80, s2, s19, $0xb8;
	[tilespmem:$0x1F800] =	vst v63  }
0x56: {  	v1 =	vld [tilespmem:s30+$0x180];
	_ =	sdelay $0x7  }
0x57: {  	[tilespmem:v1+s18+$0x0] =	vst.idx.add.f32.msk $0xffff, v0  }
0x58: {  	v1 =	vld [tilespmem:s30+$0x190];
	_ =	sdelay $0x7  }
0x59: {  	[tilespmem:v1+s18+$0x0] =	vst.idx.add.f32.msk $0xffff, v0  }
0x5a: {  	v1 =	vld [tilespmem:s30+$0x1A0];
	_ =	sdelay $0x7  }
0x5b: {  	[tilespmem:v1+s18+$0x0] =	vst.idx.add.f32.msk $0xffff, v0  }
0x5c: {  	v1 =	vld [tilespmem:s30+$0x1B0];
	_ =	sdelay $0x7  }
0x5d: {  	[tilespmem:v1+s18+$0x0] =	vst.idx.add.f32.msk $0xffff, v0  }
0x5e: {  	v1 =	vld [tilespmem:s30+$0x1C0];
	_ =	sdelay $0x7  }
0x5f: {  	[tilespmem:v1+s18+$0x0] =	vst.idx.add.f32.msk $0xffff, v0  }
0x60: {  	v1 =	vld [tilespmem:s30+$0x1D0];
	_ =	sdelay $0x7  }
0x61: {  	[tilespmem:v1+s18+$0x0] =	vst.idx.add.f32.msk $0xffff, v0  }
0x62: {  	v1 =	vld [tilespmem:s30+$0x1E0];
	_ =	sdelay $0x7  }
0x63: {  	[tilespmem:v1+s18+$0x0] =	vst.idx.add.f32.msk $0xffff, v0  }
0x64: {  	v1 =	vld [tilespmem:s30+$0x1F0];
	_ =	sdelay $0x7  }
0x65: {  	[tilespmem:v1+s18+$0x0] =	vst.idx.add.f32.msk $0xffff, v0  }
0x66: {  	_ =	swait.ge [sflag:s25], $0x4000  }
0x67: {  	[sflag:s25] =	ssyncset.done $0x0  }
0x68: {  	s31 =	sadd.s32 $0x180, s30;
	[sflag:s25] =	ssyncadd.s32 $0xFFFFC000  }
0x69: {  	[spmem:s1] =	stream.indirect.scatter.add.f32 [tilespmem:s22], [sflag:$0x3], $0x80, s31, s19, $0xb8;
	[tilespmem:$0x1F800] =	vst v63  }
0x6a: {  	_ =	swait.ge [sflag:s13], $0x4000  }
0x6b: {  	[sflag:s13] =	ssyncset.done $0x0  }
0x6c: {  	s2 =	sadd.s32 $0x300, s30;
	[sflag:s13] =	ssyncadd.s32 $0xFFFFC000  }
0x6d: {  	[tilespmem:s22], [sflag:$0x2] =	stream.indirect.gather [hbm4b:s4+s19], $0x80, s2, s19, $0xb8;
	[tilespmem:$0x1F800] =	vst v63  }
0x6e: {  	v1 =	vld [tilespmem:s30+$0x280];
	_ =	sdelay $0x7  }
0x6f: {  	[tilespmem:v1+s18+$0x0] =	vst.idx.add.f32.msk $0xffff, v0  }
0x70: {  	v1 =	vld [tilespmem:s30+$0x290];
	_ =	sdelay $0x7  }
0x71: {  	[tilespmem:v1+s18+$0x0] =	vst.idx.add.f32.msk $0xffff, v0  }
0x72: {  	v1 =	vld [tilespmem:s30+$0x2A0];
	_ =	sdelay $0x7  }
0x73: {  	[tilespmem:v1+s18+$0x0] =	vst.idx.add.f32.msk $0xffff, v0  }
0x74: {  	v1 =	vld [tilespmem:s30+$0x2B0];
	_ =	sdelay $0x7  }
0x75: {  	[tilespmem:v1+s18+$0x0] =	vst.idx.add.f32.msk $0xffff, v0  }
0x76: {  	v1 =	vld [tilespmem:s30+$0x2C0];
	_ =	sdelay $0x7  }
0x77: {  	[tilespmem:v1+s18+$0x0] =	vst.idx.add.f32.msk $0xffff, v0  }
0x78: {  	v1 =	vld [tilespmem:s30+$0x2D0];
	_ =	sdelay $0x7  }
0x79: {  	[tilespmem:v1+s18+$0x0] =	vst.idx.add.f32.msk $0xffff, v0  }
0x7a: {  	v1 =	vld [tilespmem:s30+$0x2E0];
	_ =	sdelay $0x7  }
0x7b: {  	[tilespmem:v1+s18+$0x0] =	vst.idx.add.f32.msk $0xffff, v0  }
0x7c: {  	v1 =	vld [tilespmem:s30+$0x2F0];
	_ =	sdelay $0x7  }
0x7d: {  	[tilespmem:v1+s18+$0x0] =	vst.idx.add.f32.msk $0xffff, v0  }
0x7e: {  	_ =	swait.ge [sflag:s23], $0x4000  }
0x7f: {  	[sflag:s23] =	ssyncset.done $0x0  }
0x80: {  	s31 =	sadd.s32 $0x280, s30;
	[sflag:s23] =	ssyncadd.s32 $0xFFFFC000  }
0x81: {  	[spmem:s1] =	stream.indirect.scatter.add.f32 [tilespmem:s20], [sflag:$0x3], $0x80, s31, s19, $0xb8;
	[tilespmem:$0x1F800] =	vst v63  }
0x82: {  	_ =	swait.ge [sflag:s13], $0x4000  }
0x83: {  	[sflag:s13] =	ssyncset.done $0x0  }
0x84: {  	s2 =	sadd.s32 $0x400, s30;
	[sflag:s13] =	ssyncadd.s32 $0xFFFFC000  }
0x85: {  	[tilespmem:s20], [sflag:$0x1] =	stream.indirect.gather [hbm4b:s4+s19], $0x80, s2, s19, $0xb8;
	[tilespmem:$0x1F800] =	vst v63  }
0x86: {  	v1 =	vld [tilespmem:s30+$0x380];
	_ =	sdelay $0x7  }
0x87: {  	[tilespmem:v1+s18+$0x0] =	vst.idx.add.f32.msk $0xffff, v0  }
0x88: {  	v1 =	vld [tilespmem:s30+$0x390];
	_ =	sdelay $0x7  }
0x89: {  	[tilespmem:v1+s18+$0x0] =	vst.idx.add.f32.msk $0xffff, v0  }
0x8a: {  	v1 =	vld [tilespmem:s30+$0x3A0];
	_ =	sdelay $0x7  }
0x8b: {  	[tilespmem:v1+s18+$0x0] =	vst.idx.add.f32.msk $0xffff, v0  }
0x8c: {  	v1 =	vld [tilespmem:s30+$0x3B0];
	_ =	sdelay $0x7  }
0x8d: {  	[tilespmem:v1+s18+$0x0] =	vst.idx.add.f32.msk $0xffff, v0  }
0x8e: {  	v1 =	vld [tilespmem:s30+$0x3C0];
	_ =	sdelay $0x7  }
0x8f: {  	[tilespmem:v1+s18+$0x0] =	vst.idx.add.f32.msk $0xffff, v0  }
0x90: {  	v1 =	vld [tilespmem:s30+$0x3D0];
	_ =	sdelay $0x7  }
0x91: {  	[tilespmem:v1+s18+$0x0] =	vst.idx.add.f32.msk $0xffff, v0  }
0x92: {  	v1 =	vld [tilespmem:s30+$0x3E0];
	_ =	sdelay $0x7  }
0x93: {  	[tilespmem:v1+s18+$0x0] =	vst.idx.add.f32.msk $0xffff, v0  }
0x94: {  	v1 =	vld [tilespmem:s30+$0x3F0];
	_ =	sdelay $0x7  }
0x95: {  	[tilespmem:v1+s18+$0x0] =	vst.idx.add.f32.msk $0xffff, v0  }
0x96: {  	_ =	swait.ge [sflag:s25], $0x4000  }
0x97: {  	[sflag:s25] =	ssyncset.done $0x0  }
0x98: {  	s31 =	sadd.s32 $0x380, s30;
	[sflag:s25] =	ssyncadd.s32 $0xFFFFC000  }
0x99: {  	[spmem:s1] =	stream.indirect.scatter.add.f32 [tilespmem:s22], [sflag:$0x3], $0x80, s31, s19, $0xb8;
	[tilespmem:$0x1F800] =	vst v63  }
0x9a: {  	_ =	swait.ge [sflag:s13], $0x4000  }
0x9b: {  	[sflag:s13] =	ssyncset.done $0x0  }
0x9c: {  	s2 =	sadd.s32 $0x500, s30;
	[sflag:s13] =	ssyncadd.s32 $0xFFFFC000  }
0x9d: {  	[tilespmem:s22], [sflag:$0x2] =	stream.indirect.gather [hbm4b:s4+s19], $0x80, s2, s19, $0xb8;
	[tilespmem:$0x1F800] =	vst v63  }
0x9e: {  	v1 =	vld [tilespmem:s30+$0x480];
	_ =	sdelay $0x7  }
0x9f: {  	[tilespmem:v1+s18+$0x0] =	vst.idx.add.f32.msk $0xffff, v0  }
0xa0: {  	v1 =	vld [tilespmem:s30+$0x490];
	_ =	sdelay $0x7  }
0xa1: {  	[tilespmem:v1+s18+$0x0] =	vst.idx.add.f32.msk $0xffff, v0  }
0xa2: {  	v1 =	vld [tilespmem:s30+$0x4A0];
	_ =	sdelay $0x7  }
0xa3: {  	[tilespmem:v1+s18+$0x0] =	vst.idx.add.f32.msk $0xffff, v0  }
0xa4: {  	v1 =	vld [tilespmem:s30+$0x4B0];
	_ =	sdelay $0x7  }
0xa5: {  	[tilespmem:v1+s18+$0x0] =	vst.idx.add.f32.msk $0xffff, v0  }
0xa6: {  	v1 =	vld [tilespmem:s30+$0x4C0];
	_ =	sdelay $0x7  }
0xa7: {  	[tilespmem:v1+s18+$0x0] =	vst.idx.add.f32.msk $0xffff, v0  }
0xa8: {  	v1 =	vld [tilespmem:s30+$0x4D0];
	_ =	sdelay $0x7  }
0xa9: {  	[tilespmem:v1+s18+$0x0] =	vst.idx.add.f32.msk $0xffff, v0  }
0xaa: {  	v1 =	vld [tilespmem:s30+$0x4E0];
	_ =	sdelay $0x7  }
0xab: {  	[tilespmem:v1+s18+$0x0] =	vst.idx.add.f32.msk $0xffff, v0  }
0xac: {  	v1 =	vld [tilespmem:s30+$0x4F0];
	_ =	sdelay $0x7  }
0xad: {  	[tilespmem:v1+s18+$0x0] =	vst.idx.add.f32.msk $0xffff, v0  }
0xae: {  	_ =	swait.ge [sflag:s23], $0x4000  }
0xaf: {  	[sflag:s23] =	ssyncset.done $0x0  }
0xb0: {  	s31 =	sadd.s32 $0x480, s30;
	[sflag:s23] =	ssyncadd.s32 $0xFFFFC000  }
0xb1: {  	[spmem:s1] =	stream.indirect.scatter.add.f32 [tilespmem:s20], [sflag:$0x3], $0x80, s31, s19, $0xb8;
	[tilespmem:$0x1F800] =	vst v63  }
0xb2: {  	_ =	swait.ge [sflag:s13], $0x4000  }
0xb3: {  	[sflag:s13] =	ssyncset.done $0x0  }
0xb4: {  	s2 =	sadd.s32 $0x600, s30;
	[sflag:s13] =	ssyncadd.s32 $0xFFFFC000  }
0xb5: {  	[tilespmem:s20], [sflag:$0x1] =	stream.indirect.gather [hbm4b:s4+s19], $0x80, s2, s19, $0xb8;
	[tilespmem:$0x1F800] =	vst v63  }
0xb6: {  	v1 =	vld [tilespmem:s30+$0x580];
	_ =	sdelay $0x7  }
0xb7: {  	[tilespmem:v1+s18+$0x0] =	vst.idx.add.f32.msk $0xffff, v0  }
0xb8: {  	v1 =	vld [tilespmem:s30+$0x590];
	_ =	sdelay $0x7  }
0xb9: {  	[tilespmem:v1+s18+$0x0] =	vst.idx.add.f32.msk $0xffff, v0  }
0xba: {  	v1 =	vld [tilespmem:s30+$0x5A0];
	_ =	sdelay $0x7  }
0xbb: {  	[tilespmem:v1+s18+$0x0] =	vst.idx.add.f32.msk $0xffff, v0  }
0xbc: {  	v1 =	vld [tilespmem:s30+$0x5B0];
	_ =	sdelay $0x7  }
0xbd: {  	[tilespmem:v1+s18+$0x0] =	vst.idx.add.f32.msk $0xffff, v0  }
0xbe: {  	v1 =	vld [tilespmem:s30+$0x5C0];
	_ =	sdelay $0x7  }
0xbf: {  	[tilespmem:v1+s18+$0x0] =	vst.idx.add.f32.msk $0xffff, v0  }
0xc0: {  	v1 =	vld [tilespmem:s30+$0x5D0];
	_ =	sdelay $0x7  }
0xc1: {  	[tilespmem:v1+s18+$0x0] =	vst.idx.add.f32.msk $0xffff, v0  }
0xc2: {  	v1 =	vld [tilespmem:s30+$0x5E0];
	_ =	sdelay $0x7  }
0xc3: {  	[tilespmem:v1+s18+$0x0] =	vst.idx.add.f32.msk $0xffff, v0  }
0xc4: {  	v1 =	vld [tilespmem:s30+$0x5F0];
	_ =	sdelay $0x7  }
0xc5: {  	[tilespmem:v1+s18+$0x0] =	vst.idx.add.f32.msk $0xffff, v0  }
0xc6: {  	_ =	swait.ge [sflag:s25], $0x4000  }
0xc7: {  	[sflag:s25] =	ssyncset.done $0x0  }
0xc8: {  	s31 =	sadd.s32 $0x580, s30;
	[sflag:s25] =	ssyncadd.s32 $0xFFFFC000  }
0xc9: {  	[spmem:s1] =	stream.indirect.scatter.add.f32 [tilespmem:s22], [sflag:$0x3], $0x80, s31, s19, $0xb8;
	[tilespmem:$0x1F800] =	vst v63  }
0xca: {  	_ =	swait.ge [sflag:s13], $0x4000  }
0xcb: {  	[sflag:s13] =	ssyncset.done $0x0  }
0xcc: {  	s2 =	sadd.s32 $0x700, s30;
	[sflag:s13] =	ssyncadd.s32 $0xFFFFC000  }
0xcd: {  	[tilespmem:s22], [sflag:$0x2] =	stream.indirect.gather [hbm4b:s4+s19], $0x80, s2, s19, $0xb8;
	[tilespmem:$0x1F800] =	vst v63  }
0xce: {  	v1 =	vld [tilespmem:s30+$0x680];
	_ =	sdelay $0x7  }
0xcf: {  	[tilespmem:v1+s18+$0x0] =	vst.idx.add.f32.msk $0xffff, v0  }
0xd0: {  	v1 =	vld [tilespmem:s30+$0x690];
	_ =	sdelay $0x7  }
0xd1: {  	[tilespmem:v1+s18+$0x0] =	vst.idx.add.f32.msk $0xffff, v0  }
0xd2: {  	v1 =	vld [tilespmem:s30+$0x6A0];
	_ =	sdelay $0x7  }
0xd3: {  	[tilespmem:v1+s18+$0x0] =	vst.idx.add.f32.msk $0xffff, v0  }
0xd4: {  	v1 =	vld [tilespmem:s30+$0x6B0];
	_ =	sdelay $0x7  }
0xd5: {  	[tilespmem:v1+s18+$0x0] =	vst.idx.add.f32.msk $0xffff, v0  }
0xd6: {  	v1 =	vld [tilespmem:s30+$0x6C0];
	_ =	sdelay $0x7  }
0xd7: {  	[tilespmem:v1+s18+$0x0] =	vst.idx.add.f32.msk $0xffff, v0  }
0xd8: {  	v1 =	vld [tilespmem:s30+$0x6D0];
	_ =	sdelay $0x7  }
0xd9: {  	[tilespmem:v1+s18+$0x0] =	vst.idx.add.f32.msk $0xffff, v0  }
0xda: {  	v1 =	vld [tilespmem:s30+$0x6E0];
	_ =	sdelay $0x7  }
0xdb: {  	[tilespmem:v1+s18+$0x0] =	vst.idx.add.f32.msk $0xffff, v0  }
0xdc: {  	v1 =	vld [tilespmem:s30+$0x6F0];
	_ =	sdelay $0x7  }
0xdd: {  	[tilespmem:v1+s18+$0x0] =	vst.idx.add.f32.msk $0xffff, v0  }
0xde: {  	_ =	swait.ge [sflag:s23], $0x4000  }
0xdf: {  	[sflag:s23] =	ssyncset.done $0x0  }
0xe0: {  	s31 =	sadd.s32 $0x680, s30;
	[sflag:s23] =	ssyncadd.s32 $0xFFFFC000  }
0xe1: {  	[spmem:s1] =	stream.indirect.scatter.add.f32 [tilespmem:s20], [sflag:$0x3], $0x80, s31, s19, $0xb8;
	[tilespmem:$0x1F800] =	vst v63  }
0xe2: {  	_ =	swait.ge [sflag:s13], $0x4000  }
0xe3: {  	s0 =	sxor.u32 @!p0 $0x800, s30;
	[sflag:s13] =	ssyncset.done $0x0  }
0xe4: {  	s2 =	simm.s32 @!p0 $0x1000;
	s31 =	simm.s32 @!p0 $0x80;
	[sflag:s13] =	ssyncadd.s32 $0xFFFFC000  }
0xe5: {  	[tilespmem:s2], [sflag:$0x1] =	stream.indirect.gather @!p0 [hbm4b:s4+s31], $0x80, s0, s31, $0xb8;
	[tilespmem:$0x1F800] =	vst v63  }
0xe6: {  	v1 =	vld [tilespmem:s30+$0x780];
	_ =	sdelay $0x7  }
0xe7: {  	[tilespmem:v1+s18+$0x0] =	vst.idx.add.f32.msk $0xffff, v0  }
0xe8: {  	v1 =	vld [tilespmem:s30+$0x790];
	_ =	sdelay $0x7  }
0xe9: {  	[tilespmem:v1+s18+$0x0] =	vst.idx.add.f32.msk $0xffff, v0  }
0xea: {  	v1 =	vld [tilespmem:s30+$0x7A0];
	_ =	sdelay $0x7  }
0xeb: {  	[tilespmem:v1+s18+$0x0] =	vst.idx.add.f32.msk $0xffff, v0  }
0xec: {  	v1 =	vld [tilespmem:s30+$0x7B0];
	_ =	sdelay $0x7  }
0xed: {  	[tilespmem:v1+s18+$0x0] =	vst.idx.add.f32.msk $0xffff, v0  }
0xee: {  	v1 =	vld [tilespmem:s30+$0x7C0];
	_ =	sdelay $0x7  }
0xef: {  	[tilespmem:v1+s18+$0x0] =	vst.idx.add.f32.msk $0xffff, v0  }
0xf0: {  	v1 =	vld [tilespmem:s30+$0x7D0];
	_ =	sdelay $0x7  }
0xf1: {  	[tilespmem:v1+s18+$0x0] =	vst.idx.add.f32.msk $0xffff, v0  }
0xf2: {  	v1 =	vld [tilespmem:s30+$0x7E0];
	_ =	sdelay $0x7  }
0xf3: {  	[tilespmem:v1+s18+$0x0] =	vst.idx.add.f32.msk $0xffff, v0  }
0xf4: {  	v1 =	vld [tilespmem:s30+$0x7F0];
	_ =	sdelay $0x7  }
0xf5: {  	[tilespmem:v1+s18+$0x0] =	vst.idx.add.f32.msk $0xffff, v0  }
0xf6: {  	s29 =	sadd.s32 @!p0 $0x800, s29;
	_ =	swait.ge [sflag:s25], $0x4000  }
0xf7: {  	p1 =	sne.s32 @!p0 s29, $0x5000;
	[sflag:s25] =	ssyncset.done $0x0  }
0xf8: {  	p1 =	por p0, !p1;
	s2 =	sadd.s32 $0x780, s30;
	[sflag:s25] =	ssyncadd.s32 $0xFFFFC000  }
0xf9: {  	[spmem:s1] =	stream.indirect.scatter.add.f32 [tilespmem:s22], [sflag:$0x3], $0x80, s2, s19, $0xb8;
	[tilespmem:$0x1F800] =	vst v63  }
.Ltmp0:
0xfa: {  	_ = 	snop;
	(pc) =	sbr.rel @!p1 .LBB2_2-.Ltmp0, $4  }
0xfb: {  	_ =	swait.ge [sflag:s13], $0x4000  }
0xfc: {  	s28 =	sadd.s32 @!p0 $0x100, s28;
	[sflag:s13] =	ssyncset.done $0x0  }
0xfd: {  	s0 =	ssub.s32 @!p0 $0x900, s30;
	s2 =	simm.s32 @!p0 $0x5000;
	[sflag:s13] =	ssyncadd.s32 $0xFFFFC000  }
0xfe: {  	[tilespmem:s2], [sflag:$0x2] =	stream.indirect.gather @!p0 [hbm4b:s4+s31], $0x80, s0, s31, $0xb8;
	[tilespmem:$0x1F800] =	vst v63  }
0xff: {  	[hbm4b:s9+s3] =	stream.linear.scatter [tilespmem:s18], [sflag:$0x3], $0x2800, $0x38;
	[tilespmem:$0x1F800] =	vst v63  }
0x100: {  	_ =	swait.ge [sflag:s13], $0x2800  }
0x101: {  	s26 =	sadd.s32 $0x1, s26;
	[sflag:s13] =	ssyncset.done $0x0  }
0x102: {  	p0 =	sne.s32 s26, s10;
	[sflag:s13] =	ssyncadd.s32 $0xFFFFD800  }
.Ltmp1:
0x103: {  	[bflag:$0x0] =	sbarrier.arrive $0xFFFF;
	(pc) =	sbr.rel @p0 .LBB2_1-.Ltmp1, $4  }
0x104: {  	[hbm:s24], [sflag:s7] =	dma.local [spmem:s12], $0x2800  }
0x105: {  	_ =	swait.ge [sflag:s13], $0x2800  }
0x106: {  	[sflag:s13] =	ssyncset.done $0x0  }
0x107: {  	[sflag:s13] =	ssyncadd.s32 $0xFFFFD800  }
0x108: {  	_ =	sfence.sel $0x180000  }
0x109: {  	[bflag:$0x0] =	sbarrier.arrive $0xFFFF  }
0x10a: {  	_ =	strace $0x90000047  }
0x10b: {  	s0 =	stileid.u32;
	[bflag:$0x2] =	sbarrier.arrive $0xFFFF  }
0x10c: {  	p0 =	sne.s32 s0, $0x0;
	s0 =	rddreg [dreg:$0x3]  }
0x10d: {  	s0 =	sadd.s32 @!p0 $0x100000, s0  }
0x10e: {  	[sflag:s0] =	ssyncadd.tile.s32 @!p0 $0x1;
	_ =	shalt  }
.Lfunc_end2:
_tile_overlayer_lowered:
.L_overlay_start_2:
0x10f: {  	(tag) =	ssettag $0x2  }
0x110: {  	s0 =	rddreg [dreg:$0x0];
	s2 =	stileid.u32  }
0x111: {  	s1 =	rddreg [dreg:$0x1];
	p0 =	sne.s32 s2, $0x0  }
0x112: {  	s3 =	rddreg [dreg:$0x2];
	[bflag:$0x3] =	sbarrier.arrive $0xFFFF;
	s2 =	simm.s32 @!p0 $0x1C03  }
0x113: {  	[timem:s3], [sflag:s2] =	dma.local @!p0 [hbm:s0], s1  }
0x114: {  	s0 =	simm.s32 @!p0 $0x3  }
0x115: {  	_ =	swait.ge @!p0 [sflag:s0], s1  }
0x116: {  	s1 =	ssub.s32 @!p0 $0x0, s1;
	[sflag:s0] =	ssyncset.done @!p0 $0x0  }
0x117: {  	[sflag:s0] =	ssyncadd.s32 @!p0 s1  }
0x118: {  	[bflag:$0x3] =	sbarrier.arrive $0xFFFF  }
0x119: {  	_ =	shalt  }

// kernel: kernel.9.cloned.1.call-start
scs
__scs_entry_jumppad:
0x0: {  	(pc) =	sbr.rel $0x88, $3  }
0x1: {  	(tag) =	ssettag $0x0;
	lr =	simm.s32 $0x1  }
0x2: {  	[smem:$0x3F99] =	sst lr;
	_ =	strace $0xD0000000  }
0x3: {  	_ = 	snop  }
0x4: {  	_ = 	snop  }
0x5: {  	_ = 	snop  }
0x6: {  	_ = 	snop  }
0x7: {  	_ = 	snop  }
__scs_overlays_trampoline_lowered:
0x8: {  	[smem:$0x3FA8] =	sst s0  }
0x9: {  	[smem:$0x3FA9] =	sst s1  }
0xa: {  	[smem:$0x3FAA] =	sst s2  }
0xb: {  	[smem:$0x3FAB] =	sst s3  }
0xc: {  	[smem:$0x3FAC] =	sst s4  }
0xd: {  	[smem:$0x3FAD] =	sst s5  }
0xe: {  	[smem:$0x3FAE] =	sst s6  }
0xf: {  	[smem:$0x3FAF] =	sst s7  }
0x10: {  	[smem:$0x3FB0] =	sst s8  }
0x11: {  	[smem:$0x3FB1] =	sst s9;
	s0 =	simm.s32 @!p0 $0x0  }
0x12: {  	s1 =	sld [smem:$0x3F97];
	s0 =	simm.s32 @p0 $0x1  }
0x13: {  	[smem:$0x3FB2] =	sst s0;
	s0 =	simm.s32 @!p1 $0x0  }
0x14: {  	s2 =	sld [smem:$0x3F96];
	s0 =	simm.s32 @p1 $0x1  }
0x15: {  	[smem:$0x3FB3] =	sst s0;
	s0 =	simm.s32 @!p2 $0x0  }
0x16: {  	s3 =	sld [smem:$0x3FDB];
	s0 =	simm.s32 @p2 $0x1  }
0x17: {  	s4 =	simm.s32 $0x1BF5;
	[smem:$0x3FB5] =	sst s0  }
0x18: {  	s0 =	sld [smem:$0x3F98];
	_ =	swait.ge [sflag:s4], $0x0  }
0x19: {  	s7 =	sld [smem:$0x3F99]  }
0x1a: {  	s8 =	sadd.s32 $0xFFFFE003, lr  }
0x1b: {  	s9 =	sadd.s32 $0xFFFFFEF7, lr;
	s5 =	simm.s32 $0xFFFFFFFF;
	p2 =	slt.u32 s8, $0xFFFFF086  }
0x1c: {  	p1 =	slt.u32 s9, $0xF7A;
	s5 =	simm.s32 @!p2 $0x0  }
0x1d: {  	s5 =	simm.s32 @p1 $0x1;
	p0 =	seq.s32 s7, s2  }
0x1e: {  	s7 =	smul.u32 @!p0 $0xF7A, s2;
	p2 =	seq.s32 @!p0 s5, $0x0  }
0x1f: {  	s9 =	smul.u32 $0xF7A, s1;
	s8 =	simm.s32 @!p0 $0x1BF5;
	p2 =	por !p2, p0  }
0x20: {  	[sflag:s8] =	ssyncset.s32 @!p0 $0xFFFFF086;
	s6 =	sadd.s32 @!p0 s3, s7;
	s7 =	simm.s32 @!p0 $0x108  }
0x21: {  	s3 =	sadd.s32 s3, s9;
	s6 =	sadd.s32 @!p0 $0x88, s6;
	s7 =	simm.s32 @p2 $0x1082  }
0x22: {  	[simem:s7], [sflag:s8] =	dma.local @!p0 [hbm:s6], $0xF7A  }
0x23: {  	s9 =	sor.u32 $0xD0000000, s2;
	s6 =	simm.s32 $0x108;
	_ =	swait.ge @!p0 [sflag:s8], $0x0  }
0x24: {  	s3 =	sadd.s32 $0x88, s3;
	s6 =	simm.s32 @!p1 $0x1082;
	[sflag:s4] =	ssyncset.s32 $0xFFFFF086  }
0x25: {  	[simem:s6], [sflag:s4] =	dma.local [hbm:s3], $0xF7A  }
0x26: {  	[smem:$0x3F99] =	sst s1;
	(tag) =	ssettag s2;
	_ =	strace s9  }
0x27: {  	s1 =	sld [smem:$0x3FA9]  }
0x28: {  	s2 =	sld [smem:$0x3FAA]  }
0x29: {  	s4 =	sld [smem:$0x3FAC]  }
0x2a: {  	p0 =	seq.s32 s5, $0x0;
	s5 =	sld [smem:$0x3FAD]  }
0x2b: {  	s6 =	sld [smem:$0x3FAE]  }
0x2c: {  	s7 =	sld [smem:$0x3FAF]  }
0x2d: {  	s3 =	simm.s32 $0x108;
	s8 =	sld [smem:$0x3FB0]  }
0x2e: {  	s3 =	simm.s32 @!p0 $0x1082;
	s9 =	sld [smem:$0x3FB1]  }
0x2f: {  	lr =	sadd.s32 s0, s3;
	s0 =	sld [smem:$0x3FA8]  }
0x30: {  	s3 =	sld [smem:$0x3FAB]  }
0x31: {  	[smem:$0x3FB4] =	sst s10  }
0x32: {  	s10 =	sld [smem:$0x3FB2];
	_ =	sdelay $0x3  }
0x33: {  	p0 =	seq.s32 s10, $0x1;
	s10 =	sld [smem:$0x3FB4];
	_ =	sdelay $0x3  }
0x34: {  	[smem:$0x3FB4] =	sst s10  }
0x35: {  	s10 =	sld [smem:$0x3FB3];
	_ =	sdelay $0x3  }
0x36: {  	p1 =	seq.s32 s10, $0x1;
	s10 =	sld [smem:$0x3FB4];
	_ =	sdelay $0x3  }
0x37: {  	[smem:$0x3FB4] =	sst s10  }
0x38: {  	s10 =	sld [smem:$0x3FB5]  }
0x39: {  	_ = 	snop;
	(pc) =	sbr.ind lr, $3  }
0x3a: {  	_ = 	snop  }
0x3b: {  	_ = 	snop  }
0x3c: {  	p2 =	seq.s32 s10, $0x1;
	s10 =	sld [smem:$0x3FB4]  }
0x3d: {  	_ =	shalt  }
0x3e: {  	_ =	shalt  }
0x3f: {  	_ =	shalt  }
0x40: {  	_ =	shalt  }
0x41: {  	_ =	shalt  }
0x42: {  	_ =	shalt  }
0x43: {  	_ =	shalt  }
0x44: {  	_ =	shalt  }
0x45: {  	_ =	shalt  }
0x46: {  	_ =	shalt  }
0x47: {  	_ =	shalt  }
0x48: {  	_ =	shalt  }
0x49: {  	_ =	shalt  }
0x4a: {  	_ =	shalt  }
0x4b: {  	_ =	shalt  }
0x4c: {  	_ =	shalt  }
0x4d: {  	_ =	shalt  }
0x4e: {  	_ =	shalt  }
0x4f: {  	_ =	shalt  }
0x50: {  	_ =	shalt  }
0x51: {  	_ =	shalt  }
0x52: {  	_ =	shalt  }
0x53: {  	_ =	shalt  }
0x54: {  	_ =	shalt  }
0x55: {  	_ =	shalt  }
0x56: {  	_ =	shalt  }
0x57: {  	_ =	shalt  }
0x58: {  	_ =	shalt  }
0x59: {  	_ =	shalt  }
0x5a: {  	_ =	shalt  }
0x5b: {  	_ =	shalt  }
0x5c: {  	_ =	shalt  }
0x5d: {  	_ =	shalt  }
0x5e: {  	_ =	shalt  }
0x5f: {  	_ =	shalt  }
0x60: {  	_ =	shalt  }
0x61: {  	_ =	shalt  }
0x62: {  	_ =	shalt  }
0x63: {  	_ =	shalt  }
0x64: {  	_ =	shalt  }
0x65: {  	_ =	shalt  }
0x66: {  	_ =	shalt  }
0x67: {  	_ =	shalt  }
0x68: {  	_ =	shalt  }
0x69: {  	_ =	shalt  }
0x6a: {  	_ =	shalt  }
0x6b: {  	_ =	shalt  }
0x6c: {  	_ =	shalt  }
0x6d: {  	_ =	shalt  }
0x6e: {  	_ =	shalt  }
0x6f: {  	_ =	shalt  }
0x70: {  	_ =	shalt  }
0x71: {  	_ =	shalt  }
0x72: {  	_ =	shalt  }
0x73: {  	_ =	shalt  }
0x74: {  	_ =	shalt  }
0x75: {  	_ =	shalt  }
0x76: {  	_ =	shalt  }
0x77: {  	_ =	shalt  }
0x78: {  	_ =	shalt  }
0x79: {  	_ =	shalt  }
0x7a: {  	_ =	shalt  }
0x7b: {  	_ =	shalt  }
0x7c: {  	_ =	shalt  }
0x7d: {  	_ =	shalt  }
0x7e: {  	_ =	shalt  }
0x7f: {  	_ =	shalt  }
0x80: {  	_ =	shalt  }
0x81: {  	_ =	shalt  }
0x82: {  	_ =	shalt  }
0x83: {  	_ =	shalt  }
0x84: {  	_ =	shalt  }
0x85: {  	_ =	shalt  }
0x86: {  	_ =	shalt  }
0x87: {  	_ =	shalt  }
.Lfunc_end0:
.L_simem_size_0:
called_computation.1_lowered:
.L_overlay_start_0:
0x88: {  	s2 =	sld [smem:$0x3FD9]  }
0x89: {  	s3 =	sld [smem:$0x3FFE];
	_ =	sdelay $0x1  }
0x8a: {  	s1 =	srdreg.scid  }
0x8b: {  	s0 =	sand.u32 $0x1, s1  }
0x8c: {  	s17 =	sshll.u32 s0, $0xA;
	s2 =	sadd.s32 s3, s2  }
0x8d: {  	s2 =	sadd.s32 s2, s17  }
0x8e: {  	[smem:$0x3FC0] =	sst s2  }
0x8f: {  	_ = 	snop  }
0x90: {  	s2 =	sld [smem:$0x3FD0];
	(tm) =	ssettm $0x1  }
0x91: {  	s18 =	sld [smem:$0x3FFB];
	_ =	sdelay $0x3  }
0x92: {  	_ =	strace s18  }
0x93: {  	s3 =	sld [smem:$0x3FFC];
	_ =	sdelay $0x3  }
0x94: {  	_ =	strace s3  }
0x95: {  	s3 =	sld [smem:$0x3FFD];
	_ =	sdelay $0x3  }
0x96: {  	_ =	strace s3  }
0x97: {  	_ =	strace $0x8FFFFFFF  }
0x98: {  	s19 =	sld [smem:$0x3FDB];
	_ =	sdelay $0x1  }
0x99: {  	s4 =	simm.s32 $_scs_section_size  }
0x9a: {  	s5 =	simm.s32 $_size__tile_overlayer_lowered;
	s6 =	simm.s32 $_tile_overlayer_lowered  }
0x9b: {  	s22 =	simm.s32 $0x1BFF;
	s21 =	sshll.u32 s6, $0x1;
	s3 =	sadd.s32 s4, s19  }
0x9c: {  	s7 =	simm.s32 $0x0;
	s20 =	sshll.u32 s5, $0x1;
	s5 =	sadd.s32 s21, s3  }
0x9d: {  	[timem:s7], [sflag:s22] =	dma.local [hbm:s5], s20  }
0x9e: {  	_ =	swait.ge [sflag:s22], s20  }
0x9f: {  	s4 =	ssub.s32 $0x0, s20;
	[sflag:s22] =	ssyncset.done $0x0  }
0xa0: {  	[sflag:s22] =	ssyncadd.s32 s4;
	_ =	sdelay $0x1  }
0xa1: {  	s23 =	simm.s32 $0x1B8B  }
0xa2: {  	_ =	swait.ge [sflag:s23], $0x1  }
0xa3: {  	[sflag:s23] =	ssyncset.done $0x0  }
0xa4: {  	s25 =	simm.s32 $0x1B8E;
	s24 =	sld [smem:$0x3FFE];
	[sflag:s23] =	ssyncadd.s32 $0xFFFFFFFF  }
0xa5: {  	s26 =	simm.s32 $execute0_lowered;
	[smem:$0x3FD2] =	sst s25  }
0xa6: {  	s5 =	sshll.u32 s26, $0x1;
	_ =	strace $0x80000049;
	[dreg:$0x1] =	wrdreg $0xFFFFFFFF  }
0xa7: {  	s28 =	simm.s32 $_size_execute0_lowered;
	s3 =	sadd.s32 s3, s5;
	[dreg:$0x0] =	wrdreg $0x0  }
0xa8: {  	s5 =	sshll.u32 s28, $0x1;
	[dreg:$0x2] =	wrdreg s3  }
0xa9: {  	[dreg:$0x3] =	wrdreg s5  }
0xaa: {  	[dreg:$0x4] =	wrdreg $0xC0  }
0xab: {  	_ =	task [dreg:s7], $0x5FFFF  }
0xac: {  	[dreg:$0x1] =	wrdreg $0xFFFFFFFF  }
0xad: {  	[dreg:$0x0] =	wrdreg $0x60  }
0xae: {  	[dreg:$0x2] =	wrdreg s24  }
0xaf: {  	[dreg:$0x3] =	wrdreg s2  }
0xb0: {  	[dreg:$0x4] =	wrdreg $0x90000  }
0xb1: {  	[dreg:$0x5] =	wrdreg $0x9  }
0xb2: {  	_ =	task.clear_ibuf [dreg:s7], $0x6FFFF;
	_ =	strace $0x90000049  }
0xb3: {  	s29 =	simm.s32 $0x9;
	_ =	strace $0x8000004B  }
0xb4: {  	_ =	swait.ge [sflag:s29], $0x1  }
0xb5: {  	[sflag:s29] =	ssyncadd.s32 $0xFFFFFFFF  }
0xb6: {  	_ =	strace $0x9000004B  }
0xb7: {  	_ =	sfence  }
0xb8: {  	s30 =	sld [smem:$0x0];
	_ =	sdelay $0x2  }
0xb9: {  	s31 =	sshll.u32 s1, $0xD;
	s1 =	sshrl.u32 s1, $0x2  }
0xba: {  	s3 =	sand.u32 $0x4000, s31;
	s1 =	sadd.s32 s1, s30  }
0xbb: {  	s0 =	sor.u32 s3, s0;
	s1 =	sshll.u32 s1, $0x11  }
0xbc: {  	s0 =	sor.u32 s1, s0  }
0xbd: {  	s0 =	sadd.s32 $0x8F2B, s0  }
0xbe: {  	[sflag:s0] =	ssyncadd.remote.s32 $0x1  }
0xbf: {  	_ =	sfence.sel $0xFFFF  }
0xc0: {  	[dreg:$0x0] =	wrdreg $0xFFFFFFFF;
	(pc) =	sbr.abs _section_cstart, $3  }
0xc1: {  	[dreg:$0x1] =	wrdreg $0xFFFFFFFF  }
0xc2: {  	_ =	task.clear_ibuf [dreg:s7], $0x2FFFF;
	_ =	strace $0x9FFFFFFF  }
0xc3: {  	(tm) =	ssettm $0x7FFFFFFF  }
tec
execute0_lowered:
.L_overlay_start_1:
0x0: {  	(tag) =	ssettag $0x1  }
0x1: {  	s6 =	rddreg [dreg:$0x0]  }
0x2: {  	s9 =	rddreg [dreg:$0x1]  }
0x3: {  	s1 =	rddreg [dreg:$0x2]  }
0x4: {  	s0 =	rddreg [dreg:$0x3];
	s2 =	simm.s32 $0x0;
	s3 =	srdreg.scid  }
0x5: {  	s18 =	simm.s32 $0x100;
	s19 =	simm.s32 $0x5000;
	s7 =	sand.u32 $0x1, s3  }
0x6: {  	s20 =	simm.s32 $0x1;
	s3 =	stileid.u32;
	s8 =	smul.u32 $0x28000, s7  }
0x7: {  	s21 =	simm.s32 $0x2;
	[smem:$0x7FF] =	sst s2;
	s13 =	smul.u32 $0x50000, s3  }
0x8: {  	s10 =	ssub.s32 $0x2, s7;
	s12 =	sshll.u32 s7, $0x4;
	s7 =	smul.u32 $0x50000, s7  }
0x9: {  	s4 =	sadd.s32 $0x2600, s6;
	s5 =	sadd.s32 $0x2AC00, s6;
	s29 =	smul.u32 $0x5000, s3  }
0xa: {  	_ =	strace $0x8000004A;
	s28 =	sshll.u32 s3, $0x6;
	s23 =	smul.u32 $0x2800, s3  }
0xb: {  	s11 =	sshrl.u32 s10, $0x1;
	s25 =	sor.u32 s3, s12;
	s8 =	sadd.s32 s8, s6  }
0xc: {  	s10 =	ssub.s32 s10, s11;
	s26 =	sshrl.u32 s13, $0x2;
	s6 =	sor.u32 $0x1C03, s28  }
0xd: {  	s11 =	smul.u32 $0xA00, s25;
	s12 =	sadd.s32 s29, s7;
	s13 =	sadd.s32 s26, s1  }
0xe: {  	s22 =	sadd.s32 $0x2B400, s8;
	s30 =	sor.u32 $0x800, s12;
	s8 =	smax.u32 s10, $0x1  }
0xf: {  	s14 =	sadd.s32 $0x4000, s13;
	s15 =	sadd.s32 $0x8000, s13;
	s16 =	sadd.s32 $0xC000, s13  }
.Ltmp0:
0x10: {  	s17 =	sadd.s32 $0x10000, s13;
	s7 =	sadd.s32 s9, s11;
	(pc) =	sbr.rel .LBB2_1-.Ltmp0, $4  }
0x11: {  	s31 =	sshrl.u32 s30, $0x3;
	s10 =	sshrl.u32 s13, $0x3;
	s11 =	simm.s32 $0x3  }
0x12: {  	s22 =	sadd.s32 s23, s22;
	s23 =	simm.s32 $0x0;
	s9 =	sadd.s32 s31, s9  }
0x13: {  	s12 =	sshrl.u32 s14, $0x3;
	s13 =	sshrl.u32 s15, $0x3;
	s14 =	sshrl.u32 s16, $0x3  }
0x14: {  	s15 =	sshrl.u32 s17, $0x3;
	s16 =	simm.s32 $0x80;
	s17 =	simm.s32 $0x1000  }
.LBB2_3:
0x15: {  	_ =	swait.ge [sflag:s21], $0x4000  }
0x16: {  	[sflag:s21] =	ssyncset.done $0x0  }
0x17: {  	s24 =	sadd.s32 $0x780, s26;
	[sflag:s21] =	ssyncadd.s32 $0xFFFFC000  }
0x18: {  	[spmem:s1] =	stream.indirect.scatter.add.f32 [tilespmem:s19], [sflag:$0x3], $0x80, s24, s16, $0xb8;
	[tilespmem:$0x1D000] =	vst v63  }
0x19: {  	_ =	swait.ge [sflag:s11], $0x4000  }
0x1a: {  	[sflag:s11] =	ssyncset.done $0x0  }
0x1b: {  	[sflag:s11] =	ssyncadd.s32 $0xFFFFC000  }
.LBB2_5:
0x1c: {  	s23 =	sadd.s32 $0x1, s23  }
0x1d: {  	p0 =	sne.s32 s23, s8  }
.Ltmp1:
0x1e: {  	[bflag:$0x0] =	sbarrier.arrive $0xFFFF;
	(pc) =	sbr.rel @!p0 .LBB2_6-.Ltmp1, $4  }
0x1f: {  	[hbm:s22], [sflag:s6] =	dma.local [spmem:s10], $0x2800  }
0x20: {  	_ =	swait.ge [sflag:s11], $0x2800  }
0x21: {  	[sflag:s11] =	ssyncset.done $0x0  }
0x22: {  	[sflag:s11] =	ssyncadd.s32 $0xFFFFD800  }
.LBB2_1:
0x23: {  	[spmem:s10], [sflag:s6] =	dma.local [hbm:s5], $0x800  }
0x24: {  	_ =	swait.ge [sflag:s11], $0x800  }
0x25: {  	[sflag:s11] =	ssyncset.done $0x0  }
0x26: {  	[sflag:s11] =	ssyncadd.s32 $0xFFFFF800  }
0x27: {  	[spmem:s12], [sflag:s6] =	dma.local [hbm:s5], $0x800  }
0x28: {  	_ =	swait.ge [sflag:s11], $0x800  }
0x29: {  	[sflag:s11] =	ssyncset.done $0x0  }
0x2a: {  	[sflag:s11] =	ssyncadd.s32 $0xFFFFF800  }
0x2b: {  	[spmem:s13], [sflag:s6] =	dma.local [hbm:s5], $0x800  }
0x2c: {  	_ =	swait.ge [sflag:s11], $0x800  }
0x2d: {  	[sflag:s11] =	ssyncset.done $0x0  }
0x2e: {  	[sflag:s11] =	ssyncadd.s32 $0xFFFFF800  }
0x2f: {  	[spmem:s14], [sflag:s6] =	dma.local [hbm:s5], $0x800  }
0x30: {  	_ =	swait.ge [sflag:s11], $0x800  }
0x31: {  	[sflag:s11] =	ssyncset.done $0x0  }
0x32: {  	[sflag:s11] =	ssyncadd.s32 $0xFFFFF800  }
0x33: {  	[spmem:s15], [sflag:s6] =	dma.local [hbm:s5], $0x800  }
0x34: {  	_ =	swait.ge [sflag:s11], $0x800  }
0x35: {  	[sflag:s11] =	ssyncset.done $0x0  }
0x36: {  	[sflag:s11] =	ssyncadd.s32 $0xFFFFF800  }
0x37: {  	[tilespmem:s2], [sflag:$0x3] =	stream.linear.gather [hbm4b:s7+s2], $0x800, $0x38;
	[tilespmem:$0x1D000] =	vst v63  }
0x38: {  	_ =	swait.ge [sflag:s11], $0x800  }
0x39: {  	[sflag:s11] =	ssyncset.done $0x0  }
0x3a: {  	[sflag:s11] =	ssyncadd.s32 $0xFFFFF800  }
0x3b: {  	[tilespmem:s17], [sflag:$0x1] =	stream.indirect.gather [hbm4b:s4+s16], $0x80, s2, s16, $0xb8;
	[tilespmem:$0x1D000] =	vst v63  }
0x3c: {  	_ = 	snop  }
0x3d: {  	[tilespmem:s19], [sflag:$0x2] =	stream.indirect.gather [hbm4b:s4+s16], $0x80, s18, s16, $0xb8;
	[tilespmem:$0x1D000] =	vst v63  }
0x3e: {  	s24 =	smov.u32 s9;
	s25 =	simm.s32 $0x0;
	[bflag:$0x0] =	sbarrier.arrive $0xFFFF  }
.LBB2_2:
0x3f: {  	p0 =	seq.s32 s25, $0x4800  }
0x40: {  	s26 =	sand.u32 @!p0 $0x800, s25  }
0x41: {  	s29 =	simm.s32 @!p0 $0x0;
	s28 =	sxor.u32 @!p0 $0x800, s26  }
0x42: {  	[tilespmem:s28], [sflag:$0x3] =	stream.linear.gather @!p0 [hbm4b:s24+s29], $0x800, $0x38;
	[tilespmem:$0x1D000] =	vst v63  }
0x43: {  	s28 =	simm.s32 @!p0 $0x3  }
0x44: {  	_ =	swait.ge @!p0 [sflag:s28], $0x800  }
0x45: {  	[sflag:s28] =	ssyncset.done @!p0 $0x0  }
0x46: {  	[sflag:s28] =	ssyncadd.s32 @!p0 $0xFFFFF800  }
0x47: {  	_ =	swait.ge [sflag:s20], $0x4000  }
0x48: {  	s26 =	simm.s32 @p0 $0x800;
	[sflag:s20] =	ssyncset.done $0x0  }
0x49: {  	s31 =	sadd.s32 $0x80, s26;
	[sflag:s20] =	ssyncadd.s32 $0xFFFFC000  }
0x4a: {  	[spmem:s1] =	stream.indirect.scatter.add.f32 [tilespmem:s17], [sflag:$0x3], $0x80, s31, s16, $0xb8;
	[tilespmem:$0x1D000] =	vst v63  }
0x4b: {  	_ =	swait.ge [sflag:s11], $0x4000  }
0x4c: {  	[sflag:s11] =	ssyncset.done $0x0  }
0x4d: {  	s29 =	sadd.s32 $0x200, s26;
	[sflag:s11] =	ssyncadd.s32 $0xFFFFC000  }
0x4e: {  	[tilespmem:s17], [sflag:$0x1] =	stream.indirect.gather [hbm4b:s4+s16], $0x80, s29, s16, $0xb8;
	[tilespmem:$0x1D000] =	vst v63  }
0x4f: {  	_ =	swait.ge [sflag:s21], $0x4000  }
0x50: {  	[sflag:s21] =	ssyncset.done $0x0  }
0x51: {  	s30 =	sadd.s32 $0x180, s26;
	[sflag:s21] =	ssyncadd.s32 $0xFFFFC000  }
0x52: {  	[spmem:s1] =	stream.indirect.scatter.add.f32 [tilespmem:s19], [sflag:$0x3], $0x80, s30, s16, $0xb8;
	[tilespmem:$0x1D000] =	vst v63  }
0x53: {  	_ =	swait.ge [sflag:s11], $0x4000  }
0x54: {  	[sflag:s11] =	ssyncset.done $0x0  }
0x55: {  	s31 =	sadd.s32 $0x300, s26;
	[sflag:s11] =	ssyncadd.s32 $0xFFFFC000  }
0x56: {  	[tilespmem:s19], [sflag:$0x2] =	stream.indirect.gather [hbm4b:s4+s16], $0x80, s31, s16, $0xb8;
	[tilespmem:$0x1D000] =	vst v63  }
0x57: {  	_ =	swait.ge [sflag:s20], $0x4000  }
0x58: {  	[sflag:s20] =	ssyncset.done $0x0  }
0x59: {  	s29 =	sadd.s32 $0x280, s26;
	[sflag:s20] =	ssyncadd.s32 $0xFFFFC000  }
0x5a: {  	[spmem:s1] =	stream.indirect.scatter.add.f32 [tilespmem:s17], [sflag:$0x3], $0x80, s29, s16, $0xb8;
	[tilespmem:$0x1D000] =	vst v63  }
0x5b: {  	_ =	swait.ge [sflag:s11], $0x4000  }
0x5c: {  	[sflag:s11] =	ssyncset.done $0x0  }
0x5d: {  	s30 =	sadd.s32 $0x400, s26;
	[sflag:s11] =	ssyncadd.s32 $0xFFFFC000  }
0x5e: {  	[tilespmem:s17], [sflag:$0x1] =	stream.indirect.gather [hbm4b:s4+s16], $0x80, s30, s16, $0xb8;
	[tilespmem:$0x1D000] =	vst v63  }
0x5f: {  	_ =	swait.ge [sflag:s21], $0x4000  }
0x60: {  	[sflag:s21] =	ssyncset.done $0x0  }
0x61: {  	s31 =	sadd.s32 $0x380, s26;
	[sflag:s21] =	ssyncadd.s32 $0xFFFFC000  }
0x62: {  	[spmem:s1] =	stream.indirect.scatter.add.f32 [tilespmem:s19], [sflag:$0x3], $0x80, s31, s16, $0xb8;
	[tilespmem:$0x1D000] =	vst v63  }
0x63: {  	_ =	swait.ge [sflag:s11], $0x4000  }
0x64: {  	[sflag:s11] =	ssyncset.done $0x0  }
0x65: {  	s29 =	sadd.s32 $0x500, s26;
	[sflag:s11] =	ssyncadd.s32 $0xFFFFC000  }
0x66: {  	[tilespmem:s19], [sflag:$0x2] =	stream.indirect.gather [hbm4b:s4+s16], $0x80, s29, s16, $0xb8;
	[tilespmem:$0x1D000] =	vst v63  }
0x67: {  	_ =	swait.ge [sflag:s20], $0x4000  }
0x68: {  	[sflag:s20] =	ssyncset.done $0x0  }
0x69: {  	s30 =	sadd.s32 $0x480, s26;
	[sflag:s20] =	ssyncadd.s32 $0xFFFFC000  }
0x6a: {  	[spmem:s1] =	stream.indirect.scatter.add.f32 [tilespmem:s17], [sflag:$0x3], $0x80, s30, s16, $0xb8;
	[tilespmem:$0x1D000] =	vst v63  }
0x6b: {  	_ =	swait.ge [sflag:s11], $0x4000  }
0x6c: {  	[sflag:s11] =	ssyncset.done $0x0  }
0x6d: {  	s31 =	sadd.s32 $0x600, s26;
	[sflag:s11] =	ssyncadd.s32 $0xFFFFC000  }
0x6e: {  	[tilespmem:s17], [sflag:$0x1] =	stream.indirect.gather [hbm4b:s4+s16], $0x80, s31, s16, $0xb8;
	[tilespmem:$0x1D000] =	vst v63  }
0x6f: {  	_ =	swait.ge [sflag:s21], $0x4000  }
0x70: {  	[sflag:s21] =	ssyncset.done $0x0  }
0x71: {  	s29 =	sadd.s32 $0x580, s26;
	[sflag:s21] =	ssyncadd.s32 $0xFFFFC000  }
0x72: {  	[spmem:s1] =	stream.indirect.scatter.add.f32 [tilespmem:s19], [sflag:$0x3], $0x80, s29, s16, $0xb8;
	[tilespmem:$0x1D000] =	vst v63  }
0x73: {  	_ =	swait.ge [sflag:s11], $0x4000  }
0x74: {  	[sflag:s11] =	ssyncset.done $0x0  }
0x75: {  	s30 =	sadd.s32 $0x700, s26;
	[sflag:s11] =	ssyncadd.s32 $0xFFFFC000  }
0x76: {  	[tilespmem:s19], [sflag:$0x2] =	stream.indirect.gather [hbm4b:s4+s16], $0x80, s30, s16, $0xb8;
	[tilespmem:$0x1D000] =	vst v63  }
0x77: {  	_ =	swait.ge [sflag:s20], $0x4000  }
0x78: {  	p0 =	sne.s32 s25, $0x4800;
	[sflag:s20] =	ssyncset.done $0x0  }
.Ltmp2:
0x79: {  	s31 =	sadd.s32 $0x680, s26;
	[sflag:s20] =	ssyncadd.s32 $0xFFFFC000;
	(pc) =	sbr.rel @!p0 .LBB2_3-.Ltmp2, $4  }
0x7a: {  	[spmem:s1] =	stream.indirect.scatter.add.f32 [tilespmem:s17], [sflag:$0x3], $0x80, s31, s16, $0xb8;
	[tilespmem:$0x1D000] =	vst v63  }
0x7b: {  	_ =	swait.ge [sflag:s11], $0x4000  }
0x7c: {  	[sflag:s11] =	ssyncset.done $0x0  }
0x7d: {  	[sflag:s11] =	ssyncadd.s32 $0xFFFFC000  }
0x7e: {  	s28 =	sxor.u32 $0x800, s26  }
0x7f: {  	[tilespmem:s17], [sflag:$0x1] =	stream.indirect.gather [hbm4b:s4+s16], $0x80, s28, s16, $0xb8;
	[tilespmem:$0x1D000] =	vst v63  }
0x80: {  	_ =	swait.ge [sflag:s21], $0x4000  }
0x81: {  	s25 =	sadd.s32 $0x800, s25;
	[sflag:s21] =	ssyncset.done $0x0  }
0x82: {  	s30 =	sadd.s32 $0x780, s26;
	p0 =	sne.s32 s25, $0x5000;
	[sflag:s21] =	ssyncadd.s32 $0xFFFFC000  }
0x83: {  	[spmem:s1] =	stream.indirect.scatter.add.f32 [tilespmem:s19], [sflag:$0x3], $0x80, s30, s16, $0xb8;
	[tilespmem:$0x1D000] =	vst v63  }
.Ltmp3:
0x84: {  	_ = 	snop;
	(pc) =	sbr.rel @p0 .LBB2_2-.Ltmp3, $4  }
.Ltmp4:
0x85: {  	_ =	swait.ge [sflag:s11], $0x4000;
	(pc) =	sbr.rel @!p0 .LBB2_5-.Ltmp4, $4  }
0x86: {  	[sflag:s11] =	ssyncset.done $0x0  }
0x87: {  	s31 =	ssub.s32 $0x900, s26;
	s24 =	sadd.s32 $0x100, s24;
	[sflag:s11] =	ssyncadd.s32 $0xFFFFC000  }
0x88: {  	[tilespmem:s19], [sflag:$0x2] =	stream.indirect.gather [hbm4b:s4+s16], $0x80, s31, s16, $0xb8;
	[tilespmem:$0x1D000] =	vst v63  }
0x89: {  	_ = 	snop  }
.LBB2_6:
0x8a: {  	_ =	sfence.sel $0x180000  }
0x8b: {  	[bflag:$0x0] =	sbarrier.arrive $0xFFFF  }
0x8c: {  	p0 =	sne.s32 s3, $0x0;
	_ =	strace $0x9000004A  }
0x8d: {  	s0 =	sadd.s32 @!p0 $0x100000, s0;
	[bflag:$0x2] =	sbarrier.arrive $0xFFFF  }
0x8e: {  	[sflag:s0] =	ssyncadd.tile.s32 @!p0 $0x1;
	_ =	shalt  }
.Lfunc_end2:
_tile_overlayer_lowered:
.L_overlay_start_2:
0x8f: {  	(tag) =	ssettag $0x2  }
0x90: {  	s0 =	rddreg [dreg:$0x0];
	s2 =	stileid.u32  }
0x91: {  	s1 =	rddreg [dreg:$0x1];
	p0 =	sne.s32 s2, $0x0  }
0x92: {  	s3 =	rddreg [dreg:$0x2];
	[bflag:$0x3] =	sbarrier.arrive $0xFFFF;
	s2 =	simm.s32 @!p0 $0x1C03  }
0x93: {  	[timem:s3], [sflag:s2] =	dma.local @!p0 [hbm:s0], s1  }
0x94: {  	s0 =	simm.s32 @!p0 $0x3  }
0x95: {  	_ =	swait.ge @!p0 [sflag:s0], s1  }
0x96: {  	s1 =	ssub.s32 @!p0 $0x0, s1;
	[sflag:s0] =	ssyncset.done @!p0 $0x0  }
0x97: {  	[sflag:s0] =	ssyncadd.s32 @!p0 s1  }
0x98: {  	[bflag:$0x3] =	sbarrier.arrive $0xFFFF  }
0x99: {  	_ =	shalt  }

</sc_bundles>
